<compile_context>
chip_gen: v7x
topology: tpu7x:2x2x1
jax: 0.10.2.dev20260603
libtpu: 0.0.44.dev20260713+nightly
codegen_flags: <defaults>
</compile_context>

<pallas_src>
import functools

import jax
import jax.numpy as jnp
from jax import lax
from jax.experimental import pallas as pl
from jax.experimental.pallas import tpu as pltpu
from jax.experimental.pallas import tpu_sc as plsc

NC = 2
NS = 16
L = 16
NW = NC * NS

K_EDGE = 128
NB = 2
ZR = 64
BM = 2000

S_CHUNKS = 160
SPLIT_DEG = (96, 64)

SC0_CHUNKS = 152
SC1_CHUNKS = 8
SC1_TILES = 16
N_ROWS_SCAT = NS * SC0_CHUNKS + SC1_TILES * SC1_CHUNKS


def _mesh():
    return plsc.VectorSubcoreMesh(
        core_axis_name="c", subcore_axis_name="s", num_cores=NC, num_subcores=NS
    )


@functools.lru_cache(None)
def _make_deg_kernel(n0, n1, n_pad, K):
    rpt = n_pad // NS
    QD = 8
    nmax = max(n0, n1)

    @functools.partial(
        pl.kernel,
        out_type=jax.ShapeDtypeStruct((NC, n_pad, L), jnp.float32),
        mesh=_mesh(),
        scratch_types=[
            pltpu.VMEM((nmax, K), jnp.int32),
            pltpu.VMEM((K, L), jnp.float32),
            pltpu.VMEM((ZR, L), jnp.float32),
            pltpu.VMEM_SHARED((n_pad, L), jnp.float32),
            pltpu.SemaphoreType.DMA,
        ],
        compiler_params=pltpu.CompilerParams(use_tc_tiling_on_sc=False),
    )
    def deg_kernel(dst_hbm, out_hbm, dst_t, ones_v, zero_v, acc_sh, ssc):
        cid = lax.axis_index("c")
        sid = lax.axis_index("s")
        is0 = cid == 0
        my_n = jnp.where(is0, n0, n1)
        row_base = jnp.where(is0, sid * n0, NS * n0 + sid * n1)

        pltpu.sync_copy(dst_hbm.at[pl.ds(row_base, nmax)], dst_t)

        def fill_ones(r, _):
            ones_v[r, :] = jnp.full((L,), 1.0, jnp.float32)
            return 0

        lax.fori_loop(0, K, fill_ones, 0)

        def fill_zero(r, _):
            zero_v[r, :] = jnp.zeros((L,), jnp.float32)
            return 0

        lax.fori_loop(0, ZR, fill_zero, 0)

        base = sid * rpt

        def zero_acc(i, _):
            pltpu.sync_copy(zero_v, acc_sh.at[pl.ds(base + i * ZR, ZR)])
            return 0

        lax.fori_loop(0, rpt // ZR, zero_acc, 0)
        plsc.subcore_barrier()

        for j in range(QD):
            pltpu.async_copy(ones_v, acc_sh.at[dst_t.at[j]], ssc, add=True)

        def body(ci, _):
            pltpu.make_async_copy(ones_v, acc_sh.at[dst_t.at[ci]], ssc).wait()
            pltpu.async_copy(ones_v, acc_sh.at[dst_t.at[ci + QD]], ssc, add=True)
            return 0

        lax.fori_loop(0, my_n - QD, body, 0)

        def drain(j, _):
            pltpu.make_async_copy(
                ones_v, acc_sh.at[dst_t.at[my_n - QD + j]], ssc
            ).wait()
            return 0

        lax.fori_loop(0, QD, drain, 0)
        plsc.subcore_barrier()
        pltpu.sync_copy(
            acc_sh.at[pl.ds(base, rpt)], out_hbm.at[cid, pl.ds(base, rpt)]
        )

    return deg_kernel


@functools.lru_cache(None)
def _make_scatter_kernel(width, n_pad, K):
    rpt = n_pad // NS
    PC = SC0_CHUNKS

    @functools.partial(
        pl.kernel,
        out_type=jax.ShapeDtypeStruct((NC, n_pad, width), jnp.float32),
        mesh=_mesh(),
        scratch_types=[
            pltpu.VMEM((PC, K), jnp.int32),
            pltpu.VMEM((PC, K), jnp.int32),
            pltpu.VMEM((2 * NB, K, width), jnp.float32),
            pltpu.VMEM((ZR, width), jnp.float32),
            pltpu.VMEM_SHARED((n_pad, width), jnp.float32),
        ]
        + [pltpu.SemaphoreType.DMA] * (2 * NB)
        + [pltpu.SemaphoreType.DMA],
        compiler_params=pltpu.CompilerParams(use_tc_tiling_on_sc=False),
    )
    def scatter_kernel(
        g_hbm, src_hbm, dst_hbm, out_hbm, src_t, dst_t, rows_v, zero_v, acc_sh, *sems
    ):
        sg = sems[: 2 * NB]
        ssc = sems[2 * NB]
        cid = lax.axis_index("c")
        sid = lax.axis_index("s")
        is0 = cid == 0
        active1 = jnp.logical_and(cid == 1, sid < SC1_TILES)
        my_n = jnp.where(is0, SC0_CHUNKS, jnp.where(active1, SC1_CHUNKS, 0))
        row_base = jnp.where(
            is0,
            sid * SC0_CHUNKS,
            jnp.where(active1, NS * SC0_CHUNKS + sid * SC1_CHUNKS, N_ROWS_SCAT),
        )

        def gather(ci, b):
            pltpu.async_copy(g_hbm.at[src_t.at[ci]], rows_v.at[b], sg[b])

        def gather_wait(ci, b):
            pltpu.make_async_copy(g_hbm.at[src_t.at[ci]], rows_v.at[b], sg[b]).wait()

        def scat(ci, b):
            pltpu.async_copy(rows_v.at[b], acc_sh.at[dst_t.at[ci]], ssc, add=True)

        def scat_wait(ci, b):
            pltpu.make_async_copy(rows_v.at[b], acc_sh.at[dst_t.at[ci]], ssc).wait()

        def fill_zero(r, _):
            for c in range(width // L):
                zero_v[r, pl.ds(c * L, L)] = jnp.zeros((L,), jnp.float32)
            return 0

        lax.fori_loop(0, ZR, fill_zero, 0)

        base = sid * rpt

        def zero_acc(i, _):
            pltpu.sync_copy(zero_v, acc_sh.at[pl.ds(base + i * ZR, ZR)])
            return 0

        lax.fori_loop(0, rpt // ZR, zero_acc, 0)
        plsc.subcore_barrier()

        def do_phase(phase, pn):
            prow = row_base + phase * pn0
            pltpu.sync_copy(src_hbm.at[pl.ds(prow, PC)], src_t)
            pltpu.sync_copy(dst_hbm.at[pl.ds(prow, PC)], dst_t)
            my_groups = pn // NB

            @pl.when(pn > 0)
            def _():
                for b in range(NB):
                    gather(b, b)

            def pair(pi, _):
                for p in (0, 1):
                    gi = 2 * pi + p
                    o = p * NB
                    oo = (1 - p) * NB
                    @pl.when(gi > 0)
                    def _():
                        for b in range(NB):
                            scat_wait(NB * (gi - 1) + b, oo + b)

                    @pl.when(gi + 1 < my_groups)
                    def _():
                        for b in range(NB):
                            gather(NB * (gi + 1) + b, oo + b)

                    for b in range(NB):
                        gather_wait(NB * gi + b, o + b)
                        scat(NB * gi + b, o + b)
                return 0

            lax.fori_loop(0, my_groups // 2, pair, 0)

            @pl.when(pn > 0)
            def _():
                for b in range(NB):
                    scat_wait(NB * (my_groups - 1) + b, NB + b)

        pn0 = jnp.where(is0, PC, SC1_CHUNKS)
        do_phase(0, pn0)

        plsc.subcore_barrier()
        pltpu.sync_copy(
            acc_sh.at[pl.ds(base, rpt)], out_hbm.at[cid, pl.ds(base, rpt)]
        )

    return scatter_kernel


def _tc1_body(x_ref, w_ref, d0_ref, d1_ref, g_ref, dinv_ref):
    deg = d0_ref[...] + d1_ref[...] + 1.0
    dinv = lax.rsqrt(jnp.maximum(deg, 1.0))
    h = jnp.dot(x_ref[...], w_ref[...], preferred_element_type=jnp.float32)
    g_ref[...] = h * dinv
    dinv_ref[...] = dinv


def _tc2_body(s0_ref, s1_ref, g_ref, dinv_ref, b_ref, w_ref, out_ref):
    dinv = dinv_ref[...]
    h = dinv * (s0_ref[...] + s1_ref[...] + g_ref[...]) + b_ref[...]
    h = jnp.maximum(h, 0.0)
    out_ref[...] = (
        jnp.dot(h, w_ref[...], preferred_element_type=jnp.float32) * dinv
    )


def _tc3_body(s0_ref, s1_ref, g_ref, dinv_ref, b_ref, out_ref):
    out_ref[...] = (
        dinv_ref[...] * (s0_ref[...] + s1_ref[...] + g_ref[...]) + b_ref[...]
    )


def kernel(x, edge_index, W1, b1, W2, b2):
    N, D = x.shape
    H = W1.shape[1]
    C = W2.shape[1]
    E = edge_index.shape[1]

    n_pad = -(-N // (NS * ZR)) * (NS * ZR)
    Cp = -(-C // L) * L

    n_rows = N_ROWS_SCAT
    assert NS * sum(SPLIT_DEG) == n_rows
    pad_rows = max(SC0_CHUNKS, *SPLIT_DEG)
    Et = (n_rows + pad_rows) * K_EDGE
    assert n_rows * K_EDGE >= E

    src = edge_index[0]
    dst = edge_index[1]
    ar = jnp.arange(Et - E, dtype=src.dtype)
    src = jnp.concatenate([src, ar % N])
    dst = jnp.concatenate([dst, N + (ar % (n_pad - N))])
    src2d = src.reshape(n_rows + pad_rows, K_EDGE)
    dst2d = dst.reshape(n_rows + pad_rows, K_EDGE)

    degp = _make_deg_kernel(*SPLIT_DEG, n_pad, K_EDGE)(dst2d)
    d0 = degp[0, :N, 0:1]
    d1 = degp[1, :N, 0:1]

    grid = (N // BM,)
    g1, dinv = pl.pallas_call(
        _tc1_body,
        grid=grid,
        in_specs=[
            pl.BlockSpec((BM, D), lambda i: (i, 0)),
            pl.BlockSpec((D, H), lambda i: (0, 0)),
            pl.BlockSpec((BM, 1), lambda i: (i, 0)),
            pl.BlockSpec((BM, 1), lambda i: (i, 0)),
        ],
        out_specs=[
            pl.BlockSpec((BM, H), lambda i: (i, 0)),
            pl.BlockSpec((BM, 1), lambda i: (i, 0)),
        ],
        out_shape=[
            jax.ShapeDtypeStruct((N, H), jnp.float32),
            jax.ShapeDtypeStruct((N, 1), jnp.float32),
        ],
    )(x, W1, d0, d1)

    s1 = _make_scatter_kernel(H, n_pad, K_EDGE)(g1, src2d, dst2d)

    W2p = jnp.pad(W2, ((0, 0), (0, Cp - C)))
    b1r = b1.reshape(1, H)
    g2 = pl.pallas_call(
        _tc2_body,
        grid=grid,
        in_specs=[
            pl.BlockSpec((BM, H), lambda i: (i, 0)),
            pl.BlockSpec((BM, H), lambda i: (i, 0)),
            pl.BlockSpec((BM, H), lambda i: (i, 0)),
            pl.BlockSpec((BM, 1), lambda i: (i, 0)),
            pl.BlockSpec((1, H), lambda i: (0, 0)),
            pl.BlockSpec((H, Cp), lambda i: (0, 0)),
        ],
        out_specs=pl.BlockSpec((BM, Cp), lambda i: (i, 0)),
        out_shape=jax.ShapeDtypeStruct((N, Cp), jnp.float32),
    )(s1[0, :N], s1[1, :N], g1, dinv, b1r, W2p)

    s2 = _make_scatter_kernel(Cp, n_pad, K_EDGE)(g2, src2d, dst2d)

    b2r = jnp.pad(b2, (0, Cp - C)).reshape(1, Cp)
    out = pl.pallas_call(
        _tc3_body,
        grid=grid,
        in_specs=[
            pl.BlockSpec((BM, Cp), lambda i: (i, 0)),
            pl.BlockSpec((BM, Cp), lambda i: (i, 0)),
            pl.BlockSpec((BM, Cp), lambda i: (i, 0)),
            pl.BlockSpec((BM, 1), lambda i: (i, 0)),
            pl.BlockSpec((1, Cp), lambda i: (0, 0)),
        ],
        out_specs=pl.BlockSpec((BM, Cp), lambda i: (i, 0)),
        out_shape=jax.ShapeDtypeStruct((N, Cp), jnp.float32),
    )(s2[0, :N], s2[1, :N], g2, dinv, b2r)

    return out[:, :C]

# --- scband reference (transcript-rebuilt; emitter-appended) ---
"""Pipeline reference for scband-gcnclassifier-8753143349925 (READ-ONLY COPY).

The authoritative reference and input builder live on the scoring server;
editing this copy changes nothing except your own understanding.
"""

import jax, jax.numpy as jnp
import numpy as np

N = 10000
E = 320000
D = 128
H = 64
C = 40


def _gcn_conv(x, edge_index, W, b, use_relu):
    """Standard Kipf GCN conv with self-loops and symmetric normalization.

    out = D^{-1/2} (A + I) D^{-1/2} (x @ W) + b
    """
    n = x.shape[0]
    src = edge_index[0]
    dst = edge_index[1]
    loop = jnp.arange(n, dtype=src.dtype)
    src = jnp.concatenate([src, loop])
    dst = jnp.concatenate([dst, loop])
    deg = jax.ops.segment_sum(jnp.ones(src.shape[0], dtype=x.dtype), dst, num_segments=n)
    dinv = jax.lax.rsqrt(jnp.maximum(deg, 1.0))
    norm = dinv[src] * dinv[dst]
    h = x @ W
    msg = jnp.take(h, src, axis=0) * norm[:, None]
    out = jax.ops.segment_sum(msg, dst, num_segments=n) + b
    if use_relu:
        out = jax.nn.relu(out)
    return out


def setup_inputs(seed: int = 0) -> dict:
    key = jax.random.key(seed)
    k1, k2, k3, k4 = jax.random.split(key, 4)
    x = jax.random.normal(k1, (N, D), dtype=jnp.float32)
    edge_index = jax.random.randint(k2, (2, E), 0, N, dtype=jnp.int32)
    W1 = jax.random.normal(k3, (D, H), dtype=jnp.float32) * (1.0 / np.sqrt(D))
    b1 = jnp.zeros((H,), dtype=jnp.float32)
    W2 = jax.random.normal(k4, (H, C), dtype=jnp.float32) * (1.0 / np.sqrt(H))
    b2 = jnp.zeros((C,), dtype=jnp.float32)
    return {"x": x, "edge_index": edge_index, "W1": W1, "b1": b1, "W2": W2, "b2": b2}


def reference(x, edge_index, W1, b1, W2, b2):
    # conv1: GraphConv(hidden) with relu activation
    h = _gcn_conv(x, edge_index, W1, b1, use_relu=True)
    # dropout is identity at inference (training=None)
    # conv2: GraphConv(classes, activation=None, self_loops=True)
    logits = _gcn_conv(h, edge_index, W2, b2, use_relu=False)
    return logits

if __name__ == "__main__":
    import jax
    _d = setup_inputs()
    print(jax.jit(kernel)(*tuple(_d.values())))

</pallas_src>

<mosaic_0001>
#map = affine_map<(d0, d1) -> (0, 0)>
#map1 = affine_map<(d0, d1) -> (0, 0, 0)>
module attributes {stable_mosaic.version = 14 : i64} {
  func.func @deg_kernel(%arg0: i32, %arg1: i32, %arg2: memref<2712x128xi32, #tpu.memory_space<hbm>>, %arg3: memref<2x10240x16xf32, #tpu.memory_space<hbm>>, %arg4: memref<96x128xi32, #tpu.memory_space<vmem>>, %arg5: memref<128x16xf32, #tpu.memory_space<vmem>>, %arg6: memref<64x16xf32, #tpu.memory_space<vmem>>, %arg7: memref<10240x16xf32, #tpu.memory_space<vmem_shared>>, %arg8: memref<!tpu.dma_semaphore, #tpu.memory_space<semaphore_mem>>) attributes {dimension_semantics = [#tpu.dimension_semantics<core_parallel>, #tpu.dimension_semantics<subcore_parallel>], iteration_bounds = array<i64: 2, 16>, scalar_prefetch = 0 : i64, scratch_operands = 5 : i64, tpu.core_type = #tpu.core_type<sc_vector_subcore>, window_params = [{transform_indices = #map}, {transform_indices = #map1}]} {
    %eq3A = arith.constant 0 : i32
    %eq3A_0 = arith.cmpi eq, %arg0, %eq3A : i32
    %jit3A = arith.constant 96 : i32
    %jit3A_1 = arith.constant 64 : i32
    %select_n3A = arith.select %eq3A_0, %jit3A, %jit3A_1 : i32
    %mul3A = arith.constant 96 : i32
    %mul3A_2 = arith.muli %arg1, %mul3A : i32
    %mul3A_3 = arith.constant 64 : i32
    %mul3A_4 = arith.muli %arg1, %mul3A_3 : i32
    %add3A = arith.constant 1536 : i32
    %add3A_5 = arith.addi %add3A, %mul3A_4 : i32
    %select_n3A_6 = arith.select %eq3A_0, %mul3A_2, %add3A_5 : i32
    "tpu.region"() ({
      %run_scoped3A = tpu.sem_alloc : memref<!tpu.dma_semaphore, #tpu.memory_space<semaphore_mem>>
      %dma_start3A_104 = arith.constant 0 : i32
      %dma_start3A_105 = tpu.memref_slice %arg2[%select_n3A_6, %dma_start3A_104] : memref<2712x128xi32, #tpu.memory_space<hbm>> -> memref<96x128xi32, #tpu.memory_space<hbm>>
      %dma_start3A_106 = arith.constant 0 : i32
      %dma_start3A_107 = tpu.memref_slice %arg2[%select_n3A_6, %dma_start3A_106] : memref<2712x128xi32, #tpu.memory_space<hbm>> -> memref<96x128xi32, #tpu.memory_space<hbm>>
      tpu.enqueue_dma source(%dma_start3A_107 : memref<96x128xi32, #tpu.memory_space<hbm>>) target(%arg4 : memref<96x128xi32, #tpu.memory_space<vmem>>) target_semaphore(%run_scoped3A : memref<!tpu.dma_semaphore, #tpu.memory_space<semaphore_mem>>)
      %dma_wait3A = arith.constant 0 : i32
      %dma_wait3A_108 = tpu.memref_slice %arg2[%select_n3A_6, %dma_wait3A] : memref<2712x128xi32, #tpu.memory_space<hbm>> -> memref<96x128xi32, #tpu.memory_space<hbm>>
      %dma_wait3A_109 = arith.constant 0 : i32
      %dma_wait3A_110 = tpu.memref_slice %arg2[%select_n3A_6, %dma_wait3A_109] : memref<2712x128xi32, #tpu.memory_space<hbm>> -> memref<96x128xi32, #tpu.memory_space<hbm>>
      tpu.wait_dma2 semaphore(%run_scoped3A : memref<!tpu.dma_semaphore, #tpu.memory_space<semaphore_mem>>) src(%dma_wait3A_110 : memref<96x128xi32, #tpu.memory_space<hbm>>) dst(%arg4 : memref<96x128xi32, #tpu.memory_space<vmem>>)
      tpu.yield
    }) : () -> ()
    %scan3A = arith.constant 0 : i32
    %scan3A_7 = arith.constant 0 : i32
    %scan3A_8 = arith.constant 128 : i32
    %scan3A_9 = arith.addi %scan3A_7, %scan3A_8 : i32
    %scan3A_10 = arith.constant 1 : i32
    %scan3A_11 = scf.for %scan3A_104 = %scan3A_7 to %scan3A_9 step %scan3A_10 iter_args(%scan3A_105 = %scan3A) -> (i32)  : i32 {
      %broadcast_in_dim3A = arith.constant 1.000000e+00 : f32
      %broadcast_in_dim3A_106 = vector.broadcast %broadcast_in_dim3A : f32 to vector<16xf32>
      %swap3A = arith.index_cast %scan3A_104 : i32 to index
      %swap3A_107 = arith.constant 0 : index
      %swap3A_108 = tpu.vector_load %arg5[%swap3A, %swap3A_107] {strides = array<i32>} : memref<128x16xf32, #tpu.memory_space<vmem>>, vector<1x16xf32>,
      %swap3A_109 = vector.shape_cast %swap3A_108 : vector<1x16xf32> to vector<16xf32>
      %swap3A_110 = vector.shape_cast %broadcast_in_dim3A_106 : vector<16xf32> to vector<1x16xf32>
      tpu.vector_store %arg5[%swap3A, %swap3A_107], %swap3A_110 {strides = array<i32>} : memref<128x16xf32, #tpu.memory_space<vmem>>, vector<1x16xf32>,
      %scan3A_111 = arith.constant 0 : i32
      scf.yield %scan3A_111 : i32
    }
    %scan3A_12 = arith.constant 128 : i32
    %scan3A_13 = arith.constant 0 : i32
    %scan3A_14 = arith.constant 0 : i32
    %scan3A_15 = arith.constant 64 : i32
    %scan3A_16 = arith.addi %scan3A_14, %scan3A_15 : i32
    %scan3A_17 = arith.constant 1 : i32
    %scan3A_18 = scf.for %scan3A_104 = %scan3A_14 to %scan3A_16 step %scan3A_17 iter_args(%scan3A_105 = %scan3A_13) -> (i32)  : i32 {
      %broadcast_in_dim3A = arith.constant 0.000000e+00 : f32
      %broadcast_in_dim3A_106 = vector.broadcast %broadcast_in_dim3A : f32 to vector<16xf32>
      %swap3A = arith.index_cast %scan3A_104 : i32 to index
      %swap3A_107 = arith.constant 0 : index
      %swap3A_108 = tpu.vector_load %arg6[%swap3A, %swap3A_107] {strides = array<i32>} : memref<64x16xf32, #tpu.memory_space<vmem>>, vector<1x16xf32>,
      %swap3A_109 = vector.shape_cast %swap3A_108 : vector<1x16xf32> to vector<16xf32>
      %swap3A_110 = vector.shape_cast %broadcast_in_dim3A_106 : vector<16xf32> to vector<1x16xf32>
      tpu.vector_store %arg6[%swap3A, %swap3A_107], %swap3A_110 {strides = array<i32>} : memref<64x16xf32, #tpu.memory_space<vmem>>, vector<1x16xf32>,
      %scan3A_111 = arith.constant 0 : i32
      scf.yield %scan3A_111 : i32
    }
    %scan3A_19 = arith.constant 64 : i32
    %mul3A_20 = arith.constant 640 : i32
    %mul3A_21 = arith.muli %arg1, %mul3A_20 : i32
    %scan3A_22 = arith.constant 0 : i32
    %scan3A_23 = arith.constant 0 : i32
    %scan3A_24 = arith.constant 10 : i32
    %scan3A_25 = arith.addi %scan3A_23, %scan3A_24 : i32
    %scan3A_26 = arith.constant 1 : i32
    %scan3A_27 = scf.for %scan3A_104 = %scan3A_23 to %scan3A_25 step %scan3A_26 iter_args(%scan3A_105 = %scan3A_22) -> (i32)  : i32 {
      %mul3A_106 = arith.constant 64 : i32
      %mul3A_107 = arith.muli %scan3A_104, %mul3A_106 : i32
      %add3A_108 = arith.addi %mul3A_21, %mul3A_107 : i32
      "tpu.region"() ({
        %run_scoped3A = tpu.sem_alloc : memref<!tpu.dma_semaphore, #tpu.memory_space<semaphore_mem>>
        %dma_start3A_110 = arith.constant 0 : i32
        %dma_start3A_111 = tpu.memref_slice %arg7[%add3A_108, %dma_start3A_110] : memref<10240x16xf32, #tpu.memory_space<vmem_shared>> -> memref<64x16xf32, #tpu.memory_space<vmem_shared>>
        %dma_start3A_112 = arith.constant 0 : i32
        %dma_start3A_113 = tpu.memref_slice %arg7[%add3A_108, %dma_start3A_112] : memref<10240x16xf32, #tpu.memory_space<vmem_shared>> -> memref<64x16xf32, #tpu.memory_space<vmem_shared>>
        tpu.enqueue_dma source(%arg6 : memref<64x16xf32, #tpu.memory_space<vmem>>) target(%dma_start3A_113 : memref<64x16xf32, #tpu.memory_space<vmem_shared>>) target_semaphore(%run_scoped3A : memref<!tpu.dma_semaphore, #tpu.memory_space<semaphore_mem>>)
        %dma_wait3A = arith.constant 0 : i32
        %dma_wait3A_114 = tpu.memref_slice %arg7[%add3A_108, %dma_wait3A] : memref<10240x16xf32, #tpu.memory_space<vmem_shared>> -> memref<64x16xf32, #tpu.memory_space<vmem_shared>>
        %dma_wait3A_115 = arith.constant 0 : i32
        %dma_wait3A_116 = tpu.memref_slice %arg7[%add3A_108, %dma_wait3A_115] : memref<10240x16xf32, #tpu.memory_space<vmem_shared>> -> memref<64x16xf32, #tpu.memory_space<vmem_shared>>
        tpu.wait_dma2 semaphore(%run_scoped3A : memref<!tpu.dma_semaphore, #tpu.memory_space<semaphore_mem>>) src(%arg6 : memref<64x16xf32, #tpu.memory_space<vmem>>) dst(%dma_wait3A_116 : memref<64x16xf32, #tpu.memory_space<vmem_shared>>)
        tpu.yield
      }) : () -> ()
      %scan3A_109 = arith.constant 0 : i32
      scf.yield %scan3A_109 : i32
    }
    %scan3A_28 = arith.constant 10 : i32
    %barrier3A = arith.constant 0 : index
    tpu.barrier barrier_id(%barrier3A)
    %dma_start3A = arith.constant 0 : i32
    %dma_start3A_29 = arith.constant 0 : i32
    %dma_start3A_30 = tpu.memref_slice %arg4[%dma_start3A, %dma_start3A_29] : memref<96x128xi32, #tpu.memory_space<vmem>> -> memref<1x128xi32, #tpu.memory_space<vmem>>
    %dma_start3A_31 = tpu.memref_squeeze %dma_start3A_30 : memref<1x128xi32, #tpu.memory_space<vmem>> -> memref<128xi32, #tpu.memory_space<vmem>>
    %dma_start3A_32 = arith.constant 0 : i32
    %dma_start3A_33 = arith.constant 0 : i32
    %dma_start3A_34 = tpu.memref_slice %arg7[%dma_start3A_32, %dma_start3A_33] : memref<10240x16xf32, #tpu.memory_space<vmem_shared>> -> memref<10240x16xf32, #tpu.memory_space<vmem_shared>>
    tpu.enqueue_indirect_dma source(%arg5 : memref<128x16xf32, #tpu.memory_space<vmem>>) target(%dma_start3A_34 : memref<10240x16xf32, #tpu.memory_space<vmem_shared>>) offsets(%dma_start3A_31 : memref<128xi32, #tpu.memory_space<vmem>>) semaphore(%arg8 : memref<!tpu.dma_semaphore, #tpu.memory_space<semaphore_mem>>) {add = true}
    %dma_start3A_35 = arith.constant 1 : i32
    %dma_start3A_36 = arith.constant 0 : i32
    %dma_start3A_37 = tpu.memref_slice %arg4[%dma_start3A_35, %dma_start3A_36] : memref<96x128xi32, #tpu.memory_space<vmem>> -> memref<1x128xi32, #tpu.memory_space<vmem>>
    %dma_start3A_38 = tpu.memref_squeeze %dma_start3A_37 : memref<1x128xi32, #tpu.memory_space<vmem>> -> memref<128xi32, #tpu.memory_space<vmem>>
    %dma_start3A_39 = arith.constant 0 : i32
    %dma_start3A_40 = arith.constant 0 : i32
    %dma_start3A_41 = tpu.memref_slice %arg7[%dma_start3A_39, %dma_start3A_40] : memref<10240x16xf32, #tpu.memory_space<vmem_shared>> -> memref<10240x16xf32, #tpu.memory_space<vmem_shared>>
    tpu.enqueue_indirect_dma source(%arg5 : memref<128x16xf32, #tpu.memory_space<vmem>>) target(%dma_start3A_41 : memref<10240x16xf32, #tpu.memory_space<vmem_shared>>) offsets(%dma_start3A_38 : memref<128xi32, #tpu.memory_space<vmem>>) semaphore(%arg8 : memref<!tpu.dma_semaphore, #tpu.memory_space<semaphore_mem>>) {add = true}
    %dma_start3A_42 = arith.constant 2 : i32
    %dma_start3A_43 = arith.constant 0 : i32
    %dma_start3A_44 = tpu.memref_slice %arg4[%dma_start3A_42, %dma_start3A_43] : memref<96x128xi32, #tpu.memory_space<vmem>> -> memref<1x128xi32, #tpu.memory_space<vmem>>
    %dma_start3A_45 = tpu.memref_squeeze %dma_start3A_44 : memref<1x128xi32, #tpu.memory_space<vmem>> -> memref<128xi32, #tpu.memory_space<vmem>>
    %dma_start3A_46 = arith.constant 0 : i32
    %dma_start3A_47 = arith.constant 0 : i32
    %dma_start3A_48 = tpu.memref_slice %arg7[%dma_start3A_46, %dma_start3A_47] : memref<10240x16xf32, #tpu.memory_space<vmem_shared>> -> memref<10240x16xf32, #tpu.memory_space<vmem_shared>>
    tpu.enqueue_indirect_dma source(%arg5 : memref<128x16xf32, #tpu.memory_space<vmem>>) target(%dma_start3A_48 : memref<10240x16xf32, #tpu.memory_space<vmem_shared>>) offsets(%dma_start3A_45 : memref<128xi32, #tpu.memory_space<vmem>>) semaphore(%arg8 : memref<!tpu.dma_semaphore, #tpu.memory_space<semaphore_mem>>) {add = true}
    %dma_start3A_49 = arith.constant 3 : i32
    %dma_start3A_50 = arith.constant 0 : i32
    %dma_start3A_51 = tpu.memref_slice %arg4[%dma_start3A_49, %dma_start3A_50] : memref<96x128xi32, #tpu.memory_space<vmem>> -> memref<1x128xi32, #tpu.memory_space<vmem>>
    %dma_start3A_52 = tpu.memref_squeeze %dma_start3A_51 : memref<1x128xi32, #tpu.memory_space<vmem>> -> memref<128xi32, #tpu.memory_space<vmem>>
    %dma_start3A_53 = arith.constant 0 : i32
    %dma_start3A_54 = arith.constant 0 : i32
    %dma_start3A_55 = tpu.memref_slice %arg7[%dma_start3A_53, %dma_start3A_54] : memref<10240x16xf32, #tpu.memory_space<vmem_shared>> -> memref<10240x16xf32, #tpu.memory_space<vmem_shared>>
    tpu.enqueue_indirect_dma source(%arg5 : memref<128x16xf32, #tpu.memory_space<vmem>>) target(%dma_start3A_55 : memref<10240x16xf32, #tpu.memory_space<vmem_shared>>) offsets(%dma_start3A_52 : memref<128xi32, #tpu.memory_space<vmem>>) semaphore(%arg8 : memref<!tpu.dma_semaphore, #tpu.memory_space<semaphore_mem>>) {add = true}
    %dma_start3A_56 = arith.constant 4 : i32
    %dma_start3A_57 = arith.constant 0 : i32
    %dma_start3A_58 = tpu.memref_slice %arg4[%dma_start3A_56, %dma_start3A_57] : memref<96x128xi32, #tpu.memory_space<vmem>> -> memref<1x128xi32, #tpu.memory_space<vmem>>
    %dma_start3A_59 = tpu.memref_squeeze %dma_start3A_58 : memref<1x128xi32, #tpu.memory_space<vmem>> -> memref<128xi32, #tpu.memory_space<vmem>>
    %dma_start3A_60 = arith.constant 0 : i32
    %dma_start3A_61 = arith.constant 0 : i32
    %dma_start3A_62 = tpu.memref_slice %arg7[%dma_start3A_60, %dma_start3A_61] : memref<10240x16xf32, #tpu.memory_space<vmem_shared>> -> memref<10240x16xf32, #tpu.memory_space<vmem_shared>>
    tpu.enqueue_indirect_dma source(%arg5 : memref<128x16xf32, #tpu.memory_space<vmem>>) target(%dma_start3A_62 : memref<10240x16xf32, #tpu.memory_space<vmem_shared>>) offsets(%dma_start3A_59 : memref<128xi32, #tpu.memory_space<vmem>>) semaphore(%arg8 : memref<!tpu.dma_semaphore, #tpu.memory_space<semaphore_mem>>) {add = true}
    %dma_start3A_63 = arith.constant 5 : i32
    %dma_start3A_64 = arith.constant 0 : i32
    %dma_start3A_65 = tpu.memref_slice %arg4[%dma_start3A_63, %dma_start3A_64] : memref<96x128xi32, #tpu.memory_space<vmem>> -> memref<1x128xi32, #tpu.memory_space<vmem>>
    %dma_start3A_66 = tpu.memref_squeeze %dma_start3A_65 : memref<1x128xi32, #tpu.memory_space<vmem>> -> memref<128xi32, #tpu.memory_space<vmem>>
    %dma_start3A_67 = arith.constant 0 : i32
    %dma_start3A_68 = arith.constant 0 : i32
    %dma_start3A_69 = tpu.memref_slice %arg7[%dma_start3A_67, %dma_start3A_68] : memref<10240x16xf32, #tpu.memory_space<vmem_shared>> -> memref<10240x16xf32, #tpu.memory_space<vmem_shared>>
    tpu.enqueue_indirect_dma source(%arg5 : memref<128x16xf32, #tpu.memory_space<vmem>>) target(%dma_start3A_69 : memref<10240x16xf32, #tpu.memory_space<vmem_shared>>) offsets(%dma_start3A_66 : memref<128xi32, #tpu.memory_space<vmem>>) semaphore(%arg8 : memref<!tpu.dma_semaphore, #tpu.memory_space<semaphore_mem>>) {add = true}
    %dma_start3A_70 = arith.constant 6 : i32
    %dma_start3A_71 = arith.constant 0 : i32
    %dma_start3A_72 = tpu.memref_slice %arg4[%dma_start3A_70, %dma_start3A_71] : memref<96x128xi32, #tpu.memory_space<vmem>> -> memref<1x128xi32, #tpu.memory_space<vmem>>
    %dma_start3A_73 = tpu.memref_squeeze %dma_start3A_72 : memref<1x128xi32, #tpu.memory_space<vmem>> -> memref<128xi32, #tpu.memory_space<vmem>>
    %dma_start3A_74 = arith.constant 0 : i32
    %dma_start3A_75 = arith.constant 0 : i32
    %dma_start3A_76 = tpu.memref_slice %arg7[%dma_start3A_74, %dma_start3A_75] : memref<10240x16xf32, #tpu.memory_space<vmem_shared>> -> memref<10240x16xf32, #tpu.memory_space<vmem_shared>>
    tpu.enqueue_indirect_dma source(%arg5 : memref<128x16xf32, #tpu.memory_space<vmem>>) target(%dma_start3A_76 : memref<10240x16xf32, #tpu.memory_space<vmem_shared>>) offsets(%dma_start3A_73 : memref<128xi32, #tpu.memory_space<vmem>>) semaphore(%arg8 : memref<!tpu.dma_semaphore, #tpu.memory_space<semaphore_mem>>) {add = true}
    %dma_start3A_77 = arith.constant 7 : i32
    %dma_start3A_78 = arith.constant 0 : i32
    %dma_start3A_79 = tpu.memref_slice %arg4[%dma_start3A_77, %dma_start3A_78] : memref<96x128xi32, #tpu.memory_space<vmem>> -> memref<1x128xi32, #tpu.memory_space<vmem>>
    %dma_start3A_80 = tpu.memref_squeeze %dma_start3A_79 : memref<1x128xi32, #tpu.memory_space<vmem>> -> memref<128xi32, #tpu.memory_space<vmem>>
    %dma_start3A_81 = arith.constant 0 : i32
    %dma_start3A_82 = arith.constant 0 : i32
    %dma_start3A_83 = tpu.memref_slice %arg7[%dma_start3A_81, %dma_start3A_82] : memref<10240x16xf32, #tpu.memory_space<vmem_shared>> -> memref<10240x16xf32, #tpu.memory_space<vmem_shared>>
    tpu.enqueue_indirect_dma source(%arg5 : memref<128x16xf32, #tpu.memory_space<vmem>>) target(%dma_start3A_83 : memref<10240x16xf32, #tpu.memory_space<vmem_shared>>) offsets(%dma_start3A_80 : memref<128xi32, #tpu.memory_space<vmem>>) semaphore(%arg8 : memref<!tpu.dma_semaphore, #tpu.memory_space<semaphore_mem>>) {add = true}
    %sub3A = arith.constant 8 : i32
    %sub3A_84 = arith.subi %select_n3A, %sub3A : i32
    %while3A = arith.constant 0 : i32
    %while3A_85 = arith.constant 0 : i32
    %while3A_86 = arith.subi %sub3A_84, %while3A : i32
    %while3A_87 = arith.addi %while3A, %while3A_86 : i32
    %while3A_88 = arith.constant 1 : i32
    %while3A_89 = arith.divsi %while3A_86, %while3A_88 : i32
    %while3A_90 = arith.muli %while3A_89, %while3A_88 : i32
    %while3A_91 = arith.addi %while3A, %while3A_90 : i32
    %while3A_92 = arith.constant 1 : i32
    %while3A_93 = scf.for %while3A_104 = %while3A to %while3A_91 step %while3A_92 iter_args(%while3A_105 = %while3A_85) -> (i32)  : i32 {
      %dma_wait3A = arith.constant 0 : i32
      %dma_wait3A_106 = tpu.memref_slice %arg4[%while3A_104, %dma_wait3A] : memref<96x128xi32, #tpu.memory_space<vmem>> -> memref<1x128xi32, #tpu.memory_space<vmem>>
      %dma_wait3A_107 = tpu.memref_squeeze %dma_wait3A_106 : memref<1x128xi32, #tpu.memory_space<vmem>> -> memref<128xi32, #tpu.memory_space<vmem>>
      %dma_wait3A_108 = arith.constant 0 : i32
      %dma_wait3A_109 = arith.constant 0 : i32
      %dma_wait3A_110 = tpu.memref_slice %arg7[%dma_wait3A_108, %dma_wait3A_109] : memref<10240x16xf32, #tpu.memory_space<vmem_shared>> -> memref<10240x16xf32, #tpu.memory_space<vmem_shared>>
      tpu.wait_indirect_dma semaphore(%arg8 : memref<!tpu.dma_semaphore, #tpu.memory_space<semaphore_mem>>) src(%arg5 : memref<128x16xf32, #tpu.memory_space<vmem>>) dst(%dma_wait3A_110 : memref<10240x16xf32, #tpu.memory_space<vmem_shared>>)
      %add3A_111 = arith.constant 8 : i32
      %add3A_112 = arith.addi %while3A_104, %add3A_111 : i32
      %dma_start3A_113 = arith.constant 0 : i32
      %dma_start3A_114 = tpu.memref_slice %arg4[%add3A_112, %dma_start3A_113] : memref<96x128xi32, #tpu.memory_space<vmem>> -> memref<1x128xi32, #tpu.memory_space<vmem>>
      %dma_start3A_115 = tpu.memref_squeeze %dma_start3A_114 : memref<1x128xi32, #tpu.memory_space<vmem>> -> memref<128xi32, #tpu.memory_space<vmem>>
      %dma_start3A_116 = arith.constant 0 : i32
      %dma_start3A_117 = arith.constant 0 : i32
      %dma_start3A_118 = tpu.memref_slice %arg7[%dma_start3A_116, %dma_start3A_117] : memref<10240x16xf32, #tpu.memory_space<vmem_shared>> -> memref<10240x16xf32, #tpu.memory_space<vmem_shared>>
      tpu.enqueue_indirect_dma source(%arg5 : memref<128x16xf32, #tpu.memory_space<vmem>>) target(%dma_start3A_118 : memref<10240x16xf32, #tpu.memory_space<vmem_shared>>) offsets(%dma_start3A_115 : memref<128xi32, #tpu.memory_space<vmem>>) semaphore(%arg8 : memref<!tpu.dma_semaphore, #tpu.memory_space<semaphore_mem>>) {add = true}
      %while3A_119 = arith.constant 0 : i32
      scf.yield %while3A_119 : i32
    }
    %while3A_94 = arith.constant 1 : i32
    %while3A_95 = scf.for %while3A_104 = %while3A_91 to %while3A_87 step %while3A_94 iter_args(%while3A_105 = %while3A_93) -> (i32)  : i32 {
      %dma_wait3A = arith.constant 0 : i32
      %dma_wait3A_106 = tpu.memref_slice %arg4[%while3A_104, %dma_wait3A] : memref<96x128xi32, #tpu.memory_space<vmem>> -> memref<1x128xi32, #tpu.memory_space<vmem>>
      %dma_wait3A_107 = tpu.memref_squeeze %dma_wait3A_106 : memref<1x128xi32, #tpu.memory_space<vmem>> -> memref<128xi32, #tpu.memory_space<vmem>>
      %dma_wait3A_108 = arith.constant 0 : i32
      %dma_wait3A_109 = arith.constant 0 : i32
      %dma_wait3A_110 = tpu.memref_slice %arg7[%dma_wait3A_108, %dma_wait3A_109] : memref<10240x16xf32, #tpu.memory_space<vmem_shared>> -> memref<10240x16xf32, #tpu.memory_space<vmem_shared>>
      tpu.wait_indirect_dma semaphore(%arg8 : memref<!tpu.dma_semaphore, #tpu.memory_space<semaphore_mem>>) src(%arg5 : memref<128x16xf32, #tpu.memory_space<vmem>>) dst(%dma_wait3A_110 : memref<10240x16xf32, #tpu.memory_space<vmem_shared>>)
      %add3A_111 = arith.constant 8 : i32
      %add3A_112 = arith.addi %while3A_104, %add3A_111 : i32
      %dma_start3A_113 = arith.constant 0 : i32
      %dma_start3A_114 = tpu.memref_slice %arg4[%add3A_112, %dma_start3A_113] : memref<96x128xi32, #tpu.memory_space<vmem>> -> memref<1x128xi32, #tpu.memory_space<vmem>>
      %dma_start3A_115 = tpu.memref_squeeze %dma_start3A_114 : memref<1x128xi32, #tpu.memory_space<vmem>> -> memref<128xi32, #tpu.memory_space<vmem>>
      %dma_start3A_116 = arith.constant 0 : i32
      %dma_start3A_117 = arith.constant 0 : i32
      %dma_start3A_118 = tpu.memref_slice %arg7[%dma_start3A_116, %dma_start3A_117] : memref<10240x16xf32, #tpu.memory_space<vmem_shared>> -> memref<10240x16xf32, #tpu.memory_space<vmem_shared>>
      tpu.enqueue_indirect_dma source(%arg5 : memref<128x16xf32, #tpu.memory_space<vmem>>) target(%dma_start3A_118 : memref<10240x16xf32, #tpu.memory_space<vmem_shared>>) offsets(%dma_start3A_115 : memref<128xi32, #tpu.memory_space<vmem>>) semaphore(%arg8 : memref<!tpu.dma_semaphore, #tpu.memory_space<semaphore_mem>>) {add = true}
      %while3A_119 = arith.constant 0 : i32
      scf.yield %while3A_119 : i32
    }
    %scan3A_96 = arith.constant 0 : i32
    %scan3A_97 = arith.constant 0 : i32
    %scan3A_98 = arith.constant 8 : i32
    %scan3A_99 = arith.addi %scan3A_97, %scan3A_98 : i32
    %scan3A_100 = arith.constant 1 : i32
    %scan3A_101 = scf.for %scan3A_104 = %scan3A_97 to %scan3A_99 step %scan3A_100 iter_args(%scan3A_105 = %scan3A_96) -> (i32)  : i32 {
      %sub3A_106 = arith.constant 8 : i32
      %sub3A_107 = arith.subi %select_n3A, %sub3A_106 : i32
      %add3A_108 = arith.addi %sub3A_107, %scan3A_104 : i32
      %dma_wait3A = arith.constant 0 : i32
      %dma_wait3A_109 = tpu.memref_slice %arg4[%add3A_108, %dma_wait3A] : memref<96x128xi32, #tpu.memory_space<vmem>> -> memref<1x128xi32, #tpu.memory_space<vmem>>
      %dma_wait3A_110 = tpu.memref_squeeze %dma_wait3A_109 : memref<1x128xi32, #tpu.memory_space<vmem>> -> memref<128xi32, #tpu.memory_space<vmem>>
      %dma_wait3A_111 = arith.constant 0 : i32
      %dma_wait3A_112 = arith.constant 0 : i32
      %dma_wait3A_113 = tpu.memref_slice %arg7[%dma_wait3A_111, %dma_wait3A_112] : memref<10240x16xf32, #tpu.memory_space<vmem_shared>> -> memref<10240x16xf32, #tpu.memory_space<vmem_shared>>
      tpu.wait_indirect_dma semaphore(%arg8 : memref<!tpu.dma_semaphore, #tpu.memory_space<semaphore_mem>>) src(%arg5 : memref<128x16xf32, #tpu.memory_space<vmem>>) dst(%dma_wait3A_113 : memref<10240x16xf32, #tpu.memory_space<vmem_shared>>)
      %scan3A_114 = arith.constant 0 : i32
      scf.yield %scan3A_114 : i32
    }
    %scan3A_102 = arith.constant 8 : i32
    %barrier3A_103 = arith.constant 0 : index
    tpu.barrier barrier_id(%barrier3A_103)
    "tpu.region"() ({
      %run_scoped3A = tpu.sem_alloc : memref<!tpu.dma_semaphore, #tpu.memory_space<semaphore_mem>>
      %dma_start3A_104 = arith.constant 0 : i32
      %dma_start3A_105 = tpu.memref_slice %arg3[%arg0, %mul3A_21, %dma_start3A_104] : memref<2x10240x16xf32, #tpu.memory_space<hbm>> -> memref<1x640x16xf32, #tpu.memory_space<hbm>>
      %dma_start3A_106 = tpu.memref_squeeze %dma_start3A_105 : memref<1x640x16xf32, #tpu.memory_space<hbm>> -> memref<640x16xf32, #tpu.memory_space<hbm>>
      %dma_start3A_107 = arith.constant 0 : i32
      %dma_start3A_108 = tpu.memref_slice %arg7[%mul3A_21, %dma_start3A_107] : memref<10240x16xf32, #tpu.memory_space<vmem_shared>> -> memref<640x16xf32, #tpu.memory_space<vmem_shared>>
      tpu.enqueue_dma source(%dma_start3A_108 : memref<640x16xf32, #tpu.memory_space<vmem_shared>>) target(%dma_start3A_106 : memref<640x16xf32, #tpu.memory_space<hbm>>) target_semaphore(%run_scoped3A : memref<!tpu.dma_semaphore, #tpu.memory_space<semaphore_mem>>)
      %dma_wait3A = arith.constant 0 : i32
      %dma_wait3A_109 = tpu.memref_slice %arg3[%arg0, %mul3A_21, %dma_wait3A] : memref<2x10240x16xf32, #tpu.memory_space<hbm>> -> memref<1x640x16xf32, #tpu.memory_space<hbm>>
      %dma_wait3A_110 = tpu.memref_squeeze %dma_wait3A_109 : memref<1x640x16xf32, #tpu.memory_space<hbm>> -> memref<640x16xf32, #tpu.memory_space<hbm>>
      %dma_wait3A_111 = arith.constant 0 : i32
      %dma_wait3A_112 = tpu.memref_slice %arg7[%mul3A_21, %dma_wait3A_111] : memref<10240x16xf32, #tpu.memory_space<vmem_shared>> -> memref<640x16xf32, #tpu.memory_space<vmem_shared>>
      tpu.wait_dma2 semaphore(%run_scoped3A : memref<!tpu.dma_semaphore, #tpu.memory_space<semaphore_mem>>) src(%dma_wait3A_112 : memref<640x16xf32, #tpu.memory_space<vmem_shared>>) dst(%dma_wait3A_110 : memref<640x16xf32, #tpu.memory_space<hbm>>)
      tpu.yield
    }) : () -> ()
    return
  }
}

#map = affine_map<(d0, d1) -> (0, 0)>
#map1 = affine_map<(d0, d1) -> (0, 0, 0)>
module attributes {stable_mosaic.version = 14 : i64} {
  func.func @scatter_kernel(%arg0: i32, %arg1: i32, %arg2: memref<10000x64xf32, #tpu.memory_space<hbm>>, %arg3: memref<2712x128xi32, #tpu.memory_space<hbm>>, %arg4: memref<2712x128xi32, #tpu.memory_space<hbm>>, %arg5: memref<2x10240x64xf32, #tpu.memory_space<hbm>>, %arg6: memref<152x128xi32, #tpu.memory_space<vmem>>, %arg7: memref<152x128xi32, #tpu.memory_space<vmem>>, %arg8: memref<4x128x64xf32, #tpu.memory_space<vmem>>, %arg9: memref<64x64xf32, #tpu.memory_space<vmem>>, %arg10: memref<10240x64xf32, #tpu.memory_space<vmem_shared>>, %arg11: memref<!tpu.dma_semaphore, #tpu.memory_space<semaphore_mem>>, %arg12: memref<!tpu.dma_semaphore, #tpu.memory_space<semaphore_mem>>, %arg13: memref<!tpu.dma_semaphore, #tpu.memory_space<semaphore_mem>>, %arg14: memref<!tpu.dma_semaphore, #tpu.memory_space<semaphore_mem>>, %arg15: memref<!tpu.dma_semaphore, #tpu.memory_space<semaphore_mem>>) attributes {dimension_semantics = [#tpu.dimension_semantics<core_parallel>, #tpu.dimension_semantics<subcore_parallel>], iteration_bounds = array<i64: 2, 16>, scalar_prefetch = 0 : i64, scratch_operands = 10 : i64, tpu.core_type = #tpu.core_type<sc_vector_subcore>, window_params = [{transform_indices = #map}, {transform_indices = #map}, {transform_indices = #map}, {transform_indices = #map1}]} {
    %eq3A = arith.constant 0 : i32
    %eq3A_0 = arith.cmpi eq, %arg0, %eq3A : i32
    %eq3A_1 = arith.constant 1 : i32
    %eq3A_2 = arith.cmpi eq, %arg0, %eq3A_1 : i32
    %lt3A = arith.constant 16 : i32
    %lt3A_3 = arith.cmpi slt, %arg1, %lt3A : i32
    %and3A = arith.andi %eq3A_2, %lt3A_3 : i1
    %jit3A = arith.constant 8 : i32
    %jit3A_4 = arith.constant 0 : i32
    %select_n3A = arith.select %and3A, %jit3A, %jit3A_4 : i32
    %jit3A_5 = arith.constant 152 : i32
    %select_n3A_6 = arith.select %eq3A_0, %jit3A_5, %select_n3A : i32
    %mul3A = arith.constant 152 : i32
    %mul3A_7 = arith.muli %arg1, %mul3A : i32
    %mul3A_8 = arith.constant 8 : i32
    %mul3A_9 = arith.muli %arg1, %mul3A_8 : i32
    %add3A = arith.constant 2432 : i32
    %add3A_10 = arith.addi %add3A, %mul3A_9 : i32
    %jit3A_11 = arith.constant 2560 : i32
    %select_n3A_12 = arith.select %and3A, %add3A_10, %jit3A_11 : i32
    %select_n3A_13 = arith.select %eq3A_0, %mul3A_7, %select_n3A_12 : i32
    %scan3A = arith.constant 0 : i32
    %scan3A_14 = arith.constant 0 : i32
    %scan3A_15 = arith.constant 64 : i32
    %scan3A_16 = arith.addi %scan3A_14, %scan3A_15 : i32
    %scan3A_17 = arith.constant 1 : i32
    %scan3A_18 = scf.for %scan3A_97 = %scan3A_14 to %scan3A_16 step %scan3A_17 iter_args(%scan3A_98 = %scan3A) -> (i32)  : i32 {
      %broadcast_in_dim3A = arith.constant 0.000000e+00 : f32
      %broadcast_in_dim3A_99 = vector.broadcast %broadcast_in_dim3A : f32 to vector<16xf32>
      %swap3A = arith.index_cast %scan3A_97 : i32 to index
      %swap3A_100 = arith.constant 0 : index
      %swap3A_101 = tpu.vector_load %arg9[%swap3A, %swap3A_100] {strides = array<i32>} : memref<64x64xf32, #tpu.memory_space<vmem>>, vector<1x16xf32>,
      %swap3A_102 = vector.shape_cast %swap3A_101 : vector<1x16xf32> to vector<16xf32>
      %swap3A_103 = vector.shape_cast %broadcast_in_dim3A_99 : vector<16xf32> to vector<1x16xf32>
      tpu.vector_store %arg9[%swap3A, %swap3A_100], %swap3A_103 {strides = array<i32>} : memref<64x64xf32, #tpu.memory_space<vmem>>, vector<1x16xf32>,
      %broadcast_in_dim3A_104 = arith.constant 0.000000e+00 : f32
      %broadcast_in_dim3A_105 = vector.broadcast %broadcast_in_dim3A_104 : f32 to vector<16xf32>
      %swap3A_106 = arith.index_cast %scan3A_97 : i32 to index
      %swap3A_107 = arith.constant 16 : index
      %swap3A_108 = tpu.vector_load %arg9[%swap3A_106, %swap3A_107] {strides = array<i32>} : memref<64x64xf32, #tpu.memory_space<vmem>>, vector<1x16xf32>,
      %swap3A_109 = vector.shape_cast %swap3A_108 : vector<1x16xf32> to vector<16xf32>
      %swap3A_110 = vector.shape_cast %broadcast_in_dim3A_105 : vector<16xf32> to vector<1x16xf32>
      tpu.vector_store %arg9[%swap3A_106, %swap3A_107], %swap3A_110 {strides = array<i32>} : memref<64x64xf32, #tpu.memory_space<vmem>>, vector<1x16xf32>,
      %broadcast_in_dim3A_111 = arith.constant 0.000000e+00 : f32
      %broadcast_in_dim3A_112 = vector.broadcast %broadcast_in_dim3A_111 : f32 to vector<16xf32>
      %swap3A_113 = arith.index_cast %scan3A_97 : i32 to index
      %swap3A_114 = arith.constant 32 : index
      %swap3A_115 = tpu.vector_load %arg9[%swap3A_113, %swap3A_114] {strides = array<i32>} : memref<64x64xf32, #tpu.memory_space<vmem>>, vector<1x16xf32>,
      %swap3A_116 = vector.shape_cast %swap3A_115 : vector<1x16xf32> to vector<16xf32>
      %swap3A_117 = vector.shape_cast %broadcast_in_dim3A_112 : vector<16xf32> to vector<1x16xf32>
      tpu.vector_store %arg9[%swap3A_113, %swap3A_114], %swap3A_117 {strides = array<i32>} : memref<64x64xf32, #tpu.memory_space<vmem>>, vector<1x16xf32>,
      %broadcast_in_dim3A_118 = arith.constant 0.000000e+00 : f32
      %broadcast_in_dim3A_119 = vector.broadcast %broadcast_in_dim3A_118 : f32 to vector<16xf32>
      %swap3A_120 = arith.index_cast %scan3A_97 : i32 to index
      %swap3A_121 = arith.constant 48 : index
      %swap3A_122 = tpu.vector_load %arg9[%swap3A_120, %swap3A_121] {strides = array<i32>} : memref<64x64xf32, #tpu.memory_space<vmem>>, vector<1x16xf32>,
      %swap3A_123 = vector.shape_cast %swap3A_122 : vector<1x16xf32> to vector<16xf32>
      %swap3A_124 = vector.shape_cast %broadcast_in_dim3A_119 : vector<16xf32> to vector<1x16xf32>
      tpu.vector_store %arg9[%swap3A_120, %swap3A_121], %swap3A_124 {strides = array<i32>} : memref<64x64xf32, #tpu.memory_space<vmem>>, vector<1x16xf32>,
      %scan3A_125 = arith.constant 0 : i32
      scf.yield %scan3A_125 : i32
    }
    %scan3A_19 = arith.constant 64 : i32
    %mul3A_20 = arith.constant 640 : i32
    %mul3A_21 = arith.muli %arg1, %mul3A_20 : i32
    %scan3A_22 = arith.constant 0 : i32
    %scan3A_23 = arith.constant 0 : i32
    %scan3A_24 = arith.constant 10 : i32
    %scan3A_25 = arith.addi %scan3A_23, %scan3A_24 : i32
    %scan3A_26 = arith.constant 1 : i32
    %scan3A_27 = scf.for %scan3A_97 = %scan3A_23 to %scan3A_25 step %scan3A_26 iter_args(%scan3A_98 = %scan3A_22) -> (i32)  : i32 {
      %mul3A_99 = arith.constant 64 : i32
      %mul3A_100 = arith.muli %scan3A_97, %mul3A_99 : i32
      %add3A_101 = arith.addi %mul3A_21, %mul3A_100 : i32
      "tpu.region"() ({
        %run_scoped3A = tpu.sem_alloc : memref<!tpu.dma_semaphore, #tpu.memory_space<semaphore_mem>>
        %dma_start3A = arith.constant 0 : i32
        %dma_start3A_103 = tpu.memref_slice %arg10[%add3A_101, %dma_start3A] : memref<10240x64xf32, #tpu.memory_space<vmem_shared>> -> memref<64x64xf32, #tpu.memory_space<vmem_shared>>
        %dma_start3A_104 = arith.constant 0 : i32
        %dma_start3A_105 = tpu.memref_slice %arg10[%add3A_101, %dma_start3A_104] : memref<10240x64xf32, #tpu.memory_space<vmem_shared>> -> memref<64x64xf32, #tpu.memory_space<vmem_shared>>
        tpu.enqueue_dma source(%arg9 : memref<64x64xf32, #tpu.memory_space<vmem>>) target(%dma_start3A_105 : memref<64x64xf32, #tpu.memory_space<vmem_shared>>) target_semaphore(%run_scoped3A : memref<!tpu.dma_semaphore, #tpu.memory_space<semaphore_mem>>)
        %dma_wait3A = arith.constant 0 : i32
        %dma_wait3A_106 = tpu.memref_slice %arg10[%add3A_101, %dma_wait3A] : memref<10240x64xf32, #tpu.memory_space<vmem_shared>> -> memref<64x64xf32, #tpu.memory_space<vmem_shared>>
        %dma_wait3A_107 = arith.constant 0 : i32
        %dma_wait3A_108 = tpu.memref_slice %arg10[%add3A_101, %dma_wait3A_107] : memref<10240x64xf32, #tpu.memory_space<vmem_shared>> -> memref<64x64xf32, #tpu.memory_space<vmem_shared>>
        tpu.wait_dma2 semaphore(%run_scoped3A : memref<!tpu.dma_semaphore, #tpu.memory_space<semaphore_mem>>) src(%arg9 : memref<64x64xf32, #tpu.memory_space<vmem>>) dst(%dma_wait3A_108 : memref<64x64xf32, #tpu.memory_space<vmem_shared>>)
        tpu.yield
      }) : () -> ()
      %scan3A_102 = arith.constant 0 : i32
      scf.yield %scan3A_102 : i32
    }
    %scan3A_28 = arith.constant 10 : i32
    %barrier3A = arith.constant 0 : index
    tpu.barrier barrier_id(%barrier3A)
    %jit3A_29 = arith.constant 152 : i32
    %jit3A_30 = arith.constant 8 : i32
    %select_n3A_31 = arith.select %eq3A_0, %jit3A_29, %jit3A_30 : i32
    %mul3A_32 = arith.constant 0 : i32
    %mul3A_33 = arith.muli %mul3A_32, %select_n3A_31 : i32
    %add3A_34 = arith.addi %select_n3A_13, %mul3A_33 : i32
    "tpu.region"() ({
      %run_scoped3A = tpu.sem_alloc : memref<!tpu.dma_semaphore, #tpu.memory_space<semaphore_mem>>
      %dma_start3A = arith.constant 0 : i32
      %dma_start3A_97 = tpu.memref_slice %arg3[%add3A_34, %dma_start3A] : memref<2712x128xi32, #tpu.memory_space<hbm>> -> memref<152x128xi32, #tpu.memory_space<hbm>>
      %dma_start3A_98 = arith.constant 0 : i32
      %dma_start3A_99 = tpu.memref_slice %arg3[%add3A_34, %dma_start3A_98] : memref<2712x128xi32, #tpu.memory_space<hbm>> -> memref<152x128xi32, #tpu.memory_space<hbm>>
      tpu.enqueue_dma source(%dma_start3A_99 : memref<152x128xi32, #tpu.memory_space<hbm>>) target(%arg6 : memref<152x128xi32, #tpu.memory_space<vmem>>) target_semaphore(%run_scoped3A : memref<!tpu.dma_semaphore, #tpu.memory_space<semaphore_mem>>)
      %dma_wait3A = arith.constant 0 : i32
      %dma_wait3A_100 = tpu.memref_slice %arg3[%add3A_34, %dma_wait3A] : memref<2712x128xi32, #tpu.memory_space<hbm>> -> memref<152x128xi32, #tpu.memory_space<hbm>>
      %dma_wait3A_101 = arith.constant 0 : i32
      %dma_wait3A_102 = tpu.memref_slice %arg3[%add3A_34, %dma_wait3A_101] : memref<2712x128xi32, #tpu.memory_space<hbm>> -> memref<152x128xi32, #tpu.memory_space<hbm>>
      tpu.wait_dma2 semaphore(%run_scoped3A : memref<!tpu.dma_semaphore, #tpu.memory_space<semaphore_mem>>) src(%dma_wait3A_102 : memref<152x128xi32, #tpu.memory_space<hbm>>) dst(%arg6 : memref<152x128xi32, #tpu.memory_space<vmem>>)
      tpu.yield
    }) : () -> ()
    "tpu.region"() ({
      %run_scoped3A = tpu.sem_alloc : memref<!tpu.dma_semaphore, #tpu.memory_space<semaphore_mem>>
      %dma_start3A = arith.constant 0 : i32
      %dma_start3A_97 = tpu.memref_slice %arg4[%add3A_34, %dma_start3A] : memref<2712x128xi32, #tpu.memory_space<hbm>> -> memref<152x128xi32, #tpu.memory_space<hbm>>
      %dma_start3A_98 = arith.constant 0 : i32
      %dma_start3A_99 = tpu.memref_slice %arg4[%add3A_34, %dma_start3A_98] : memref<2712x128xi32, #tpu.memory_space<hbm>> -> memref<152x128xi32, #tpu.memory_space<hbm>>
      tpu.enqueue_dma source(%dma_start3A_99 : memref<152x128xi32, #tpu.memory_space<hbm>>) target(%arg7 : memref<152x128xi32, #tpu.memory_space<vmem>>) target_semaphore(%run_scoped3A : memref<!tpu.dma_semaphore, #tpu.memory_space<semaphore_mem>>)
      %dma_wait3A = arith.constant 0 : i32
      %dma_wait3A_100 = tpu.memref_slice %arg4[%add3A_34, %dma_wait3A] : memref<2712x128xi32, #tpu.memory_space<hbm>> -> memref<152x128xi32, #tpu.memory_space<hbm>>
      %dma_wait3A_101 = arith.constant 0 : i32
      %dma_wait3A_102 = tpu.memref_slice %arg4[%add3A_34, %dma_wait3A_101] : memref<2712x128xi32, #tpu.memory_space<hbm>> -> memref<152x128xi32, #tpu.memory_space<hbm>>
      tpu.wait_dma2 semaphore(%run_scoped3A : memref<!tpu.dma_semaphore, #tpu.memory_space<semaphore_mem>>) src(%dma_wait3A_102 : memref<152x128xi32, #tpu.memory_space<hbm>>) dst(%arg7 : memref<152x128xi32, #tpu.memory_space<vmem>>)
      tpu.yield
    }) : () -> ()
    %jit3A_35 = arith.constant 2 : i32
    %div3A = arith.divsi %select_n3A_31, %jit3A_35 : i32
    %sign3A = arith.constant 0 : i32
    %sign3A_36 = arith.cmpi sgt, %select_n3A_31, %sign3A : i32
    %sign3A_37 = arith.extui %sign3A_36 : i1 to i32
    %sign3A_38 = arith.constant 0 : i32
    %sign3A_39 = arith.cmpi slt, %select_n3A_31, %sign3A_38 : i32
    %sign3A_40 = arith.extui %sign3A_39 : i1 to i32
    %sign3A_41 = arith.subi %sign3A_37, %sign3A_40 : i32
    %sign3A_42 = arith.constant 0 : i32
    %sign3A_43 = arith.cmpi sgt, %jit3A_35, %sign3A_42 : i32
    %sign3A_44 = arith.extui %sign3A_43 : i1 to i32
    %sign3A_45 = arith.constant 0 : i32
    %sign3A_46 = arith.cmpi slt, %jit3A_35, %sign3A_45 : i32
    %sign3A_47 = arith.extui %sign3A_46 : i1 to i32
    %sign3A_48 = arith.subi %sign3A_44, %sign3A_47 : i32
    %ne3A = arith.cmpi ne, %sign3A_41, %sign3A_48 : i32
    %rem3A = arith.remsi %select_n3A_31, %jit3A_35 : i32
    %ne3A_49 = arith.constant 0 : i32
    %ne3A_50 = arith.cmpi ne, %rem3A, %ne3A_49 : i32
    %and3A_51 = arith.andi %ne3A, %ne3A_50 : i1
    %sub3A = arith.constant 1 : i32
    %sub3A_52 = arith.subi %div3A, %sub3A : i32
    %select_n3A_53 = arith.select %and3A_51, %sub3A_52, %div3A : i32
    %gt3A = arith.constant 0 : i32
    %gt3A_54 = arith.cmpi sgt, %select_n3A_31, %gt3A : i32
    %convert_element_type3A = arith.extui %gt3A_54 : i1 to i32
    %cond3A = arith.constant 0 : i32
    %cond3A_55 = arith.cmpi ne, %convert_element_type3A, %cond3A : i32
    scf.if %cond3A_55 {
      %dma_start3A = arith.constant 0 : i32
      %dma_start3A_97 = arith.constant 0 : i32
      %dma_start3A_98 = arith.constant 0 : i32
      %dma_start3A_99 = arith.constant 0 : i32
      %dma_start3A_100 = tpu.memref_slice %arg8[%dma_start3A_97, %dma_start3A_98, %dma_start3A_99] : memref<4x128x64xf32, #tpu.memory_space<vmem>> -> memref<1x128x64xf32, #tpu.memory_space<vmem>>
      %dma_start3A_101 = tpu.memref_squeeze %dma_start3A_100 : memref<1x128x64xf32, #tpu.memory_space<vmem>> -> memref<128x64xf32, #tpu.memory_space<vmem>>
      %dma_start3A_102 = arith.constant 0 : i32
      %dma_start3A_103 = tpu.memref_slice %arg6[%dma_start3A, %dma_start3A_102] : memref<152x128xi32, #tpu.memory_space<vmem>> -> memref<1x128xi32, #tpu.memory_space<vmem>>
      %dma_start3A_104 = tpu.memref_squeeze %dma_start3A_103 : memref<1x128xi32, #tpu.memory_space<vmem>> -> memref<128xi32, #tpu.memory_space<vmem>>
      %dma_start3A_105 = arith.constant 0 : i32
      %dma_start3A_106 = arith.constant 0 : i32
      %dma_start3A_107 = tpu.memref_slice %arg2[%dma_start3A_105, %dma_start3A_106] : memref<10000x64xf32, #tpu.memory_space<hbm>> -> memref<10000x64xf32, #tpu.memory_space<hbm>>
      tpu.enqueue_indirect_dma source(%dma_start3A_107 : memref<10000x64xf32, #tpu.memory_space<hbm>>) target(%dma_start3A_101 : memref<128x64xf32, #tpu.memory_space<vmem>>) offsets(%dma_start3A_104 : memref<128xi32, #tpu.memory_space<vmem>>) semaphore(%arg11 : memref<!tpu.dma_semaphore, #tpu.memory_space<semaphore_mem>>)
      %dma_start3A_108 = arith.constant 1 : i32
      %dma_start3A_109 = arith.constant 1 : i32
      %dma_start3A_110 = arith.constant 0 : i32
      %dma_start3A_111 = arith.constant 0 : i32
      %dma_start3A_112 = tpu.memref_slice %arg8[%dma_start3A_109, %dma_start3A_110, %dma_start3A_111] : memref<4x128x64xf32, #tpu.memory_space<vmem>> -> memref<1x128x64xf32, #tpu.memory_space<vmem>>
      %dma_start3A_113 = tpu.memref_squeeze %dma_start3A_112 : memref<1x128x64xf32, #tpu.memory_space<vmem>> -> memref<128x64xf32, #tpu.memory_space<vmem>>
      %dma_start3A_114 = arith.constant 0 : i32
      %dma_start3A_115 = tpu.memref_slice %arg6[%dma_start3A_108, %dma_start3A_114] : memref<152x128xi32, #tpu.memory_space<vmem>> -> memref<1x128xi32, #tpu.memory_space<vmem>>
      %dma_start3A_116 = tpu.memref_squeeze %dma_start3A_115 : memref<1x128xi32, #tpu.memory_space<vmem>> -> memref<128xi32, #tpu.memory_space<vmem>>
      %dma_start3A_117 = arith.constant 0 : i32
      %dma_start3A_118 = arith.constant 0 : i32
      %dma_start3A_119 = tpu.memref_slice %arg2[%dma_start3A_117, %dma_start3A_118] : memref<10000x64xf32, #tpu.memory_space<hbm>> -> memref<10000x64xf32, #tpu.memory_space<hbm>>
      tpu.enqueue_indirect_dma source(%dma_start3A_119 : memref<10000x64xf32, #tpu.memory_space<hbm>>) target(%dma_start3A_113 : memref<128x64xf32, #tpu.memory_space<vmem>>) offsets(%dma_start3A_116 : memref<128xi32, #tpu.memory_space<vmem>>) semaphore(%arg12 : memref<!tpu.dma_semaphore, #tpu.memory_space<semaphore_mem>>)
    } else {
    }
    %jit3A_56 = arith.constant 2 : i32
    %div3A_57 = arith.divsi %select_n3A_53, %jit3A_56 : i32
    %sign3A_58 = arith.constant 0 : i32
    %sign3A_59 = arith.cmpi sgt, %select_n3A_53, %sign3A_58 : i32
    %sign3A_60 = arith.extui %sign3A_59 : i1 to i32
    %sign3A_61 = arith.constant 0 : i32
    %sign3A_62 = arith.cmpi slt, %select_n3A_53, %sign3A_61 : i32
    %sign3A_63 = arith.extui %sign3A_62 : i1 to i32
    %sign3A_64 = arith.subi %sign3A_60, %sign3A_63 : i32
    %sign3A_65 = arith.constant 0 : i32
    %sign3A_66 = arith.cmpi sgt, %jit3A_56, %sign3A_65 : i32
    %sign3A_67 = arith.extui %sign3A_66 : i1 to i32
    %sign3A_68 = arith.constant 0 : i32
    %sign3A_69 = arith.cmpi slt, %jit3A_56, %sign3A_68 : i32
    %sign3A_70 = arith.extui %sign3A_69 : i1 to i32
    %sign3A_71 = arith.subi %sign3A_67, %sign3A_70 : i32
    %ne3A_72 = arith.cmpi ne, %sign3A_64, %sign3A_71 : i32
    %rem3A_73 = arith.remsi %select_n3A_53, %jit3A_56 : i32
    %ne3A_74 = arith.constant 0 : i32
    %ne3A_75 = arith.cmpi ne, %rem3A_73, %ne3A_74 : i32
    %and3A_76 = arith.andi %ne3A_72, %ne3A_75 : i1
    %sub3A_77 = arith.constant 1 : i32
    %sub3A_78 = arith.subi %div3A_57, %sub3A_77 : i32
    %select_n3A_79 = arith.select %and3A_76, %sub3A_78, %div3A_57 : i32
    %while3A = arith.constant 0 : i32
    %while3A_80 = arith.constant 0 : i32
    %while3A_81 = arith.subi %select_n3A_79, %while3A : i32
    %while3A_82 = arith.addi %while3A, %while3A_81 : i32
    %while3A_83 = arith.constant 1 : i32
    %while3A_84 = arith.divsi %while3A_81, %while3A_83 : i32
    %while3A_85 = arith.muli %while3A_84, %while3A_83 : i32
    %while3A_86 = arith.addi %while3A, %while3A_85 : i32
    %while3A_87 = arith.constant 1 : i32
    %while3A_88 = scf.for %while3A_97 = %while3A to %while3A_86 step %while3A_87 iter_args(%while3A_98 = %while3A_80) -> (i32)  : i32 {
      %mul3A_99 = arith.constant 2 : i32
      %mul3A_100 = arith.muli %mul3A_99, %while3A_97 : i32
      %add3A_101 = arith.constant 0 : i32
      %add3A_102 = arith.addi %mul3A_100, %add3A_101 : i32
      %gt3A_103 = arith.constant 0 : i32
      %gt3A_104 = arith.cmpi sgt, %add3A_102, %gt3A_103 : i32
      %convert_element_type3A_105 = arith.extui %gt3A_104 : i1 to i32
      %cond3A_106 = arith.constant 0 : i32
      %cond3A_107 = arith.cmpi ne, %convert_element_type3A_105, %cond3A_106 : i32
      scf.if %cond3A_107 {
        %sub3A_248 = arith.constant 1 : i32
        %sub3A_249 = arith.subi %add3A_102, %sub3A_248 : i32
        %mul3A_250 = arith.constant 2 : i32
        %mul3A_251 = arith.muli %mul3A_250, %sub3A_249 : i32
        %add3A_252 = arith.constant 0 : i32
        %add3A_253 = arith.addi %mul3A_251, %add3A_252 : i32
        %dma_wait3A_254 = arith.constant 2 : i32
        %dma_wait3A_255 = arith.constant 0 : i32
        %dma_wait3A_256 = arith.constant 0 : i32
        %dma_wait3A_257 = tpu.memref_slice %arg8[%dma_wait3A_254, %dma_wait3A_255, %dma_wait3A_256] : memref<4x128x64xf32, #tpu.memory_space<vmem>> -> memref<1x128x64xf32, #tpu.memory_space<vmem>>
        %dma_wait3A_258 = tpu.memref_squeeze %dma_wait3A_257 : memref<1x128x64xf32, #tpu.memory_space<vmem>> -> memref<128x64xf32, #tpu.memory_space<vmem>>
        %dma_wait3A_259 = arith.constant 0 : i32
        %dma_wait3A_260 = tpu.memref_slice %arg7[%add3A_253, %dma_wait3A_259] : memref<152x128xi32, #tpu.memory_space<vmem>> -> memref<1x128xi32, #tpu.memory_space<vmem>>
        %dma_wait3A_261 = tpu.memref_squeeze %dma_wait3A_260 : memref<1x128xi32, #tpu.memory_space<vmem>> -> memref<128xi32, #tpu.memory_space<vmem>>
        %dma_wait3A_262 = arith.constant 0 : i32
        %dma_wait3A_263 = arith.constant 0 : i32
        %dma_wait3A_264 = tpu.memref_slice %arg10[%dma_wait3A_262, %dma_wait3A_263] : memref<10240x64xf32, #tpu.memory_space<vmem_shared>> -> memref<10240x64xf32, #tpu.memory_space<vmem_shared>>
        tpu.wait_indirect_dma semaphore(%arg15 : memref<!tpu.dma_semaphore, #tpu.memory_space<semaphore_mem>>) src(%dma_wait3A_258 : memref<128x64xf32, #tpu.memory_space<vmem>>) dst(%dma_wait3A_264 : memref<10240x64xf32, #tpu.memory_space<vmem_shared>>)
        %sub3A_265 = arith.constant 1 : i32
        %sub3A_266 = arith.subi %add3A_102, %sub3A_265 : i32
        %mul3A_267 = arith.constant 2 : i32
        %mul3A_268 = arith.muli %mul3A_267, %sub3A_266 : i32
        %add3A_269 = arith.constant 1 : i32
        %add3A_270 = arith.addi %mul3A_268, %add3A_269 : i32
        %dma_wait3A_271 = arith.constant 3 : i32
        %dma_wait3A_272 = arith.constant 0 : i32
        %dma_wait3A_273 = arith.constant 0 : i32
        %dma_wait3A_274 = tpu.memref_slice %arg8[%dma_wait3A_271, %dma_wait3A_272, %dma_wait3A_273] : memref<4x128x64xf32, #tpu.memory_space<vmem>> -> memref<1x128x64xf32, #tpu.memory_space<vmem>>
        %dma_wait3A_275 = tpu.memref_squeeze %dma_wait3A_274 : memref<1x128x64xf32, #tpu.memory_space<vmem>> -> memref<128x64xf32, #tpu.memory_space<vmem>>
        %dma_wait3A_276 = arith.constant 0 : i32
        %dma_wait3A_277 = tpu.memref_slice %arg7[%add3A_270, %dma_wait3A_276] : memref<152x128xi32, #tpu.memory_space<vmem>> -> memref<1x128xi32, #tpu.memory_space<vmem>>
        %dma_wait3A_278 = tpu.memref_squeeze %dma_wait3A_277 : memref<1x128xi32, #tpu.memory_space<vmem>> -> memref<128xi32, #tpu.memory_space<vmem>>
        %dma_wait3A_279 = arith.constant 0 : i32
        %dma_wait3A_280 = arith.constant 0 : i32
        %dma_wait3A_281 = tpu.memref_slice %arg10[%dma_wait3A_279, %dma_wait3A_280] : memref<10240x64xf32, #tpu.memory_space<vmem_shared>> -> memref<10240x64xf32, #tpu.memory_space<vmem_shared>>
        tpu.wait_indirect_dma semaphore(%arg15 : memref<!tpu.dma_semaphore, #tpu.memory_space<semaphore_mem>>) src(%dma_wait3A_275 : memref<128x64xf32, #tpu.memory_space<vmem>>) dst(%dma_wait3A_281 : memref<10240x64xf32, #tpu.memory_space<vmem_shared>>)
      } else {
      }
      %add3A_108 = arith.constant 1 : i32
      %add3A_109 = arith.addi %add3A_102, %add3A_108 : i32
      %lt3A_110 = arith.cmpi slt, %add3A_109, %select_n3A_53 : i32
      %convert_element_type3A_111 = arith.extui %lt3A_110 : i1 to i32
      %cond3A_112 = arith.constant 0 : i32
      %cond3A_113 = arith.cmpi ne, %convert_element_type3A_111, %cond3A_112 : i32
      scf.if %cond3A_113 {
        %add3A_248 = arith.constant 1 : i32
        %add3A_249 = arith.addi %add3A_102, %add3A_248 : i32
        %mul3A_250 = arith.constant 2 : i32
        %mul3A_251 = arith.muli %mul3A_250, %add3A_249 : i32
        %add3A_252 = arith.constant 0 : i32
        %add3A_253 = arith.addi %mul3A_251, %add3A_252 : i32
        %dma_start3A_254 = arith.constant 2 : i32
        %dma_start3A_255 = arith.constant 0 : i32
        %dma_start3A_256 = arith.constant 0 : i32
        %dma_start3A_257 = tpu.memref_slice %arg8[%dma_start3A_254, %dma_start3A_255, %dma_start3A_256] : memref<4x128x64xf32, #tpu.memory_space<vmem>> -> memref<1x128x64xf32, #tpu.memory_space<vmem>>
        %dma_start3A_258 = tpu.memref_squeeze %dma_start3A_257 : memref<1x128x64xf32, #tpu.memory_space<vmem>> -> memref<128x64xf32, #tpu.memory_space<vmem>>
        %dma_start3A_259 = arith.constant 0 : i32
        %dma_start3A_260 = tpu.memref_slice %arg6[%add3A_253, %dma_start3A_259] : memref<152x128xi32, #tpu.memory_space<vmem>> -> memref<1x128xi32, #tpu.memory_space<vmem>>
        %dma_start3A_261 = tpu.memref_squeeze %dma_start3A_260 : memref<1x128xi32, #tpu.memory_space<vmem>> -> memref<128xi32, #tpu.memory_space<vmem>>
        %dma_start3A_262 = arith.constant 0 : i32
        %dma_start3A_263 = arith.constant 0 : i32
        %dma_start3A_264 = tpu.memref_slice %arg2[%dma_start3A_262, %dma_start3A_263] : memref<10000x64xf32, #tpu.memory_space<hbm>> -> memref<10000x64xf32, #tpu.memory_space<hbm>>
        tpu.enqueue_indirect_dma source(%dma_start3A_264 : memref<10000x64xf32, #tpu.memory_space<hbm>>) target(%dma_start3A_258 : memref<128x64xf32, #tpu.memory_space<vmem>>) offsets(%dma_start3A_261 : memref<128xi32, #tpu.memory_space<vmem>>) semaphore(%arg13 : memref<!tpu.dma_semaphore, #tpu.memory_space<semaphore_mem>>)
        %add3A_265 = arith.constant 1 : i32
        %add3A_266 = arith.addi %add3A_102, %add3A_265 : i32
        %mul3A_267 = arith.constant 2 : i32
        %mul3A_268 = arith.muli %mul3A_267, %add3A_266 : i32
        %add3A_269 = arith.constant 1 : i32
        %add3A_270 = arith.addi %mul3A_268, %add3A_269 : i32
        %dma_start3A_271 = arith.constant 3 : i32
        %dma_start3A_272 = arith.constant 0 : i32
        %dma_start3A_273 = arith.constant 0 : i32
        %dma_start3A_274 = tpu.memref_slice %arg8[%dma_start3A_271, %dma_start3A_272, %dma_start3A_273] : memref<4x128x64xf32, #tpu.memory_space<vmem>> -> memref<1x128x64xf32, #tpu.memory_space<vmem>>
        %dma_start3A_275 = tpu.memref_squeeze %dma_start3A_274 : memref<1x128x64xf32, #tpu.memory_space<vmem>> -> memref<128x64xf32, #tpu.memory_space<vmem>>
        %dma_start3A_276 = arith.constant 0 : i32
        %dma_start3A_277 = tpu.memref_slice %arg6[%add3A_270, %dma_start3A_276] : memref<152x128xi32, #tpu.memory_space<vmem>> -> memref<1x128xi32, #tpu.memory_space<vmem>>
        %dma_start3A_278 = tpu.memref_squeeze %dma_start3A_277 : memref<1x128xi32, #tpu.memory_space<vmem>> -> memref<128xi32, #tpu.memory_space<vmem>>
        %dma_start3A_279 = arith.constant 0 : i32
        %dma_start3A_280 = arith.constant 0 : i32
        %dma_start3A_281 = tpu.memref_slice %arg2[%dma_start3A_279, %dma_start3A_280] : memref<10000x64xf32, #tpu.memory_space<hbm>> -> memref<10000x64xf32, #tpu.memory_space<hbm>>
        tpu.enqueue_indirect_dma source(%dma_start3A_281 : memref<10000x64xf32, #tpu.memory_space<hbm>>) target(%dma_start3A_275 : memref<128x64xf32, #tpu.memory_space<vmem>>) offsets(%dma_start3A_278 : memref<128xi32, #tpu.memory_space<vmem>>) semaphore(%arg14 : memref<!tpu.dma_semaphore, #tpu.memory_space<semaphore_mem>>)
      } else {
      }
      %mul3A_114 = arith.constant 2 : i32
      %mul3A_115 = arith.muli %mul3A_114, %add3A_102 : i32
      %add3A_116 = arith.constant 0 : i32
      %add3A_117 = arith.addi %mul3A_115, %add3A_116 : i32
      %dma_wait3A = arith.constant 0 : i32
      %dma_wait3A_118 = arith.constant 0 : i32
      %dma_wait3A_119 = arith.constant 0 : i32
      %dma_wait3A_120 = tpu.memref_slice %arg8[%dma_wait3A, %dma_wait3A_118, %dma_wait3A_119] : memref<4x128x64xf32, #tpu.memory_space<vmem>> -> memref<1x128x64xf32, #tpu.memory_space<vmem>>
      %dma_wait3A_121 = tpu.memref_squeeze %dma_wait3A_120 : memref<1x128x64xf32, #tpu.memory_space<vmem>> -> memref<128x64xf32, #tpu.memory_space<vmem>>
      %dma_wait3A_122 = arith.constant 0 : i32
      %dma_wait3A_123 = tpu.memref_slice %arg6[%add3A_117, %dma_wait3A_122] : memref<152x128xi32, #tpu.memory_space<vmem>> -> memref<1x128xi32, #tpu.memory_space<vmem>>
      %dma_wait3A_124 = tpu.memref_squeeze %dma_wait3A_123 : memref<1x128xi32, #tpu.memory_space<vmem>> -> memref<128xi32, #tpu.memory_space<vmem>>
      %dma_wait3A_125 = arith.constant 0 : i32
      %dma_wait3A_126 = arith.constant 0 : i32
      %dma_wait3A_127 = tpu.memref_slice %arg2[%dma_wait3A_125, %dma_wait3A_126] : memref<10000x64xf32, #tpu.memory_space<hbm>> -> memref<10000x64xf32, #tpu.memory_space<hbm>>
      tpu.wait_indirect_dma semaphore(%arg11 : memref<!tpu.dma_semaphore, #tpu.memory_space<semaphore_mem>>) src(%dma_wait3A_127 : memref<10000x64xf32, #tpu.memory_space<hbm>>) dst(%dma_wait3A_121 : memref<128x64xf32, #tpu.memory_space<vmem>>)
      %mul3A_128 = arith.constant 2 : i32
      %mul3A_129 = arith.muli %mul3A_128, %add3A_102 : i32
      %add3A_130 = arith.constant 0 : i32
      %add3A_131 = arith.addi %mul3A_129, %add3A_130 : i32
      %dma_start3A = arith.constant 0 : i32
      %dma_start3A_132 = arith.constant 0 : i32
      %dma_start3A_133 = arith.constant 0 : i32
      %dma_start3A_134 = tpu.memref_slice %arg8[%dma_start3A, %dma_start3A_132, %dma_start3A_133] : memref<4x128x64xf32, #tpu.memory_space<vmem>> -> memref<1x128x64xf32, #tpu.memory_space<vmem>>
      %dma_start3A_135 = tpu.memref_squeeze %dma_start3A_134 : memref<1x128x64xf32, #tpu.memory_space<vmem>> -> memref<128x64xf32, #tpu.memory_space<vmem>>
      %dma_start3A_136 = arith.constant 0 : i32
      %dma_start3A_137 = tpu.memref_slice %arg7[%add3A_131, %dma_start3A_136] : memref<152x128xi32, #tpu.memory_space<vmem>> -> memref<1x128xi32, #tpu.memory_space<vmem>>
      %dma_start3A_138 = tpu.memref_squeeze %dma_start3A_137 : memref<1x128xi32, #tpu.memory_space<vmem>> -> memref<128xi32, #tpu.memory_space<vmem>>
      %dma_start3A_139 = arith.constant 0 : i32
      %dma_start3A_140 = arith.constant 0 : i32
      %dma_start3A_141 = tpu.memref_slice %arg10[%dma_start3A_139, %dma_start3A_140] : memref<10240x64xf32, #tpu.memory_space<vmem_shared>> -> memref<10240x64xf32, #tpu.memory_space<vmem_shared>>
      tpu.enqueue_indirect_dma source(%dma_start3A_135 : memref<128x64xf32, #tpu.memory_space<vmem>>) target(%dma_start3A_141 : memref<10240x64xf32, #tpu.memory_space<vmem_shared>>) offsets(%dma_start3A_138 : memref<128xi32, #tpu.memory_space<vmem>>) semaphore(%arg15 : memref<!tpu.dma_semaphore, #tpu.memory_space<semaphore_mem>>) {add = true}
      %mul3A_142 = arith.constant 2 : i32
      %mul3A_143 = arith.muli %mul3A_142, %add3A_102 : i32
      %add3A_144 = arith.constant 1 : i32
      %add3A_145 = arith.addi %mul3A_143, %add3A_144 : i32
      %dma_wait3A_146 = arith.constant 1 : i32
      %dma_wait3A_147 = arith.constant 0 : i32
      %dma_wait3A_148 = arith.constant 0 : i32
      %dma_wait3A_149 = tpu.memref_slice %arg8[%dma_wait3A_146, %dma_wait3A_147, %dma_wait3A_148] : memref<4x128x64xf32, #tpu.memory_space<vmem>> -> memref<1x128x64xf32, #tpu.memory_space<vmem>>
      %dma_wait3A_150 = tpu.memref_squeeze %dma_wait3A_149 : memref<1x128x64xf32, #tpu.memory_space<vmem>> -> memref<128x64xf32, #tpu.memory_space<vmem>>
      %dma_wait3A_151 = arith.constant 0 : i32
      %dma_wait3A_152 = tpu.memref_slice %arg6[%add3A_145, %dma_wait3A_151] : memref<152x128xi32, #tpu.memory_space<vmem>> -> memref<1x128xi32, #tpu.memory_space<vmem>>
      %dma_wait3A_153 = tpu.memref_squeeze %dma_wait3A_152 : memref<1x128xi32, #tpu.memory_space<vmem>> -> memref<128xi32, #tpu.memory_space<vmem>>
      %dma_wait3A_154 = arith.constant 0 : i32
      %dma_wait3A_155 = arith.constant 0 : i32
      %dma_wait3A_156 = tpu.memref_slice %arg2[%dma_wait3A_154, %dma_wait3A_155] : memref<10000x64xf32, #tpu.memory_space<hbm>> -> memref<10000x64xf32, #tpu.memory_space<hbm>>
      tpu.wait_indirect_dma semaphore(%arg12 : memref<!tpu.dma_semaphore, #tpu.memory_space<semaphore_mem>>) src(%dma_wait3A_156 : memref<10000x64xf32, #tpu.memory_space<hbm>>) dst(%dma_wait3A_150 : memref<128x64xf32, #tpu.memory_space<vmem>>)
      %mul3A_157 = arith.constant 2 : i32
      %mul3A_158 = arith.muli %mul3A_157, %add3A_102 : i32
      %add3A_159 = arith.constant 1 : i32
      %add3A_160 = arith.addi %mul3A_158, %add3A_159 : i32
      %dma_start3A_161 = arith.constant 1 : i32
      %dma_start3A_162 = arith.constant 0 : i32
      %dma_start3A_163 = arith.constant 0 : i32
      %dma_start3A_164 = tpu.memref_slice %arg8[%dma_start3A_161, %dma_start3A_162, %dma_start3A_163] : memref<4x128x64xf32, #tpu.memory_space<vmem>> -> memref<1x128x64xf32, #tpu.memory_space<vmem>>
      %dma_start3A_165 = tpu.memref_squeeze %dma_start3A_164 : memref<1x128x64xf32, #tpu.memory_space<vmem>> -> memref<128x64xf32, #tpu.memory_space<vmem>>
      %dma_start3A_166 = arith.constant 0 : i32
      %dma_start3A_167 = tpu.memref_slice %arg7[%add3A_160, %dma_start3A_166] : memref<152x128xi32, #tpu.memory_space<vmem>> -> memref<1x128xi32, #tpu.memory_space<vmem>>
      %dma_start3A_168 = tpu.memref_squeeze %dma_start3A_167 : memref<1x128xi32, #tpu.memory_space<vmem>> -> memref<128xi32, #tpu.memory_space<vmem>>
      %dma_start3A_169 = arith.constant 0 : i32
      %dma_start3A_170 = arith.constant 0 : i32
      %dma_start3A_171 = tpu.memref_slice %arg10[%dma_start3A_169, %dma_start3A_170] : memref<10240x64xf32, #tpu.memory_space<vmem_shared>> -> memref<10240x64xf32, #tpu.memory_space<vmem_shared>>
      tpu.enqueue_indirect_dma source(%dma_start3A_165 : memref<128x64xf32, #tpu.memory_space<vmem>>) target(%dma_start3A_171 : memref<10240x64xf32, #tpu.memory_space<vmem_shared>>) offsets(%dma_start3A_168 : memref<128xi32, #tpu.memory_space<vmem>>) semaphore(%arg15 : memref<!tpu.dma_semaphore, #tpu.memory_space<semaphore_mem>>) {add = true}
      %mul3A_172 = arith.constant 2 : i32
      %mul3A_173 = arith.muli %mul3A_172, %while3A_97 : i32
      %add3A_174 = arith.constant 1 : i32
      %add3A_175 = arith.addi %mul3A_173, %add3A_174 : i32
      %gt3A_176 = arith.constant 0 : i32
      %gt3A_177 = arith.cmpi sgt, %add3A_175, %gt3A_176 : i32
      %convert_element_type3A_178 = arith.extui %gt3A_177 : i1 to i32
      %cond3A_179 = arith.constant 0 : i32
      %cond3A_180 = arith.cmpi ne, %convert_element_type3A_178, %cond3A_179 : i32
      scf.if %cond3A_180 {
        %sub3A_248 = arith.constant 1 : i32
        %sub3A_249 = arith.subi %add3A_175, %sub3A_248 : i32
        %mul3A_250 = arith.constant 2 : i32
        %mul3A_251 = arith.muli %mul3A_250, %sub3A_249 : i32
        %add3A_252 = arith.constant 0 : i32
        %add3A_253 = arith.addi %mul3A_251, %add3A_252 : i32
        %dma_wait3A_254 = arith.constant 0 : i32
        %dma_wait3A_255 = arith.constant 0 : i32
        %dma_wait3A_256 = arith.constant 0 : i32
        %dma_wait3A_257 = tpu.memref_slice %arg8[%dma_wait3A_254, %dma_wait3A_255, %dma_wait3A_256] : memref<4x128x64xf32, #tpu.memory_space<vmem>> -> memref<1x128x64xf32, #tpu.memory_space<vmem>>
        %dma_wait3A_258 = tpu.memref_squeeze %dma_wait3A_257 : memref<1x128x64xf32, #tpu.memory_space<vmem>> -> memref<128x64xf32, #tpu.memory_space<vmem>>
        %dma_wait3A_259 = arith.constant 0 : i32
        %dma_wait3A_260 = tpu.memref_slice %arg7[%add3A_253, %dma_wait3A_259] : memref<152x128xi32, #tpu.memory_space<vmem>> -> memref<1x128xi32, #tpu.memory_space<vmem>>
        %dma_wait3A_261 = tpu.memref_squeeze %dma_wait3A_260 : memref<1x128xi32, #tpu.memory_space<vmem>> -> memref<128xi32, #tpu.memory_space<vmem>>
        %dma_wait3A_262 = arith.constant 0 : i32
        %dma_wait3A_263 = arith.constant 0 : i32
        %dma_wait3A_264 = tpu.memref_slice %arg10[%dma_wait3A_262, %dma_wait3A_263] : memref<10240x64xf32, #tpu.memory_space<vmem_shared>> -> memref<10240x64xf32, #tpu.memory_space<vmem_shared>>
        tpu.wait_indirect_dma semaphore(%arg15 : memref<!tpu.dma_semaphore, #tpu.memory_space<semaphore_mem>>) src(%dma_wait3A_258 : memref<128x64xf32, #tpu.memory_space<vmem>>) dst(%dma_wait3A_264 : memref<10240x64xf32, #tpu.memory_space<vmem_shared>>)
        %sub3A_265 = arith.constant 1 : i32
        %sub3A_266 = arith.subi %add3A_175, %sub3A_265 : i32
        %mul3A_267 = arith.constant 2 : i32
        %mul3A_268 = arith.muli %mul3A_267, %sub3A_266 : i32
        %add3A_269 = arith.constant 1 : i32
        %add3A_270 = arith.addi %mul3A_268, %add3A_269 : i32
        %dma_wait3A_271 = arith.constant 1 : i32
        %dma_wait3A_272 = arith.constant 0 : i32
        %dma_wait3A_273 = arith.constant 0 : i32
        %dma_wait3A_274 = tpu.memref_slice %arg8[%dma_wait3A_271, %dma_wait3A_272, %dma_wait3A_273] : memref<4x128x64xf32, #tpu.memory_space<vmem>> -> memref<1x128x64xf32, #tpu.memory_space<vmem>>
        %dma_wait3A_275 = tpu.memref_squeeze %dma_wait3A_274 : memref<1x128x64xf32, #tpu.memory_space<vmem>> -> memref<128x64xf32, #tpu.memory_space<vmem>>
        %dma_wait3A_276 = arith.constant 0 : i32
        %dma_wait3A_277 = tpu.memref_slice %arg7[%add3A_270, %dma_wait3A_276] : memref<152x128xi32, #tpu.memory_space<vmem>> -> memref<1x128xi32, #tpu.memory_space<vmem>>
        %dma_wait3A_278 = tpu.memref_squeeze %dma_wait3A_277 : memref<1x128xi32, #tpu.memory_space<vmem>> -> memref<128xi32, #tpu.memory_space<vmem>>
        %dma_wait3A_279 = arith.constant 0 : i32
        %dma_wait3A_280 = arith.constant 0 : i32
        %dma_wait3A_281 = tpu.memref_slice %arg10[%dma_wait3A_279, %dma_wait3A_280] : memref<10240x64xf32, #tpu.memory_space<vmem_shared>> -> memref<10240x64xf32, #tpu.memory_space<vmem_shared>>
        tpu.wait_indirect_dma semaphore(%arg15 : memref<!tpu.dma_semaphore, #tpu.memory_space<semaphore_mem>>) src(%dma_wait3A_275 : memref<128x64xf32, #tpu.memory_space<vmem>>) dst(%dma_wait3A_281 : memref<10240x64xf32, #tpu.memory_space<vmem_shared>>)
      } else {
      }
      %add3A_181 = arith.constant 1 : i32
      %add3A_182 = arith.addi %add3A_175, %add3A_181 : i32
      %lt3A_183 = arith.cmpi slt, %add3A_182, %select_n3A_53 : i32
      %convert_element_type3A_184 = arith.extui %lt3A_183 : i1 to i32
      %cond3A_185 = arith.constant 0 : i32
      %cond3A_186 = arith.cmpi ne, %convert_element_type3A_184, %cond3A_185 : i32
      scf.if %cond3A_186 {
        %add3A_248 = arith.constant 1 : i32
        %add3A_249 = arith.addi %add3A_175, %add3A_248 : i32
        %mul3A_250 = arith.constant 2 : i32
        %mul3A_251 = arith.muli %mul3A_250, %add3A_249 : i32
        %add3A_252 = arith.constant 0 : i32
        %add3A_253 = arith.addi %mul3A_251, %add3A_252 : i32
        %dma_start3A_254 = arith.constant 0 : i32
        %dma_start3A_255 = arith.constant 0 : i32
        %dma_start3A_256 = arith.constant 0 : i32
        %dma_start3A_257 = tpu.memref_slice %arg8[%dma_start3A_254, %dma_start3A_255, %dma_start3A_256] : memref<4x128x64xf32, #tpu.memory_space<vmem>> -> memref<1x128x64xf32, #tpu.memory_space<vmem>>
        %dma_start3A_258 = tpu.memref_squeeze %dma_start3A_257 : memref<1x128x64xf32, #tpu.memory_space<vmem>> -> memref<128x64xf32, #tpu.memory_space<vmem>>
        %dma_start3A_259 = arith.constant 0 : i32
        %dma_start3A_260 = tpu.memref_slice %arg6[%add3A_253, %dma_start3A_259] : memref<152x128xi32, #tpu.memory_space<vmem>> -> memref<1x128xi32, #tpu.memory_space<vmem>>
        %dma_start3A_261 = tpu.memref_squeeze %dma_start3A_260 : memref<1x128xi32, #tpu.memory_space<vmem>> -> memref<128xi32, #tpu.memory_space<vmem>>
        %dma_start3A_262 = arith.constant 0 : i32
        %dma_start3A_263 = arith.constant 0 : i32
        %dma_start3A_264 = tpu.memref_slice %arg2[%dma_start3A_262, %dma_start3A_263] : memref<10000x64xf32, #tpu.memory_space<hbm>> -> memref<10000x64xf32, #tpu.memory_space<hbm>>
        tpu.enqueue_indirect_dma source(%dma_start3A_264 : memref<10000x64xf32, #tpu.memory_space<hbm>>) target(%dma_start3A_258 : memref<128x64xf32, #tpu.memory_space<vmem>>) offsets(%dma_start3A_261 : memref<128xi32, #tpu.memory_space<vmem>>) semaphore(%arg11 : memref<!tpu.dma_semaphore, #tpu.memory_space<semaphore_mem>>)
        %add3A_265 = arith.constant 1 : i32
        %add3A_266 = arith.addi %add3A_175, %add3A_265 : i32
        %mul3A_267 = arith.constant 2 : i32
        %mul3A_268 = arith.muli %mul3A_267, %add3A_266 : i32
        %add3A_269 = arith.constant 1 : i32
        %add3A_270 = arith.addi %mul3A_268, %add3A_269 : i32
        %dma_start3A_271 = arith.constant 1 : i32
        %dma_start3A_272 = arith.constant 0 : i32
        %dma_start3A_273 = arith.constant 0 : i32
        %dma_start3A_274 = tpu.memref_slice %arg8[%dma_start3A_271, %dma_start3A_272, %dma_start3A_273] : memref<4x128x64xf32, #tpu.memory_space<vmem>> -> memref<1x128x64xf32, #tpu.memory_space<vmem>>
        %dma_start3A_275 = tpu.memref_squeeze %dma_start3A_274 : memref<1x128x64xf32, #tpu.memory_space<vmem>> -> memref<128x64xf32, #tpu.memory_space<vmem>>
        %dma_start3A_276 = arith.constant 0 : i32
        %dma_start3A_277 = tpu.memref_slice %arg6[%add3A_270, %dma_start3A_276] : memref<152x128xi32, #tpu.memory_space<vmem>> -> memref<1x128xi32, #tpu.memory_space<vmem>>
        %dma_start3A_278 = tpu.memref_squeeze %dma_start3A_277 : memref<1x128xi32, #tpu.memory_space<vmem>> -> memref<128xi32, #tpu.memory_space<vmem>>
        %dma_start3A_279 = arith.constant 0 : i32
        %dma_start3A_280 = arith.constant 0 : i32
        %dma_start3A_281 = tpu.memref_slice %arg2[%dma_start3A_279, %dma_start3A_280] : memref<10000x64xf32, #tpu.memory_space<hbm>> -> memref<10000x64xf32, #tpu.memory_space<hbm>>
        tpu.enqueue_indirect_dma source(%dma_start3A_281 : memref<10000x64xf32, #tpu.memory_space<hbm>>) target(%dma_start3A_275 : memref<128x64xf32, #tpu.memory_space<vmem>>) offsets(%dma_start3A_278 : memref<128xi32, #tpu.memory_space<vmem>>) semaphore(%arg12 : memref<!tpu.dma_semaphore, #tpu.memory_space<semaphore_mem>>)
      } else {
      }
      %mul3A_187 = arith.constant 2 : i32
      %mul3A_188 = arith.muli %mul3A_187, %add3A_175 : i32
      %add3A_189 = arith.constant 0 : i32
      %add3A_190 = arith.addi %mul3A_188, %add3A_189 : i32
      %dma_wait3A_191 = arith.constant 2 : i32
      %dma_wait3A_192 = arith.constant 0 : i32
      %dma_wait3A_193 = arith.constant 0 : i32
      %dma_wait3A_194 = tpu.memref_slice %arg8[%dma_wait3A_191, %dma_wait3A_192, %dma_wait3A_193] : memref<4x128x64xf32, #tpu.memory_space<vmem>> -> memref<1x128x64xf32, #tpu.memory_space<vmem>>
      %dma_wait3A_195 = tpu.memref_squeeze %dma_wait3A_194 : memref<1x128x64xf32, #tpu.memory_space<vmem>> -> memref<128x64xf32, #tpu.memory_space<vmem>>
      %dma_wait3A_196 = arith.constant 0 : i32
      %dma_wait3A_197 = tpu.memref_slice %arg6[%add3A_190, %dma_wait3A_196] : memref<152x128xi32, #tpu.memory_space<vmem>> -> memref<1x128xi32, #tpu.memory_space<vmem>>
      %dma_wait3A_198 = tpu.memref_squeeze %dma_wait3A_197 : memref<1x128xi32, #tpu.memory_space<vmem>> -> memref<128xi32, #tpu.memory_space<vmem>>
      %dma_wait3A_199 = arith.constant 0 : i32
      %dma_wait3A_200 = arith.constant 0 : i32
      %dma_wait3A_201 = tpu.memref_slice %arg2[%dma_wait3A_199, %dma_wait3A_200] : memref<10000x64xf32, #tpu.memory_space<hbm>> -> memref<10000x64xf32, #tpu.memory_space<hbm>>
      tpu.wait_indirect_dma semaphore(%arg13 : memref<!tpu.dma_semaphore, #tpu.memory_space<semaphore_mem>>) src(%dma_wait3A_201 : memref<10000x64xf32, #tpu.memory_space<hbm>>) dst(%dma_wait3A_195 : memref<128x64xf32, #tpu.memory_space<vmem>>)
      %mul3A_202 = arith.constant 2 : i32
      %mul3A_203 = arith.muli %mul3A_202, %add3A_175 : i32
      %add3A_204 = arith.constant 0 : i32
      %add3A_205 = arith.addi %mul3A_203, %add3A_204 : i32
      %dma_start3A_206 = arith.constant 2 : i32
      %dma_start3A_207 = arith.constant 0 : i32
      %dma_start3A_208 = arith.constant 0 : i32
      %dma_start3A_209 = tpu.memref_slice %arg8[%dma_start3A_206, %dma_start3A_207, %dma_start3A_208] : memref<4x128x64xf32, #tpu.memory_space<vmem>> -> memref<1x128x64xf32, #tpu.memory_space<vmem>>
      %dma_start3A_210 = tpu.memref_squeeze %dma_start3A_209 : memref<1x128x64xf32, #tpu.memory_space<vmem>> -> memref<128x64xf32, #tpu.memory_space<vmem>>
      %dma_start3A_211 = arith.constant 0 : i32
      %dma_start3A_212 = tpu.memref_slice %arg7[%add3A_205, %dma_start3A_211] : memref<152x128xi32, #tpu.memory_space<vmem>> -> memref<1x128xi32, #tpu.memory_space<vmem>>
      %dma_start3A_213 = tpu.memref_squeeze %dma_start3A_212 : memref<1x128xi32, #tpu.memory_space<vmem>> -> memref<128xi32, #tpu.memory_space<vmem>>
      %dma_start3A_214 = arith.constant 0 : i32
      %dma_start3A_215 = arith.constant 0 : i32
      %dma_start3A_216 = tpu.memref_slice %arg10[%dma_start3A_214, %dma_start3A_215] : memref<10240x64xf32, #tpu.memory_space<vmem_shared>> -> memref<10240x64xf32, #tpu.memory_space<vmem_shared>>
      tpu.enqueue_indirect_dma source(%dma_start3A_210 : memref<128x64xf32, #tpu.memory_space<vmem>>) target(%dma_start3A_216 : memref<10240x64xf32, #tpu.memory_space<vmem_shared>>) offsets(%dma_start3A_213 : memref<128xi32, #tpu.memory_space<vmem>>) semaphore(%arg15 : memref<!tpu.dma_semaphore, #tpu.memory_space<semaphore_mem>>) {add = true}
      %mul3A_217 = arith.constant 2 : i32
      %mul3A_218 = arith.muli %mul3A_217, %add3A_175 : i32
      %add3A_219 = arith.constant 1 : i32
      %add3A_220 = arith.addi %mul3A_218, %add3A_219 : i32
      %dma_wait3A_221 = arith.constant 3 : i32
      %dma_wait3A_222 = arith.constant 0 : i32
      %dma_wait3A_223 = arith.constant 0 : i32
      %dma_wait3A_224 = tpu.memref_slice %arg8[%dma_wait3A_221, %dma_wait3A_222, %dma_wait3A_223] : memref<4x128x64xf32, #tpu.memory_space<vmem>> -> memref<1x128x64xf32, #tpu.memory_space<vmem>>
      %dma_wait3A_225 = tpu.memref_squeeze %dma_wait3A_224 : memref<1x128x64xf32, #tpu.memory_space<vmem>> -> memref<128x64xf32, #tpu.memory_space<vmem>>
      %dma_wait3A_226 = arith.constant 0 : i32
      %dma_wait3A_227 = tpu.memref_slice %arg6[%add3A_220, %dma_wait3A_226] : memref<152x128xi32, #tpu.memory_space<vmem>> -> memref<1x128xi32, #tpu.memory_space<vmem>>
      %dma_wait3A_228 = tpu.memref_squeeze %dma_wait3A_227 : memref<1x128xi32, #tpu.memory_space<vmem>> -> memref<128xi32, #tpu.memory_space<vmem>>
      %dma_wait3A_229 = arith.constant 0 : i32
      %dma_wait3A_230 = arith.constant 0 : i32
      %dma_wait3A_231 = tpu.memref_slice %arg2[%dma_wait3A_229, %dma_wait3A_230] : memref<10000x64xf32, #tpu.memory_space<hbm>> -> memref<10000x64xf32, #tpu.memory_space<hbm>>
      tpu.wait_indirect_dma semaphore(%arg14 : memref<!tpu.dma_semaphore, #tpu.memory_space<semaphore_mem>>) src(%dma_wait3A_231 : memref<10000x64xf32, #tpu.memory_space<hbm>>) dst(%dma_wait3A_225 : memref<128x64xf32, #tpu.memory_space<vmem>>)
      %mul3A_232 = arith.constant 2 : i32
      %mul3A_233 = arith.muli %mul3A_232, %add3A_175 : i32
      %add3A_234 = arith.constant 1 : i32
      %add3A_235 = arith.addi %mul3A_233, %add3A_234 : i32
      %dma_start3A_236 = arith.constant 3 : i32
      %dma_start3A_237 = arith.constant 0 : i32
      %dma_start3A_238 = arith.constant 0 : i32
      %dma_start3A_239 = tpu.memref_slice %arg8[%dma_start3A_236, %dma_start3A_237, %dma_start3A_238] : memref<4x128x64xf32, #tpu.memory_space<vmem>> -> memref<1x128x64xf32, #tpu.memory_space<vmem>>
      %dma_start3A_240 = tpu.memref_squeeze %dma_start3A_239 : memref<1x128x64xf32, #tpu.memory_space<vmem>> -> memref<128x64xf32, #tpu.memory_space<vmem>>
      %dma_start3A_241 = arith.constant 0 : i32
      %dma_start3A_242 = tpu.memref_slice %arg7[%add3A_235, %dma_start3A_241] : memref<152x128xi32, #tpu.memory_space<vmem>> -> memref<1x128xi32, #tpu.memory_space<vmem>>
      %dma_start3A_243 = tpu.memref_squeeze %dma_start3A_242 : memref<1x128xi32, #tpu.memory_space<vmem>> -> memref<128xi32, #tpu.memory_space<vmem>>
      %dma_start3A_244 = arith.constant 0 : i32
      %dma_start3A_245 = arith.constant 0 : i32
      %dma_start3A_246 = tpu.memref_slice %arg10[%dma_start3A_244, %dma_start3A_245] : memref<10240x64xf32, #tpu.memory_space<vmem_shared>> -> memref<10240x64xf32, #tpu.memory_space<vmem_shared>>
      tpu.enqueue_indirect_dma source(%dma_start3A_240 : memref<128x64xf32, #tpu.memory_space<vmem>>) target(%dma_start3A_246 : memref<10240x64xf32, #tpu.memory_space<vmem_shared>>) offsets(%dma_start3A_243 : memref<128xi32, #tpu.memory_space<vmem>>) semaphore(%arg15 : memref<!tpu.dma_semaphore, #tpu.memory_space<semaphore_mem>>) {add = true}
      %while3A_247 = arith.constant 0 : i32
      scf.yield %while3A_247 : i32
    }
    %while3A_89 = arith.constant 1 : i32
    %while3A_90 = scf.for %while3A_97 = %while3A_86 to %while3A_82 step %while3A_89 iter_args(%while3A_98 = %while3A_88) -> (i32)  : i32 {
      %mul3A_99 = arith.constant 2 : i32
      %mul3A_100 = arith.muli %mul3A_99, %while3A_97 : i32
      %add3A_101 = arith.constant 0 : i32
      %add3A_102 = arith.addi %mul3A_100, %add3A_101 : i32
      %gt3A_103 = arith.constant 0 : i32
      %gt3A_104 = arith.cmpi sgt, %add3A_102, %gt3A_103 : i32
      %convert_element_type3A_105 = arith.extui %gt3A_104 : i1 to i32
      %cond3A_106 = arith.constant 0 : i32
      %cond3A_107 = arith.cmpi ne, %convert_element_type3A_105, %cond3A_106 : i32
      scf.if %cond3A_107 {
        %sub3A_248 = arith.constant 1 : i32
        %sub3A_249 = arith.subi %add3A_102, %sub3A_248 : i32
        %mul3A_250 = arith.constant 2 : i32
        %mul3A_251 = arith.muli %mul3A_250, %sub3A_249 : i32
        %add3A_252 = arith.constant 0 : i32
        %add3A_253 = arith.addi %mul3A_251, %add3A_252 : i32
        %dma_wait3A_254 = arith.constant 2 : i32
        %dma_wait3A_255 = arith.constant 0 : i32
        %dma_wait3A_256 = arith.constant 0 : i32
        %dma_wait3A_257 = tpu.memref_slice %arg8[%dma_wait3A_254, %dma_wait3A_255, %dma_wait3A_256] : memref<4x128x64xf32, #tpu.memory_space<vmem>> -> memref<1x128x64xf32, #tpu.memory_space<vmem>>
        %dma_wait3A_258 = tpu.memref_squeeze %dma_wait3A_257 : memref<1x128x64xf32, #tpu.memory_space<vmem>> -> memref<128x64xf32, #tpu.memory_space<vmem>>
        %dma_wait3A_259 = arith.constant 0 : i32
        %dma_wait3A_260 = tpu.memref_slice %arg7[%add3A_253, %dma_wait3A_259] : memref<152x128xi32, #tpu.memory_space<vmem>> -> memref<1x128xi32, #tpu.memory_space<vmem>>
        %dma_wait3A_261 = tpu.memref_squeeze %dma_wait3A_260 : memref<1x128xi32, #tpu.memory_space<vmem>> -> memref<128xi32, #tpu.memory_space<vmem>>
        %dma_wait3A_262 = arith.constant 0 : i32
        %dma_wait3A_263 = arith.constant 0 : i32
        %dma_wait3A_264 = tpu.memref_slice %arg10[%dma_wait3A_262, %dma_wait3A_263] : memref<10240x64xf32, #tpu.memory_space<vmem_shared>> -> memref<10240x64xf32, #tpu.memory_space<vmem_shared>>
        tpu.wait_indirect_dma semaphore(%arg15 : memref<!tpu.dma_semaphore, #tpu.memory_space<semaphore_mem>>) src(%dma_wait3A_258 : memref<128x64xf32, #tpu.memory_space<vmem>>) dst(%dma_wait3A_264 : memref<10240x64xf32, #tpu.memory_space<vmem_shared>>)
        %sub3A_265 = arith.constant 1 : i32
        %sub3A_266 = arith.subi %add3A_102, %sub3A_265 : i32
        %mul3A_267 = arith.constant 2 : i32
        %mul3A_268 = arith.muli %mul3A_267, %sub3A_266 : i32
        %add3A_269 = arith.constant 1 : i32
        %add3A_270 = arith.addi %mul3A_268, %add3A_269 : i32
        %dma_wait3A_271 = arith.constant 3 : i32
        %dma_wait3A_272 = arith.constant 0 : i32
        %dma_wait3A_273 = arith.constant 0 : i32
        %dma_wait3A_274 = tpu.memref_slice %arg8[%dma_wait3A_271, %dma_wait3A_272, %dma_wait3A_273] : memref<4x128x64xf32, #tpu.memory_space<vmem>> -> memref<1x128x64xf32, #tpu.memory_space<vmem>>
        %dma_wait3A_275 = tpu.memref_squeeze %dma_wait3A_274 : memref<1x128x64xf32, #tpu.memory_space<vmem>> -> memref<128x64xf32, #tpu.memory_space<vmem>>
        %dma_wait3A_276 = arith.constant 0 : i32
        %dma_wait3A_277 = tpu.memref_slice %arg7[%add3A_270, %dma_wait3A_276] : memref<152x128xi32, #tpu.memory_space<vmem>> -> memref<1x128xi32, #tpu.memory_space<vmem>>
        %dma_wait3A_278 = tpu.memref_squeeze %dma_wait3A_277 : memref<1x128xi32, #tpu.memory_space<vmem>> -> memref<128xi32, #tpu.memory_space<vmem>>
        %dma_wait3A_279 = arith.constant 0 : i32
        %dma_wait3A_280 = arith.constant 0 : i32
        %dma_wait3A_281 = tpu.memref_slice %arg10[%dma_wait3A_279, %dma_wait3A_280] : memref<10240x64xf32, #tpu.memory_space<vmem_shared>> -> memref<10240x64xf32, #tpu.memory_space<vmem_shared>>
        tpu.wait_indirect_dma semaphore(%arg15 : memref<!tpu.dma_semaphore, #tpu.memory_space<semaphore_mem>>) src(%dma_wait3A_275 : memref<128x64xf32, #tpu.memory_space<vmem>>) dst(%dma_wait3A_281 : memref<10240x64xf32, #tpu.memory_space<vmem_shared>>)
      } else {
      }
      %add3A_108 = arith.constant 1 : i32
      %add3A_109 = arith.addi %add3A_102, %add3A_108 : i32
      %lt3A_110 = arith.cmpi slt, %add3A_109, %select_n3A_53 : i32
      %convert_element_type3A_111 = arith.extui %lt3A_110 : i1 to i32
      %cond3A_112 = arith.constant 0 : i32
      %cond3A_113 = arith.cmpi ne, %convert_element_type3A_111, %cond3A_112 : i32
      scf.if %cond3A_113 {
        %add3A_248 = arith.constant 1 : i32
        %add3A_249 = arith.addi %add3A_102, %add3A_248 : i32
        %mul3A_250 = arith.constant 2 : i32
        %mul3A_251 = arith.muli %mul3A_250, %add3A_249 : i32
        %add3A_252 = arith.constant 0 : i32
        %add3A_253 = arith.addi %mul3A_251, %add3A_252 : i32
        %dma_start3A_254 = arith.constant 2 : i32
        %dma_start3A_255 = arith.constant 0 : i32
        %dma_start3A_256 = arith.constant 0 : i32
        %dma_start3A_257 = tpu.memref_slice %arg8[%dma_start3A_254, %dma_start3A_255, %dma_start3A_256] : memref<4x128x64xf32, #tpu.memory_space<vmem>> -> memref<1x128x64xf32, #tpu.memory_space<vmem>>
        %dma_start3A_258 = tpu.memref_squeeze %dma_start3A_257 : memref<1x128x64xf32, #tpu.memory_space<vmem>> -> memref<128x64xf32, #tpu.memory_space<vmem>>
        %dma_start3A_259 = arith.constant 0 : i32
        %dma_start3A_260 = tpu.memref_slice %arg6[%add3A_253, %dma_start3A_259] : memref<152x128xi32, #tpu.memory_space<vmem>> -> memref<1x128xi32, #tpu.memory_space<vmem>>
        %dma_start3A_261 = tpu.memref_squeeze %dma_start3A_260 : memref<1x128xi32, #tpu.memory_space<vmem>> -> memref<128xi32, #tpu.memory_space<vmem>>
        %dma_start3A_262 = arith.constant 0 : i32
        %dma_start3A_263 = arith.constant 0 : i32
        %dma_start3A_264 = tpu.memref_slice %arg2[%dma_start3A_262, %dma_start3A_263] : memref<10000x64xf32, #tpu.memory_space<hbm>> -> memref<10000x64xf32, #tpu.memory_space<hbm>>
        tpu.enqueue_indirect_dma source(%dma_start3A_264 : memref<10000x64xf32, #tpu.memory_space<hbm>>) target(%dma_start3A_258 : memref<128x64xf32, #tpu.memory_space<vmem>>) offsets(%dma_start3A_261 : memref<128xi32, #tpu.memory_space<vmem>>) semaphore(%arg13 : memref<!tpu.dma_semaphore, #tpu.memory_space<semaphore_mem>>)
        %add3A_265 = arith.constant 1 : i32
        %add3A_266 = arith.addi %add3A_102, %add3A_265 : i32
        %mul3A_267 = arith.constant 2 : i32
        %mul3A_268 = arith.muli %mul3A_267, %add3A_266 : i32
        %add3A_269 = arith.constant 1 : i32
        %add3A_270 = arith.addi %mul3A_268, %add3A_269 : i32
        %dma_start3A_271 = arith.constant 3 : i32
        %dma_start3A_272 = arith.constant 0 : i32
        %dma_start3A_273 = arith.constant 0 : i32
        %dma_start3A_274 = tpu.memref_slice %arg8[%dma_start3A_271, %dma_start3A_272, %dma_start3A_273] : memref<4x128x64xf32, #tpu.memory_space<vmem>> -> memref<1x128x64xf32, #tpu.memory_space<vmem>>
        %dma_start3A_275 = tpu.memref_squeeze %dma_start3A_274 : memref<1x128x64xf32, #tpu.memory_space<vmem>> -> memref<128x64xf32, #tpu.memory_space<vmem>>
        %dma_start3A_276 = arith.constant 0 : i32
        %dma_start3A_277 = tpu.memref_slice %arg6[%add3A_270, %dma_start3A_276] : memref<152x128xi32, #tpu.memory_space<vmem>> -> memref<1x128xi32, #tpu.memory_space<vmem>>
        %dma_start3A_278 = tpu.memref_squeeze %dma_start3A_277 : memref<1x128xi32, #tpu.memory_space<vmem>> -> memref<128xi32, #tpu.memory_space<vmem>>
        %dma_start3A_279 = arith.constant 0 : i32
        %dma_start3A_280 = arith.constant 0 : i32
        %dma_start3A_281 = tpu.memref_slice %arg2[%dma_start3A_279, %dma_start3A_280] : memref<10000x64xf32, #tpu.memory_space<hbm>> -> memref<10000x64xf32, #tpu.memory_space<hbm>>
        tpu.enqueue_indirect_dma source(%dma_start3A_281 : memref<10000x64xf32, #tpu.memory_space<hbm>>) target(%dma_start3A_275 : memref<128x64xf32, #tpu.memory_space<vmem>>) offsets(%dma_start3A_278 : memref<128xi32, #tpu.memory_space<vmem>>) semaphore(%arg14 : memref<!tpu.dma_semaphore, #tpu.memory_space<semaphore_mem>>)
      } else {
      }
      %mul3A_114 = arith.constant 2 : i32
      %mul3A_115 = arith.muli %mul3A_114, %add3A_102 : i32
      %add3A_116 = arith.constant 0 : i32
      %add3A_117 = arith.addi %mul3A_115, %add3A_116 : i32
      %dma_wait3A = arith.constant 0 : i32
      %dma_wait3A_118 = arith.constant 0 : i32
      %dma_wait3A_119 = arith.constant 0 : i32
      %dma_wait3A_120 = tpu.memref_slice %arg8[%dma_wait3A, %dma_wait3A_118, %dma_wait3A_119] : memref<4x128x64xf32, #tpu.memory_space<vmem>> -> memref<1x128x64xf32, #tpu.memory_space<vmem>>
      %dma_wait3A_121 = tpu.memref_squeeze %dma_wait3A_120 : memref<1x128x64xf32, #tpu.memory_space<vmem>> -> memref<128x64xf32, #tpu.memory_space<vmem>>
      %dma_wait3A_122 = arith.constant 0 : i32
      %dma_wait3A_123 = tpu.memref_slice %arg6[%add3A_117, %dma_wait3A_122] : memref<152x128xi32, #tpu.memory_space<vmem>> -> memref<1x128xi32, #tpu.memory_space<vmem>>
      %dma_wait3A_124 = tpu.memref_squeeze %dma_wait3A_123 : memref<1x128xi32, #tpu.memory_space<vmem>> -> memref<128xi32, #tpu.memory_space<vmem>>
      %dma_wait3A_125 = arith.constant 0 : i32
      %dma_wait3A_126 = arith.constant 0 : i32
      %dma_wait3A_127 = tpu.memref_slice %arg2[%dma_wait3A_125, %dma_wait3A_126] : memref<10000x64xf32, #tpu.memory_space<hbm>> -> memref<10000x64xf32, #tpu.memory_space<hbm>>
      tpu.wait_indirect_dma semaphore(%arg11 : memref<!tpu.dma_semaphore, #tpu.memory_space<semaphore_mem>>) src(%dma_wait3A_127 : memref<10000x64xf32, #tpu.memory_space<hbm>>) dst(%dma_wait3A_121 : memref<128x64xf32, #tpu.memory_space<vmem>>)
      %mul3A_128 = arith.constant 2 : i32
      %mul3A_129 = arith.muli %mul3A_128, %add3A_102 : i32
      %add3A_130 = arith.constant 0 : i32
      %add3A_131 = arith.addi %mul3A_129, %add3A_130 : i32
      %dma_start3A = arith.constant 0 : i32
      %dma_start3A_132 = arith.constant 0 : i32
      %dma_start3A_133 = arith.constant 0 : i32
      %dma_start3A_134 = tpu.memref_slice %arg8[%dma_start3A, %dma_start3A_132, %dma_start3A_133] : memref<4x128x64xf32, #tpu.memory_space<vmem>> -> memref<1x128x64xf32, #tpu.memory_space<vmem>>
      %dma_start3A_135 = tpu.memref_squeeze %dma_start3A_134 : memref<1x128x64xf32, #tpu.memory_space<vmem>> -> memref<128x64xf32, #tpu.memory_space<vmem>>
      %dma_start3A_136 = arith.constant 0 : i32
      %dma_start3A_137 = tpu.memref_slice %arg7[%add3A_131, %dma_start3A_136] : memref<152x128xi32, #tpu.memory_space<vmem>> -> memref<1x128xi32, #tpu.memory_space<vmem>>
      %dma_start3A_138 = tpu.memref_squeeze %dma_start3A_137 : memref<1x128xi32, #tpu.memory_space<vmem>> -> memref<128xi32, #tpu.memory_space<vmem>>
      %dma_start3A_139 = arith.constant 0 : i32
      %dma_start3A_140 = arith.constant 0 : i32
      %dma_start3A_141 = tpu.memref_slice %arg10[%dma_start3A_139, %dma_start3A_140] : memref<10240x64xf32, #tpu.memory_space<vmem_shared>> -> memref<10240x64xf32, #tpu.memory_space<vmem_shared>>
      tpu.enqueue_indirect_dma source(%dma_start3A_135 : memref<128x64xf32, #tpu.memory_space<vmem>>) target(%dma_start3A_141 : memref<10240x64xf32, #tpu.memory_space<vmem_shared>>) offsets(%dma_start3A_138 : memref<128xi32, #tpu.memory_space<vmem>>) semaphore(%arg15 : memref<!tpu.dma_semaphore, #tpu.memory_space<semaphore_mem>>) {add = true}
      %mul3A_142 = arith.constant 2 : i32
      %mul3A_143 = arith.muli %mul3A_142, %add3A_102 : i32
      %add3A_144 = arith.constant 1 : i32
      %add3A_145 = arith.addi %mul3A_143, %add3A_144 : i32
      %dma_wait3A_146 = arith.constant 1 : i32
      %dma_wait3A_147 = arith.constant 0 : i32
      %dma_wait3A_148 = arith.constant 0 : i32
      %dma_wait3A_149 = tpu.memref_slice %arg8[%dma_wait3A_146, %dma_wait3A_147, %dma_wait3A_148] : memref<4x128x64xf32, #tpu.memory_space<vmem>> -> memref<1x128x64xf32, #tpu.memory_space<vmem>>
      %dma_wait3A_150 = tpu.memref_squeeze %dma_wait3A_149 : memref<1x128x64xf32, #tpu.memory_space<vmem>> -> memref<128x64xf32, #tpu.memory_space<vmem>>
      %dma_wait3A_151 = arith.constant 0 : i32
      %dma_wait3A_152 = tpu.memref_slice %arg6[%add3A_145, %dma_wait3A_151] : memref<152x128xi32, #tpu.memory_space<vmem>> -> memref<1x128xi32, #tpu.memory_space<vmem>>
      %dma_wait3A_153 = tpu.memref_squeeze %dma_wait3A_152 : memref<1x128xi32, #tpu.memory_space<vmem>> -> memref<128xi32, #tpu.memory_space<vmem>>
      %dma_wait3A_154 = arith.constant 0 : i32
      %dma_wait3A_155 = arith.constant 0 : i32
      %dma_wait3A_156 = tpu.memref_slice %arg2[%dma_wait3A_154, %dma_wait3A_155] : memref<10000x64xf32, #tpu.memory_space<hbm>> -> memref<10000x64xf32, #tpu.memory_space<hbm>>
      tpu.wait_indirect_dma semaphore(%arg12 : memref<!tpu.dma_semaphore, #tpu.memory_space<semaphore_mem>>) src(%dma_wait3A_156 : memref<10000x64xf32, #tpu.memory_space<hbm>>) dst(%dma_wait3A_150 : memref<128x64xf32, #tpu.memory_space<vmem>>)
      %mul3A_157 = arith.constant 2 : i32
      %mul3A_158 = arith.muli %mul3A_157, %add3A_102 : i32
      %add3A_159 = arith.constant 1 : i32
      %add3A_160 = arith.addi %mul3A_158, %add3A_159 : i32
      %dma_start3A_161 = arith.constant 1 : i32
      %dma_start3A_162 = arith.constant 0 : i32
      %dma_start3A_163 = arith.constant 0 : i32
      %dma_start3A_164 = tpu.memref_slice %arg8[%dma_start3A_161, %dma_start3A_162, %dma_start3A_163] : memref<4x128x64xf32, #tpu.memory_space<vmem>> -> memref<1x128x64xf32, #tpu.memory_space<vmem>>
      %dma_start3A_165 = tpu.memref_squeeze %dma_start3A_164 : memref<1x128x64xf32, #tpu.memory_space<vmem>> -> memref<128x64xf32, #tpu.memory_space<vmem>>
      %dma_start3A_166 = arith.constant 0 : i32
      %dma_start3A_167 = tpu.memref_slice %arg7[%add3A_160, %dma_start3A_166] : memref<152x128xi32, #tpu.memory_space<vmem>> -> memref<1x128xi32, #tpu.memory_space<vmem>>
      %dma_start3A_168 = tpu.memref_squeeze %dma_start3A_167 : memref<1x128xi32, #tpu.memory_space<vmem>> -> memref<128xi32, #tpu.memory_space<vmem>>
      %dma_start3A_169 = arith.constant 0 : i32
      %dma_start3A_170 = arith.constant 0 : i32
      %dma_start3A_171 = tpu.memref_slice %arg10[%dma_start3A_169, %dma_start3A_170] : memref<10240x64xf32, #tpu.memory_space<vmem_shared>> -> memref<10240x64xf32, #tpu.memory_space<vmem_shared>>
      tpu.enqueue_indirect_dma source(%dma_start3A_165 : memref<128x64xf32, #tpu.memory_space<vmem>>) target(%dma_start3A_171 : memref<10240x64xf32, #tpu.memory_space<vmem_shared>>) offsets(%dma_start3A_168 : memref<128xi32, #tpu.memory_space<vmem>>) semaphore(%arg15 : memref<!tpu.dma_semaphore, #tpu.memory_space<semaphore_mem>>) {add = true}
      %mul3A_172 = arith.constant 2 : i32
      %mul3A_173 = arith.muli %mul3A_172, %while3A_97 : i32
      %add3A_174 = arith.constant 1 : i32
      %add3A_175 = arith.addi %mul3A_173, %add3A_174 : i32
      %gt3A_176 = arith.constant 0 : i32
      %gt3A_177 = arith.cmpi sgt, %add3A_175, %gt3A_176 : i32
      %convert_element_type3A_178 = arith.extui %gt3A_177 : i1 to i32
      %cond3A_179 = arith.constant 0 : i32
      %cond3A_180 = arith.cmpi ne, %convert_element_type3A_178, %cond3A_179 : i32
      scf.if %cond3A_180 {
        %sub3A_248 = arith.constant 1 : i32
        %sub3A_249 = arith.subi %add3A_175, %sub3A_248 : i32
        %mul3A_250 = arith.constant 2 : i32
        %mul3A_251 = arith.muli %mul3A_250, %sub3A_249 : i32
        %add3A_252 = arith.constant 0 : i32
        %add3A_253 = arith.addi %mul3A_251, %add3A_252 : i32
        %dma_wait3A_254 = arith.constant 0 : i32
        %dma_wait3A_255 = arith.constant 0 : i32
        %dma_wait3A_256 = arith.constant 0 : i32
        %dma_wait3A_257 = tpu.memref_slice %arg8[%dma_wait3A_254, %dma_wait3A_255, %dma_wait3A_256] : memref<4x128x64xf32, #tpu.memory_space<vmem>> -> memref<1x128x64xf32, #tpu.memory_space<vmem>>
        %dma_wait3A_258 = tpu.memref_squeeze %dma_wait3A_257 : memref<1x128x64xf32, #tpu.memory_space<vmem>> -> memref<128x64xf32, #tpu.memory_space<vmem>>
        %dma_wait3A_259 = arith.constant 0 : i32
        %dma_wait3A_260 = tpu.memref_slice %arg7[%add3A_253, %dma_wait3A_259] : memref<152x128xi32, #tpu.memory_space<vmem>> -> memref<1x128xi32, #tpu.memory_space<vmem>>
        %dma_wait3A_261 = tpu.memref_squeeze %dma_wait3A_260 : memref<1x128xi32, #tpu.memory_space<vmem>> -> memref<128xi32, #tpu.memory_space<vmem>>
        %dma_wait3A_262 = arith.constant 0 : i32
        %dma_wait3A_263 = arith.constant 0 : i32
        %dma_wait3A_264 = tpu.memref_slice %arg10[%dma_wait3A_262, %dma_wait3A_263] : memref<10240x64xf32, #tpu.memory_space<vmem_shared>> -> memref<10240x64xf32, #tpu.memory_space<vmem_shared>>
        tpu.wait_indirect_dma semaphore(%arg15 : memref<!tpu.dma_semaphore, #tpu.memory_space<semaphore_mem>>) src(%dma_wait3A_258 : memref<128x64xf32, #tpu.memory_space<vmem>>) dst(%dma_wait3A_264 : memref<10240x64xf32, #tpu.memory_space<vmem_shared>>)
        %sub3A_265 = arith.constant 1 : i32
        %sub3A_266 = arith.subi %add3A_175, %sub3A_265 : i32
        %mul3A_267 = arith.constant 2 : i32
        %mul3A_268 = arith.muli %mul3A_267, %sub3A_266 : i32
        %add3A_269 = arith.constant 1 : i32
        %add3A_270 = arith.addi %mul3A_268, %add3A_269 : i32
        %dma_wait3A_271 = arith.constant 1 : i32
        %dma_wait3A_272 = arith.constant 0 : i32
        %dma_wait3A_273 = arith.constant 0 : i32
        %dma_wait3A_274 = tpu.memref_slice %arg8[%dma_wait3A_271, %dma_wait3A_272, %dma_wait3A_273] : memref<4x128x64xf32, #tpu.memory_space<vmem>> -> memref<1x128x64xf32, #tpu.memory_space<vmem>>
        %dma_wait3A_275 = tpu.memref_squeeze %dma_wait3A_274 : memref<1x128x64xf32, #tpu.memory_space<vmem>> -> memref<128x64xf32, #tpu.memory_space<vmem>>
        %dma_wait3A_276 = arith.constant 0 : i32
        %dma_wait3A_277 = tpu.memref_slice %arg7[%add3A_270, %dma_wait3A_276] : memref<152x128xi32, #tpu.memory_space<vmem>> -> memref<1x128xi32, #tpu.memory_space<vmem>>
        %dma_wait3A_278 = tpu.memref_squeeze %dma_wait3A_277 : memref<1x128xi32, #tpu.memory_space<vmem>> -> memref<128xi32, #tpu.memory_space<vmem>>
        %dma_wait3A_279 = arith.constant 0 : i32
        %dma_wait3A_280 = arith.constant 0 : i32
        %dma_wait3A_281 = tpu.memref_slice %arg10[%dma_wait3A_279, %dma_wait3A_280] : memref<10240x64xf32, #tpu.memory_space<vmem_shared>> -> memref<10240x64xf32, #tpu.memory_space<vmem_shared>>
        tpu.wait_indirect_dma semaphore(%arg15 : memref<!tpu.dma_semaphore, #tpu.memory_space<semaphore_mem>>) src(%dma_wait3A_275 : memref<128x64xf32, #tpu.memory_space<vmem>>) dst(%dma_wait3A_281 : memref<10240x64xf32, #tpu.memory_space<vmem_shared>>)
      } else {
      }
      %add3A_181 = arith.constant 1 : i32
      %add3A_182 = arith.addi %add3A_175, %add3A_181 : i32
      %lt3A_183 = arith.cmpi slt, %add3A_182, %select_n3A_53 : i32
      %convert_element_type3A_184 = arith.extui %lt3A_183 : i1 to i32
      %cond3A_185 = arith.constant 0 : i32
      %cond3A_186 = arith.cmpi ne, %convert_element_type3A_184, %cond3A_185 : i32
      scf.if %cond3A_186 {
        %add3A_248 = arith.constant 1 : i32
        %add3A_249 = arith.addi %add3A_175, %add3A_248 : i32
        %mul3A_250 = arith.constant 2 : i32
        %mul3A_251 = arith.muli %mul3A_250, %add3A_249 : i32
        %add3A_252 = arith.constant 0 : i32
        %add3A_253 = arith.addi %mul3A_251, %add3A_252 : i32
        %dma_start3A_254 = arith.constant 0 : i32
        %dma_start3A_255 = arith.constant 0 : i32
        %dma_start3A_256 = arith.constant 0 : i32
        %dma_start3A_257 = tpu.memref_slice %arg8[%dma_start3A_254, %dma_start3A_255, %dma_start3A_256] : memref<4x128x64xf32, #tpu.memory_space<vmem>> -> memref<1x128x64xf32, #tpu.memory_space<vmem>>
        %dma_start3A_258 = tpu.memref_squeeze %dma_start3A_257 : memref<1x128x64xf32, #tpu.memory_space<vmem>> -> memref<128x64xf32, #tpu.memory_space<vmem>>
        %dma_start3A_259 = arith.constant 0 : i32
        %dma_start3A_260 = tpu.memref_slice %arg6[%add3A_253, %dma_start3A_259] : memref<152x128xi32, #tpu.memory_space<vmem>> -> memref<1x128xi32, #tpu.memory_space<vmem>>
        %dma_start3A_261 = tpu.memref_squeeze %dma_start3A_260 : memref<1x128xi32, #tpu.memory_space<vmem>> -> memref<128xi32, #tpu.memory_space<vmem>>
        %dma_start3A_262 = arith.constant 0 : i32
        %dma_start3A_263 = arith.constant 0 : i32
        %dma_start3A_264 = tpu.memref_slice %arg2[%dma_start3A_262, %dma_start3A_263] : memref<10000x64xf32, #tpu.memory_space<hbm>> -> memref<10000x64xf32, #tpu.memory_space<hbm>>
        tpu.enqueue_indirect_dma source(%dma_start3A_264 : memref<10000x64xf32, #tpu.memory_space<hbm>>) target(%dma_start3A_258 : memref<128x64xf32, #tpu.memory_space<vmem>>) offsets(%dma_start3A_261 : memref<128xi32, #tpu.memory_space<vmem>>) semaphore(%arg11 : memref<!tpu.dma_semaphore, #tpu.memory_space<semaphore_mem>>)
        %add3A_265 = arith.constant 1 : i32
        %add3A_266 = arith.addi %add3A_175, %add3A_265 : i32
        %mul3A_267 = arith.constant 2 : i32
        %mul3A_268 = arith.muli %mul3A_267, %add3A_266 : i32
        %add3A_269 = arith.constant 1 : i32
        %add3A_270 = arith.addi %mul3A_268, %add3A_269 : i32
        %dma_start3A_271 = arith.constant 1 : i32
        %dma_start3A_272 = arith.constant 0 : i32
        %dma_start3A_273 = arith.constant 0 : i32
        %dma_start3A_274 = tpu.memref_slice %arg8[%dma_start3A_271, %dma_start3A_272, %dma_start3A_273] : memref<4x128x64xf32, #tpu.memory_space<vmem>> -> memref<1x128x64xf32, #tpu.memory_space<vmem>>
        %dma_start3A_275 = tpu.memref_squeeze %dma_start3A_274 : memref<1x128x64xf32, #tpu.memory_space<vmem>> -> memref<128x64xf32, #tpu.memory_space<vmem>>
        %dma_start3A_276 = arith.constant 0 : i32
        %dma_start3A_277 = tpu.memref_slice %arg6[%add3A_270, %dma_start3A_276] : memref<152x128xi32, #tpu.memory_space<vmem>> -> memref<1x128xi32, #tpu.memory_space<vmem>>
        %dma_start3A_278 = tpu.memref_squeeze %dma_start3A_277 : memref<1x128xi32, #tpu.memory_space<vmem>> -> memref<128xi32, #tpu.memory_space<vmem>>
        %dma_start3A_279 = arith.constant 0 : i32
        %dma_start3A_280 = arith.constant 0 : i32
        %dma_start3A_281 = tpu.memref_slice %arg2[%dma_start3A_279, %dma_start3A_280] : memref<10000x64xf32, #tpu.memory_space<hbm>> -> memref<10000x64xf32, #tpu.memory_space<hbm>>
        tpu.enqueue_indirect_dma source(%dma_start3A_281 : memref<10000x64xf32, #tpu.memory_space<hbm>>) target(%dma_start3A_275 : memref<128x64xf32, #tpu.memory_space<vmem>>) offsets(%dma_start3A_278 : memref<128xi32, #tpu.memory_space<vmem>>) semaphore(%arg12 : memref<!tpu.dma_semaphore, #tpu.memory_space<semaphore_mem>>)
      } else {
      }
      %mul3A_187 = arith.constant 2 : i32
      %mul3A_188 = arith.muli %mul3A_187, %add3A_175 : i32
      %add3A_189 = arith.constant 0 : i32
      %add3A_190 = arith.addi %mul3A_188, %add3A_189 : i32
      %dma_wait3A_191 = arith.constant 2 : i32
      %dma_wait3A_192 = arith.constant 0 : i32
      %dma_wait3A_193 = arith.constant 0 : i32
      %dma_wait3A_194 = tpu.memref_slice %arg8[%dma_wait3A_191, %dma_wait3A_192, %dma_wait3A_193] : memref<4x128x64xf32, #tpu.memory_space<vmem>> -> memref<1x128x64xf32, #tpu.memory_space<vmem>>
      %dma_wait3A_195 = tpu.memref_squeeze %dma_wait3A_194 : memref<1x128x64xf32, #tpu.memory_space<vmem>> -> memref<128x64xf32, #tpu.memory_space<vmem>>
      %dma_wait3A_196 = arith.constant 0 : i32
      %dma_wait3A_197 = tpu.memref_slice %arg6[%add3A_190, %dma_wait3A_196] : memref<152x128xi32, #tpu.memory_space<vmem>> -> memref<1x128xi32, #tpu.memory_space<vmem>>
      %dma_wait3A_198 = tpu.memref_squeeze %dma_wait3A_197 : memref<1x128xi32, #tpu.memory_space<vmem>> -> memref<128xi32, #tpu.memory_space<vmem>>
      %dma_wait3A_199 = arith.constant 0 : i32
      %dma_wait3A_200 = arith.constant 0 : i32
      %dma_wait3A_201 = tpu.memref_slice %arg2[%dma_wait3A_199, %dma_wait3A_200] : memref<10000x64xf32, #tpu.memory_space<hbm>> -> memref<10000x64xf32, #tpu.memory_space<hbm>>
      tpu.wait_indirect_dma semaphore(%arg13 : memref<!tpu.dma_semaphore, #tpu.memory_space<semaphore_mem>>) src(%dma_wait3A_201 : memref<10000x64xf32, #tpu.memory_space<hbm>>) dst(%dma_wait3A_195 : memref<128x64xf32, #tpu.memory_space<vmem>>)
      %mul3A_202 = arith.constant 2 : i32
      %mul3A_203 = arith.muli %mul3A_202, %add3A_175 : i32
      %add3A_204 = arith.constant 0 : i32
      %add3A_205 = arith.addi %mul3A_203, %add3A_204 : i32
      %dma_start3A_206 = arith.constant 2 : i32
      %dma_start3A_207 = arith.constant 0 : i32
      %dma_start3A_208 = arith.constant 0 : i32
      %dma_start3A_209 = tpu.memref_slice %arg8[%dma_start3A_206, %dma_start3A_207, %dma_start3A_208] : memref<4x128x64xf32, #tpu.memory_space<vmem>> -> memref<1x128x64xf32, #tpu.memory_space<vmem>>
      %dma_start3A_210 = tpu.memref_squeeze %dma_start3A_209 : memref<1x128x64xf32, #tpu.memory_space<vmem>> -> memref<128x64xf32, #tpu.memory_space<vmem>>
      %dma_start3A_211 = arith.constant 0 : i32
      %dma_start3A_212 = tpu.memref_slice %arg7[%add3A_205, %dma_start3A_211] : memref<152x128xi32, #tpu.memory_space<vmem>> -> memref<1x128xi32, #tpu.memory_space<vmem>>
      %dma_start3A_213 = tpu.memref_squeeze %dma_start3A_212 : memref<1x128xi32, #tpu.memory_space<vmem>> -> memref<128xi32, #tpu.memory_space<vmem>>
      %dma_start3A_214 = arith.constant 0 : i32
      %dma_start3A_215 = arith.constant 0 : i32
      %dma_start3A_216 = tpu.memref_slice %arg10[%dma_start3A_214, %dma_start3A_215] : memref<10240x64xf32, #tpu.memory_space<vmem_shared>> -> memref<10240x64xf32, #tpu.memory_space<vmem_shared>>
      tpu.enqueue_indirect_dma source(%dma_start3A_210 : memref<128x64xf32, #tpu.memory_space<vmem>>) target(%dma_start3A_216 : memref<10240x64xf32, #tpu.memory_space<vmem_shared>>) offsets(%dma_start3A_213 : memref<128xi32, #tpu.memory_space<vmem>>) semaphore(%arg15 : memref<!tpu.dma_semaphore, #tpu.memory_space<semaphore_mem>>) {add = true}
      %mul3A_217 = arith.constant 2 : i32
      %mul3A_218 = arith.muli %mul3A_217, %add3A_175 : i32
      %add3A_219 = arith.constant 1 : i32
      %add3A_220 = arith.addi %mul3A_218, %add3A_219 : i32
      %dma_wait3A_221 = arith.constant 3 : i32
      %dma_wait3A_222 = arith.constant 0 : i32
      %dma_wait3A_223 = arith.constant 0 : i32
      %dma_wait3A_224 = tpu.memref_slice %arg8[%dma_wait3A_221, %dma_wait3A_222, %dma_wait3A_223] : memref<4x128x64xf32, #tpu.memory_space<vmem>> -> memref<1x128x64xf32, #tpu.memory_space<vmem>>
      %dma_wait3A_225 = tpu.memref_squeeze %dma_wait3A_224 : memref<1x128x64xf32, #tpu.memory_space<vmem>> -> memref<128x64xf32, #tpu.memory_space<vmem>>
      %dma_wait3A_226 = arith.constant 0 : i32
      %dma_wait3A_227 = tpu.memref_slice %arg6[%add3A_220, %dma_wait3A_226] : memref<152x128xi32, #tpu.memory_space<vmem>> -> memref<1x128xi32, #tpu.memory_space<vmem>>
      %dma_wait3A_228 = tpu.memref_squeeze %dma_wait3A_227 : memref<1x128xi32, #tpu.memory_space<vmem>> -> memref<128xi32, #tpu.memory_space<vmem>>
      %dma_wait3A_229 = arith.constant 0 : i32
      %dma_wait3A_230 = arith.constant 0 : i32
      %dma_wait3A_231 = tpu.memref_slice %arg2[%dma_wait3A_229, %dma_wait3A_230] : memref<10000x64xf32, #tpu.memory_space<hbm>> -> memref<10000x64xf32, #tpu.memory_space<hbm>>
      tpu.wait_indirect_dma semaphore(%arg14 : memref<!tpu.dma_semaphore, #tpu.memory_space<semaphore_mem>>) src(%dma_wait3A_231 : memref<10000x64xf32, #tpu.memory_space<hbm>>) dst(%dma_wait3A_225 : memref<128x64xf32, #tpu.memory_space<vmem>>)
      %mul3A_232 = arith.constant 2 : i32
      %mul3A_233 = arith.muli %mul3A_232, %add3A_175 : i32
      %add3A_234 = arith.constant 1 : i32
      %add3A_235 = arith.addi %mul3A_233, %add3A_234 : i32
      %dma_start3A_236 = arith.constant 3 : i32
      %dma_start3A_237 = arith.constant 0 : i32
      %dma_start3A_238 = arith.constant 0 : i32
      %dma_start3A_239 = tpu.memref_slice %arg8[%dma_start3A_236, %dma_start3A_237, %dma_start3A_238] : memref<4x128x64xf32, #tpu.memory_space<vmem>> -> memref<1x128x64xf32, #tpu.memory_space<vmem>>
      %dma_start3A_240 = tpu.memref_squeeze %dma_start3A_239 : memref<1x128x64xf32, #tpu.memory_space<vmem>> -> memref<128x64xf32, #tpu.memory_space<vmem>>
      %dma_start3A_241 = arith.constant 0 : i32
      %dma_start3A_242 = tpu.memref_slice %arg7[%add3A_235, %dma_start3A_241] : memref<152x128xi32, #tpu.memory_space<vmem>> -> memref<1x128xi32, #tpu.memory_space<vmem>>
      %dma_start3A_243 = tpu.memref_squeeze %dma_start3A_242 : memref<1x128xi32, #tpu.memory_space<vmem>> -> memref<128xi32, #tpu.memory_space<vmem>>
      %dma_start3A_244 = arith.constant 0 : i32
      %dma_start3A_245 = arith.constant 0 : i32
      %dma_start3A_246 = tpu.memref_slice %arg10[%dma_start3A_244, %dma_start3A_245] : memref<10240x64xf32, #tpu.memory_space<vmem_shared>> -> memref<10240x64xf32, #tpu.memory_space<vmem_shared>>
      tpu.enqueue_indirect_dma source(%dma_start3A_240 : memref<128x64xf32, #tpu.memory_space<vmem>>) target(%dma_start3A_246 : memref<10240x64xf32, #tpu.memory_space<vmem_shared>>) offsets(%dma_start3A_243 : memref<128xi32, #tpu.memory_space<vmem>>) semaphore(%arg15 : memref<!tpu.dma_semaphore, #tpu.memory_space<semaphore_mem>>) {add = true}
      %while3A_247 = arith.constant 0 : i32
      scf.yield %while3A_247 : i32
    }
    %gt3A_91 = arith.constant 0 : i32
    %gt3A_92 = arith.cmpi sgt, %select_n3A_31, %gt3A_91 : i32
    %convert_element_type3A_93 = arith.extui %gt3A_92 : i1 to i32
    %cond3A_94 = arith.constant 0 : i32
    %cond3A_95 = arith.cmpi ne, %convert_element_type3A_93, %cond3A_94 : i32
    scf.if %cond3A_95 {
      %sub3A_97 = arith.constant 1 : i32
      %sub3A_98 = arith.subi %select_n3A_53, %sub3A_97 : i32
      %mul3A_99 = arith.constant 2 : i32
      %mul3A_100 = arith.muli %mul3A_99, %sub3A_98 : i32
      %add3A_101 = arith.constant 0 : i32
      %add3A_102 = arith.addi %mul3A_100, %add3A_101 : i32
      %dma_wait3A = arith.constant 2 : i32
      %dma_wait3A_103 = arith.constant 0 : i32
      %dma_wait3A_104 = arith.constant 0 : i32
      %dma_wait3A_105 = tpu.memref_slice %arg8[%dma_wait3A, %dma_wait3A_103, %dma_wait3A_104] : memref<4x128x64xf32, #tpu.memory_space<vmem>> -> memref<1x128x64xf32, #tpu.memory_space<vmem>>
      %dma_wait3A_106 = tpu.memref_squeeze %dma_wait3A_105 : memref<1x128x64xf32, #tpu.memory_space<vmem>> -> memref<128x64xf32, #tpu.memory_space<vmem>>
      %dma_wait3A_107 = arith.constant 0 : i32
      %dma_wait3A_108 = tpu.memref_slice %arg7[%add3A_102, %dma_wait3A_107] : memref<152x128xi32, #tpu.memory_space<vmem>> -> memref<1x128xi32, #tpu.memory_space<vmem>>
      %dma_wait3A_109 = tpu.memref_squeeze %dma_wait3A_108 : memref<1x128xi32, #tpu.memory_space<vmem>> -> memref<128xi32, #tpu.memory_space<vmem>>
      %dma_wait3A_110 = arith.constant 0 : i32
      %dma_wait3A_111 = arith.constant 0 : i32
      %dma_wait3A_112 = tpu.memref_slice %arg10[%dma_wait3A_110, %dma_wait3A_111] : memref<10240x64xf32, #tpu.memory_space<vmem_shared>> -> memref<10240x64xf32, #tpu.memory_space<vmem_shared>>
      tpu.wait_indirect_dma semaphore(%arg15 : memref<!tpu.dma_semaphore, #tpu.memory_space<semaphore_mem>>) src(%dma_wait3A_106 : memref<128x64xf32, #tpu.memory_space<vmem>>) dst(%dma_wait3A_112 : memref<10240x64xf32, #tpu.memory_space<vmem_shared>>)
      %sub3A_113 = arith.constant 1 : i32
      %sub3A_114 = arith.subi %select_n3A_53, %sub3A_113 : i32
      %mul3A_115 = arith.constant 2 : i32
      %mul3A_116 = arith.muli %mul3A_115, %sub3A_114 : i32
      %add3A_117 = arith.constant 1 : i32
      %add3A_118 = arith.addi %mul3A_116, %add3A_117 : i32
      %dma_wait3A_119 = arith.constant 3 : i32
      %dma_wait3A_120 = arith.constant 0 : i32
      %dma_wait3A_121 = arith.constant 0 : i32
      %dma_wait3A_122 = tpu.memref_slice %arg8[%dma_wait3A_119, %dma_wait3A_120, %dma_wait3A_121] : memref<4x128x64xf32, #tpu.memory_space<vmem>> -> memref<1x128x64xf32, #tpu.memory_space<vmem>>
      %dma_wait3A_123 = tpu.memref_squeeze %dma_wait3A_122 : memref<1x128x64xf32, #tpu.memory_space<vmem>> -> memref<128x64xf32, #tpu.memory_space<vmem>>
      %dma_wait3A_124 = arith.constant 0 : i32
      %dma_wait3A_125 = tpu.memref_slice %arg7[%add3A_118, %dma_wait3A_124] : memref<152x128xi32, #tpu.memory_space<vmem>> -> memref<1x128xi32, #tpu.memory_space<vmem>>
      %dma_wait3A_126 = tpu.memref_squeeze %dma_wait3A_125 : memref<1x128xi32, #tpu.memory_space<vmem>> -> memref<128xi32, #tpu.memory_space<vmem>>
      %dma_wait3A_127 = arith.constant 0 : i32
      %dma_wait3A_128 = arith.constant 0 : i32
      %dma_wait3A_129 = tpu.memref_slice %arg10[%dma_wait3A_127, %dma_wait3A_128] : memref<10240x64xf32, #tpu.memory_space<vmem_shared>> -> memref<10240x64xf32, #tpu.memory_space<vmem_shared>>
      tpu.wait_indirect_dma semaphore(%arg15 : memref<!tpu.dma_semaphore, #tpu.memory_space<semaphore_mem>>) src(%dma_wait3A_123 : memref<128x64xf32, #tpu.memory_space<vmem>>) dst(%dma_wait3A_129 : memref<10240x64xf32, #tpu.memory_space<vmem_shared>>)
    } else {
    }
    %barrier3A_96 = arith.constant 0 : index
    tpu.barrier barrier_id(%barrier3A_96)
    "tpu.region"() ({
      %run_scoped3A = tpu.sem_alloc : memref<!tpu.dma_semaphore, #tpu.memory_space<semaphore_mem>>
      %dma_start3A = arith.constant 0 : i32
      %dma_start3A_97 = tpu.memref_slice %arg5[%arg0, %mul3A_21, %dma_start3A] : memref<2x10240x64xf32, #tpu.memory_space<hbm>> -> memref<1x640x64xf32, #tpu.memory_space<hbm>>
      %dma_start3A_98 = tpu.memref_squeeze %dma_start3A_97 : memref<1x640x64xf32, #tpu.memory_space<hbm>> -> memref<640x64xf32, #tpu.memory_space<hbm>>
      %dma_start3A_99 = arith.constant 0 : i32
      %dma_start3A_100 = tpu.memref_slice %arg10[%mul3A_21, %dma_start3A_99] : memref<10240x64xf32, #tpu.memory_space<vmem_shared>> -> memref<640x64xf32, #tpu.memory_space<vmem_shared>>
      tpu.enqueue_dma source(%dma_start3A_100 : memref<640x64xf32, #tpu.memory_space<vmem_shared>>) target(%dma_start3A_98 : memref<640x64xf32, #tpu.memory_space<hbm>>) target_semaphore(%run_scoped3A : memref<!tpu.dma_semaphore, #tpu.memory_space<semaphore_mem>>)
      %dma_wait3A = arith.constant 0 : i32
      %dma_wait3A_101 = tpu.memref_slice %arg5[%arg0, %mul3A_21, %dma_wait3A] : memref<2x10240x64xf32, #tpu.memory_space<hbm>> -> memref<1x640x64xf32, #tpu.memory_space<hbm>>
      %dma_wait3A_102 = tpu.memref_squeeze %dma_wait3A_101 : memref<1x640x64xf32, #tpu.memory_space<hbm>> -> memref<640x64xf32, #tpu.memory_space<hbm>>
      %dma_wait3A_103 = arith.constant 0 : i32
      %dma_wait3A_104 = tpu.memref_slice %arg10[%mul3A_21, %dma_wait3A_103] : memref<10240x64xf32, #tpu.memory_space<vmem_shared>> -> memref<640x64xf32, #tpu.memory_space<vmem_shared>>
      tpu.wait_dma2 semaphore(%run_scoped3A : memref<!tpu.dma_semaphore, #tpu.memory_space<semaphore_mem>>) src(%dma_wait3A_104 : memref<640x64xf32, #tpu.memory_space<vmem_shared>>) dst(%dma_wait3A_102 : memref<640x64xf32, #tpu.memory_space<hbm>>)
      tpu.yield
    }) : () -> ()
    return
  }
}

#map = affine_map<(d0, d1) -> (0, 0)>
#map1 = affine_map<(d0, d1) -> (0, 0, 0)>
module attributes {stable_mosaic.version = 14 : i64} {
  func.func @scatter_kernel(%arg0: i32, %arg1: i32, %arg2: memref<10000x48xf32, #tpu.memory_space<hbm>>, %arg3: memref<2712x128xi32, #tpu.memory_space<hbm>>, %arg4: memref<2712x128xi32, #tpu.memory_space<hbm>>, %arg5: memref<2x10240x48xf32, #tpu.memory_space<hbm>>, %arg6: memref<152x128xi32, #tpu.memory_space<vmem>>, %arg7: memref<152x128xi32, #tpu.memory_space<vmem>>, %arg8: memref<4x128x48xf32, #tpu.memory_space<vmem>>, %arg9: memref<64x48xf32, #tpu.memory_space<vmem>>, %arg10: memref<10240x48xf32, #tpu.memory_space<vmem_shared>>, %arg11: memref<!tpu.dma_semaphore, #tpu.memory_space<semaphore_mem>>, %arg12: memref<!tpu.dma_semaphore, #tpu.memory_space<semaphore_mem>>, %arg13: memref<!tpu.dma_semaphore, #tpu.memory_space<semaphore_mem>>, %arg14: memref<!tpu.dma_semaphore, #tpu.memory_space<semaphore_mem>>, %arg15: memref<!tpu.dma_semaphore, #tpu.memory_space<semaphore_mem>>) attributes {dimension_semantics = [#tpu.dimension_semantics<core_parallel>, #tpu.dimension_semantics<subcore_parallel>], iteration_bounds = array<i64: 2, 16>, scalar_prefetch = 0 : i64, scratch_operands = 10 : i64, tpu.core_type = #tpu.core_type<sc_vector_subcore>, window_params = [{transform_indices = #map}, {transform_indices = #map}, {transform_indices = #map}, {transform_indices = #map1}]} {
    %eq3A = arith.constant 0 : i32
    %eq3A_0 = arith.cmpi eq, %arg0, %eq3A : i32
    %eq3A_1 = arith.constant 1 : i32
    %eq3A_2 = arith.cmpi eq, %arg0, %eq3A_1 : i32
    %lt3A = arith.constant 16 : i32
    %lt3A_3 = arith.cmpi slt, %arg1, %lt3A : i32
    %and3A = arith.andi %eq3A_2, %lt3A_3 : i1
    %jit3A = arith.constant 8 : i32
    %jit3A_4 = arith.constant 0 : i32
    %select_n3A = arith.select %and3A, %jit3A, %jit3A_4 : i32
    %jit3A_5 = arith.constant 152 : i32
    %select_n3A_6 = arith.select %eq3A_0, %jit3A_5, %select_n3A : i32
    %mul3A = arith.constant 152 : i32
    %mul3A_7 = arith.muli %arg1, %mul3A : i32
    %mul3A_8 = arith.constant 8 : i32
    %mul3A_9 = arith.muli %arg1, %mul3A_8 : i32
    %add3A = arith.constant 2432 : i32
    %add3A_10 = arith.addi %add3A, %mul3A_9 : i32
    %jit3A_11 = arith.constant 2560 : i32
    %select_n3A_12 = arith.select %and3A, %add3A_10, %jit3A_11 : i32
    %select_n3A_13 = arith.select %eq3A_0, %mul3A_7, %select_n3A_12 : i32
    %scan3A = arith.constant 0 : i32
    %scan3A_14 = arith.constant 0 : i32
    %scan3A_15 = arith.constant 64 : i32
    %scan3A_16 = arith.addi %scan3A_14, %scan3A_15 : i32
    %scan3A_17 = arith.constant 1 : i32
    %scan3A_18 = scf.for %scan3A_97 = %scan3A_14 to %scan3A_16 step %scan3A_17 iter_args(%scan3A_98 = %scan3A) -> (i32)  : i32 {
      %broadcast_in_dim3A = arith.constant 0.000000e+00 : f32
      %broadcast_in_dim3A_99 = vector.broadcast %broadcast_in_dim3A : f32 to vector<16xf32>
      %swap3A = arith.index_cast %scan3A_97 : i32 to index
      %swap3A_100 = arith.constant 0 : index
      %swap3A_101 = tpu.vector_load %arg9[%swap3A, %swap3A_100] {strides = array<i32>} : memref<64x48xf32, #tpu.memory_space<vmem>>, vector<1x16xf32>,
      %swap3A_102 = vector.shape_cast %swap3A_101 : vector<1x16xf32> to vector<16xf32>
      %swap3A_103 = vector.shape_cast %broadcast_in_dim3A_99 : vector<16xf32> to vector<1x16xf32>
      tpu.vector_store %arg9[%swap3A, %swap3A_100], %swap3A_103 {strides = array<i32>} : memref<64x48xf32, #tpu.memory_space<vmem>>, vector<1x16xf32>,
      %broadcast_in_dim3A_104 = arith.constant 0.000000e+00 : f32
      %broadcast_in_dim3A_105 = vector.broadcast %broadcast_in_dim3A_104 : f32 to vector<16xf32>
      %swap3A_106 = arith.index_cast %scan3A_97 : i32 to index
      %swap3A_107 = arith.constant 16 : index
      %swap3A_108 = tpu.vector_load %arg9[%swap3A_106, %swap3A_107] {strides = array<i32>} : memref<64x48xf32, #tpu.memory_space<vmem>>, vector<1x16xf32>,
      %swap3A_109 = vector.shape_cast %swap3A_108 : vector<1x16xf32> to vector<16xf32>
      %swap3A_110 = vector.shape_cast %broadcast_in_dim3A_105 : vector<16xf32> to vector<1x16xf32>
      tpu.vector_store %arg9[%swap3A_106, %swap3A_107], %swap3A_110 {strides = array<i32>} : memref<64x48xf32, #tpu.memory_space<vmem>>, vector<1x16xf32>,
      %broadcast_in_dim3A_111 = arith.constant 0.000000e+00 : f32
      %broadcast_in_dim3A_112 = vector.broadcast %broadcast_in_dim3A_111 : f32 to vector<16xf32>
      %swap3A_113 = arith.index_cast %scan3A_97 : i32 to index
      %swap3A_114 = arith.constant 32 : index
      %swap3A_115 = tpu.vector_load %arg9[%swap3A_113, %swap3A_114] {strides = array<i32>} : memref<64x48xf32, #tpu.memory_space<vmem>>, vector<1x16xf32>,
      %swap3A_116 = vector.shape_cast %swap3A_115 : vector<1x16xf32> to vector<16xf32>
      %swap3A_117 = vector.shape_cast %broadcast_in_dim3A_112 : vector<16xf32> to vector<1x16xf32>
      tpu.vector_store %arg9[%swap3A_113, %swap3A_114], %swap3A_117 {strides = array<i32>} : memref<64x48xf32, #tpu.memory_space<vmem>>, vector<1x16xf32>,
      %scan3A_118 = arith.constant 0 : i32
      scf.yield %scan3A_118 : i32
    }
    %scan3A_19 = arith.constant 64 : i32
    %mul3A_20 = arith.constant 640 : i32
    %mul3A_21 = arith.muli %arg1, %mul3A_20 : i32
    %scan3A_22 = arith.constant 0 : i32
    %scan3A_23 = arith.constant 0 : i32
    %scan3A_24 = arith.constant 10 : i32
    %scan3A_25 = arith.addi %scan3A_23, %scan3A_24 : i32
    %scan3A_26 = arith.constant 1 : i32
    %scan3A_27 = scf.for %scan3A_97 = %scan3A_23 to %scan3A_25 step %scan3A_26 iter_args(%scan3A_98 = %scan3A_22) -> (i32)  : i32 {
      %mul3A_99 = arith.constant 64 : i32
      %mul3A_100 = arith.muli %scan3A_97, %mul3A_99 : i32
      %add3A_101 = arith.addi %mul3A_21, %mul3A_100 : i32
      "tpu.region"() ({
        %run_scoped3A = tpu.sem_alloc : memref<!tpu.dma_semaphore, #tpu.memory_space<semaphore_mem>>
        %dma_start3A = arith.constant 0 : i32
        %dma_start3A_103 = tpu.memref_slice %arg10[%add3A_101, %dma_start3A] : memref<10240x48xf32, #tpu.memory_space<vmem_shared>> -> memref<64x48xf32, #tpu.memory_space<vmem_shared>>
        %dma_start3A_104 = arith.constant 0 : i32
        %dma_start3A_105 = tpu.memref_slice %arg10[%add3A_101, %dma_start3A_104] : memref<10240x48xf32, #tpu.memory_space<vmem_shared>> -> memref<64x48xf32, #tpu.memory_space<vmem_shared>>
        tpu.enqueue_dma source(%arg9 : memref<64x48xf32, #tpu.memory_space<vmem>>) target(%dma_start3A_105 : memref<64x48xf32, #tpu.memory_space<vmem_shared>>) target_semaphore(%run_scoped3A : memref<!tpu.dma_semaphore, #tpu.memory_space<semaphore_mem>>)
        %dma_wait3A = arith.constant 0 : i32
        %dma_wait3A_106 = tpu.memref_slice %arg10[%add3A_101, %dma_wait3A] : memref<10240x48xf32, #tpu.memory_space<vmem_shared>> -> memref<64x48xf32, #tpu.memory_space<vmem_shared>>
        %dma_wait3A_107 = arith.constant 0 : i32
        %dma_wait3A_108 = tpu.memref_slice %arg10[%add3A_101, %dma_wait3A_107] : memref<10240x48xf32, #tpu.memory_space<vmem_shared>> -> memref<64x48xf32, #tpu.memory_space<vmem_shared>>
        tpu.wait_dma2 semaphore(%run_scoped3A : memref<!tpu.dma_semaphore, #tpu.memory_space<semaphore_mem>>) src(%arg9 : memref<64x48xf32, #tpu.memory_space<vmem>>) dst(%dma_wait3A_108 : memref<64x48xf32, #tpu.memory_space<vmem_shared>>)
        tpu.yield
      }) : () -> ()
      %scan3A_102 = arith.constant 0 : i32
      scf.yield %scan3A_102 : i32
    }
    %scan3A_28 = arith.constant 10 : i32
    %barrier3A = arith.constant 0 : index
    tpu.barrier barrier_id(%barrier3A)
    %jit3A_29 = arith.constant 152 : i32
    %jit3A_30 = arith.constant 8 : i32
    %select_n3A_31 = arith.select %eq3A_0, %jit3A_29, %jit3A_30 : i32
    %mul3A_32 = arith.constant 0 : i32
    %mul3A_33 = arith.muli %mul3A_32, %select_n3A_31 : i32
    %add3A_34 = arith.addi %select_n3A_13, %mul3A_33 : i32
    "tpu.region"() ({
      %run_scoped3A = tpu.sem_alloc : memref<!tpu.dma_semaphore, #tpu.memory_space<semaphore_mem>>
      %dma_start3A = arith.constant 0 : i32
      %dma_start3A_97 = tpu.memref_slice %arg3[%add3A_34, %dma_start3A] : memref<2712x128xi32, #tpu.memory_space<hbm>> -> memref<152x128xi32, #tpu.memory_space<hbm>>
      %dma_start3A_98 = arith.constant 0 : i32
      %dma_start3A_99 = tpu.memref_slice %arg3[%add3A_34, %dma_start3A_98] : memref<2712x128xi32, #tpu.memory_space<hbm>> -> memref<152x128xi32, #tpu.memory_space<hbm>>
      tpu.enqueue_dma source(%dma_start3A_99 : memref<152x128xi32, #tpu.memory_space<hbm>>) target(%arg6 : memref<152x128xi32, #tpu.memory_space<vmem>>) target_semaphore(%run_scoped3A : memref<!tpu.dma_semaphore, #tpu.memory_space<semaphore_mem>>)
      %dma_wait3A = arith.constant 0 : i32
      %dma_wait3A_100 = tpu.memref_slice %arg3[%add3A_34, %dma_wait3A] : memref<2712x128xi32, #tpu.memory_space<hbm>> -> memref<152x128xi32, #tpu.memory_space<hbm>>
      %dma_wait3A_101 = arith.constant 0 : i32
      %dma_wait3A_102 = tpu.memref_slice %arg3[%add3A_34, %dma_wait3A_101] : memref<2712x128xi32, #tpu.memory_space<hbm>> -> memref<152x128xi32, #tpu.memory_space<hbm>>
      tpu.wait_dma2 semaphore(%run_scoped3A : memref<!tpu.dma_semaphore, #tpu.memory_space<semaphore_mem>>) src(%dma_wait3A_102 : memref<152x128xi32, #tpu.memory_space<hbm>>) dst(%arg6 : memref<152x128xi32, #tpu.memory_space<vmem>>)
      tpu.yield
    }) : () -> ()
    "tpu.region"() ({
      %run_scoped3A = tpu.sem_alloc : memref<!tpu.dma_semaphore, #tpu.memory_space<semaphore_mem>>
      %dma_start3A = arith.constant 0 : i32
      %dma_start3A_97 = tpu.memref_slice %arg4[%add3A_34, %dma_start3A] : memref<2712x128xi32, #tpu.memory_space<hbm>> -> memref<152x128xi32, #tpu.memory_space<hbm>>
      %dma_start3A_98 = arith.constant 0 : i32
      %dma_start3A_99 = tpu.memref_slice %arg4[%add3A_34, %dma_start3A_98] : memref<2712x128xi32, #tpu.memory_space<hbm>> -> memref<152x128xi32, #tpu.memory_space<hbm>>
      tpu.enqueue_dma source(%dma_start3A_99 : memref<152x128xi32, #tpu.memory_space<hbm>>) target(%arg7 : memref<152x128xi32, #tpu.memory_space<vmem>>) target_semaphore(%run_scoped3A : memref<!tpu.dma_semaphore, #tpu.memory_space<semaphore_mem>>)
      %dma_wait3A = arith.constant 0 : i32
      %dma_wait3A_100 = tpu.memref_slice %arg4[%add3A_34, %dma_wait3A] : memref<2712x128xi32, #tpu.memory_space<hbm>> -> memref<152x128xi32, #tpu.memory_space<hbm>>
      %dma_wait3A_101 = arith.constant 0 : i32
      %dma_wait3A_102 = tpu.memref_slice %arg4[%add3A_34, %dma_wait3A_101] : memref<2712x128xi32, #tpu.memory_space<hbm>> -> memref<152x128xi32, #tpu.memory_space<hbm>>
      tpu.wait_dma2 semaphore(%run_scoped3A : memref<!tpu.dma_semaphore, #tpu.memory_space<semaphore_mem>>) src(%dma_wait3A_102 : memref<152x128xi32, #tpu.memory_space<hbm>>) dst(%arg7 : memref<152x128xi32, #tpu.memory_space<vmem>>)
      tpu.yield
    }) : () -> ()
    %jit3A_35 = arith.constant 2 : i32
    %div3A = arith.divsi %select_n3A_31, %jit3A_35 : i32
    %sign3A = arith.constant 0 : i32
    %sign3A_36 = arith.cmpi sgt, %select_n3A_31, %sign3A : i32
    %sign3A_37 = arith.extui %sign3A_36 : i1 to i32
    %sign3A_38 = arith.constant 0 : i32
    %sign3A_39 = arith.cmpi slt, %select_n3A_31, %sign3A_38 : i32
    %sign3A_40 = arith.extui %sign3A_39 : i1 to i32
    %sign3A_41 = arith.subi %sign3A_37, %sign3A_40 : i32
    %sign3A_42 = arith.constant 0 : i32
    %sign3A_43 = arith.cmpi sgt, %jit3A_35, %sign3A_42 : i32
    %sign3A_44 = arith.extui %sign3A_43 : i1 to i32
    %sign3A_45 = arith.constant 0 : i32
    %sign3A_46 = arith.cmpi slt, %jit3A_35, %sign3A_45 : i32
    %sign3A_47 = arith.extui %sign3A_46 : i1 to i32
    %sign3A_48 = arith.subi %sign3A_44, %sign3A_47 : i32
    %ne3A = arith.cmpi ne, %sign3A_41, %sign3A_48 : i32
    %rem3A = arith.remsi %select_n3A_31, %jit3A_35 : i32
    %ne3A_49 = arith.constant 0 : i32
    %ne3A_50 = arith.cmpi ne, %rem3A, %ne3A_49 : i32
    %and3A_51 = arith.andi %ne3A, %ne3A_50 : i1
    %sub3A = arith.constant 1 : i32
    %sub3A_52 = arith.subi %div3A, %sub3A : i32
    %select_n3A_53 = arith.select %and3A_51, %sub3A_52, %div3A : i32
    %gt3A = arith.constant 0 : i32
    %gt3A_54 = arith.cmpi sgt, %select_n3A_31, %gt3A : i32
    %convert_element_type3A = arith.extui %gt3A_54 : i1 to i32
    %cond3A = arith.constant 0 : i32
    %cond3A_55 = arith.cmpi ne, %convert_element_type3A, %cond3A : i32
    scf.if %cond3A_55 {
      %dma_start3A = arith.constant 0 : i32
      %dma_start3A_97 = arith.constant 0 : i32
      %dma_start3A_98 = arith.constant 0 : i32
      %dma_start3A_99 = arith.constant 0 : i32
      %dma_start3A_100 = tpu.memref_slice %arg8[%dma_start3A_97, %dma_start3A_98, %dma_start3A_99] : memref<4x128x48xf32, #tpu.memory_space<vmem>> -> memref<1x128x48xf32, #tpu.memory_space<vmem>>
      %dma_start3A_101 = tpu.memref_squeeze %dma_start3A_100 : memref<1x128x48xf32, #tpu.memory_space<vmem>> -> memref<128x48xf32, #tpu.memory_space<vmem>>
      %dma_start3A_102 = arith.constant 0 : i32
      %dma_start3A_103 = tpu.memref_slice %arg6[%dma_start3A, %dma_start3A_102] : memref<152x128xi32, #tpu.memory_space<vmem>> -> memref<1x128xi32, #tpu.memory_space<vmem>>
      %dma_start3A_104 = tpu.memref_squeeze %dma_start3A_103 : memref<1x128xi32, #tpu.memory_space<vmem>> -> memref<128xi32, #tpu.memory_space<vmem>>
      %dma_start3A_105 = arith.constant 0 : i32
      %dma_start3A_106 = arith.constant 0 : i32
      %dma_start3A_107 = tpu.memref_slice %arg2[%dma_start3A_105, %dma_start3A_106] : memref<10000x48xf32, #tpu.memory_space<hbm>> -> memref<10000x48xf32, #tpu.memory_space<hbm>>
      tpu.enqueue_indirect_dma source(%dma_start3A_107 : memref<10000x48xf32, #tpu.memory_space<hbm>>) target(%dma_start3A_101 : memref<128x48xf32, #tpu.memory_space<vmem>>) offsets(%dma_start3A_104 : memref<128xi32, #tpu.memory_space<vmem>>) semaphore(%arg11 : memref<!tpu.dma_semaphore, #tpu.memory_space<semaphore_mem>>)
      %dma_start3A_108 = arith.constant 1 : i32
      %dma_start3A_109 = arith.constant 1 : i32
      %dma_start3A_110 = arith.constant 0 : i32
      %dma_start3A_111 = arith.constant 0 : i32
      %dma_start3A_112 = tpu.memref_slice %arg8[%dma_start3A_109, %dma_start3A_110, %dma_start3A_111] : memref<4x128x48xf32, #tpu.memory_space<vmem>> -> memref<1x128x48xf32, #tpu.memory_space<vmem>>
      %dma_start3A_113 = tpu.memref_squeeze %dma_start3A_112 : memref<1x128x48xf32, #tpu.memory_space<vmem>> -> memref<128x48xf32, #tpu.memory_space<vmem>>
      %dma_start3A_114 = arith.constant 0 : i32
      %dma_start3A_115 = tpu.memref_slice %arg6[%dma_start3A_108, %dma_start3A_114] : memref<152x128xi32, #tpu.memory_space<vmem>> -> memref<1x128xi32, #tpu.memory_space<vmem>>
      %dma_start3A_116 = tpu.memref_squeeze %dma_start3A_115 : memref<1x128xi32, #tpu.memory_space<vmem>> -> memref<128xi32, #tpu.memory_space<vmem>>
      %dma_start3A_117 = arith.constant 0 : i32
      %dma_start3A_118 = arith.constant 0 : i32
      %dma_start3A_119 = tpu.memref_slice %arg2[%dma_start3A_117, %dma_start3A_118] : memref<10000x48xf32, #tpu.memory_space<hbm>> -> memref<10000x48xf32, #tpu.memory_space<hbm>>
      tpu.enqueue_indirect_dma source(%dma_start3A_119 : memref<10000x48xf32, #tpu.memory_space<hbm>>) target(%dma_start3A_113 : memref<128x48xf32, #tpu.memory_space<vmem>>) offsets(%dma_start3A_116 : memref<128xi32, #tpu.memory_space<vmem>>) semaphore(%arg12 : memref<!tpu.dma_semaphore, #tpu.memory_space<semaphore_mem>>)
    } else {
    }
    %jit3A_56 = arith.constant 2 : i32
    %div3A_57 = arith.divsi %select_n3A_53, %jit3A_56 : i32
    %sign3A_58 = arith.constant 0 : i32
    %sign3A_59 = arith.cmpi sgt, %select_n3A_53, %sign3A_58 : i32
    %sign3A_60 = arith.extui %sign3A_59 : i1 to i32
    %sign3A_61 = arith.constant 0 : i32
    %sign3A_62 = arith.cmpi slt, %select_n3A_53, %sign3A_61 : i32
    %sign3A_63 = arith.extui %sign3A_62 : i1 to i32
    %sign3A_64 = arith.subi %sign3A_60, %sign3A_63 : i32
    %sign3A_65 = arith.constant 0 : i32
    %sign3A_66 = arith.cmpi sgt, %jit3A_56, %sign3A_65 : i32
    %sign3A_67 = arith.extui %sign3A_66 : i1 to i32
    %sign3A_68 = arith.constant 0 : i32
    %sign3A_69 = arith.cmpi slt, %jit3A_56, %sign3A_68 : i32
    %sign3A_70 = arith.extui %sign3A_69 : i1 to i32
    %sign3A_71 = arith.subi %sign3A_67, %sign3A_70 : i32
    %ne3A_72 = arith.cmpi ne, %sign3A_64, %sign3A_71 : i32
    %rem3A_73 = arith.remsi %select_n3A_53, %jit3A_56 : i32
    %ne3A_74 = arith.constant 0 : i32
    %ne3A_75 = arith.cmpi ne, %rem3A_73, %ne3A_74 : i32
    %and3A_76 = arith.andi %ne3A_72, %ne3A_75 : i1
    %sub3A_77 = arith.constant 1 : i32
    %sub3A_78 = arith.subi %div3A_57, %sub3A_77 : i32
    %select_n3A_79 = arith.select %and3A_76, %sub3A_78, %div3A_57 : i32
    %while3A = arith.constant 0 : i32
    %while3A_80 = arith.constant 0 : i32
    %while3A_81 = arith.subi %select_n3A_79, %while3A : i32
    %while3A_82 = arith.addi %while3A, %while3A_81 : i32
    %while3A_83 = arith.constant 1 : i32
    %while3A_84 = arith.divsi %while3A_81, %while3A_83 : i32
    %while3A_85 = arith.muli %while3A_84, %while3A_83 : i32
    %while3A_86 = arith.addi %while3A, %while3A_85 : i32
    %while3A_87 = arith.constant 1 : i32
    %while3A_88 = scf.for %while3A_97 = %while3A to %while3A_86 step %while3A_87 iter_args(%while3A_98 = %while3A_80) -> (i32)  : i32 {
      %mul3A_99 = arith.constant 2 : i32
      %mul3A_100 = arith.muli %mul3A_99, %while3A_97 : i32
      %add3A_101 = arith.constant 0 : i32
      %add3A_102 = arith.addi %mul3A_100, %add3A_101 : i32
      %gt3A_103 = arith.constant 0 : i32
      %gt3A_104 = arith.cmpi sgt, %add3A_102, %gt3A_103 : i32
      %convert_element_type3A_105 = arith.extui %gt3A_104 : i1 to i32
      %cond3A_106 = arith.constant 0 : i32
      %cond3A_107 = arith.cmpi ne, %convert_element_type3A_105, %cond3A_106 : i32
      scf.if %cond3A_107 {
        %sub3A_248 = arith.constant 1 : i32
        %sub3A_249 = arith.subi %add3A_102, %sub3A_248 : i32
        %mul3A_250 = arith.constant 2 : i32
        %mul3A_251 = arith.muli %mul3A_250, %sub3A_249 : i32
        %add3A_252 = arith.constant 0 : i32
        %add3A_253 = arith.addi %mul3A_251, %add3A_252 : i32
        %dma_wait3A_254 = arith.constant 2 : i32
        %dma_wait3A_255 = arith.constant 0 : i32
        %dma_wait3A_256 = arith.constant 0 : i32
        %dma_wait3A_257 = tpu.memref_slice %arg8[%dma_wait3A_254, %dma_wait3A_255, %dma_wait3A_256] : memref<4x128x48xf32, #tpu.memory_space<vmem>> -> memref<1x128x48xf32, #tpu.memory_space<vmem>>
        %dma_wait3A_258 = tpu.memref_squeeze %dma_wait3A_257 : memref<1x128x48xf32, #tpu.memory_space<vmem>> -> memref<128x48xf32, #tpu.memory_space<vmem>>
        %dma_wait3A_259 = arith.constant 0 : i32
        %dma_wait3A_260 = tpu.memref_slice %arg7[%add3A_253, %dma_wait3A_259] : memref<152x128xi32, #tpu.memory_space<vmem>> -> memref<1x128xi32, #tpu.memory_space<vmem>>
        %dma_wait3A_261 = tpu.memref_squeeze %dma_wait3A_260 : memref<1x128xi32, #tpu.memory_space<vmem>> -> memref<128xi32, #tpu.memory_space<vmem>>
        %dma_wait3A_262 = arith.constant 0 : i32
        %dma_wait3A_263 = arith.constant 0 : i32
        %dma_wait3A_264 = tpu.memref_slice %arg10[%dma_wait3A_262, %dma_wait3A_263] : memref<10240x48xf32, #tpu.memory_space<vmem_shared>> -> memref<10240x48xf32, #tpu.memory_space<vmem_shared>>
        tpu.wait_indirect_dma semaphore(%arg15 : memref<!tpu.dma_semaphore, #tpu.memory_space<semaphore_mem>>) src(%dma_wait3A_258 : memref<128x48xf32, #tpu.memory_space<vmem>>) dst(%dma_wait3A_264 : memref<10240x48xf32, #tpu.memory_space<vmem_shared>>)
        %sub3A_265 = arith.constant 1 : i32
        %sub3A_266 = arith.subi %add3A_102, %sub3A_265 : i32
        %mul3A_267 = arith.constant 2 : i32
        %mul3A_268 = arith.muli %mul3A_267, %sub3A_266 : i32
        %add3A_269 = arith.constant 1 : i32
        %add3A_270 = arith.addi %mul3A_268, %add3A_269 : i32
        %dma_wait3A_271 = arith.constant 3 : i32
        %dma_wait3A_272 = arith.constant 0 : i32
        %dma_wait3A_273 = arith.constant 0 : i32
        %dma_wait3A_274 = tpu.memref_slice %arg8[%dma_wait3A_271, %dma_wait3A_272, %dma_wait3A_273] : memref<4x128x48xf32, #tpu.memory_space<vmem>> -> memref<1x128x48xf32, #tpu.memory_space<vmem>>
        %dma_wait3A_275 = tpu.memref_squeeze %dma_wait3A_274 : memref<1x128x48xf32, #tpu.memory_space<vmem>> -> memref<128x48xf32, #tpu.memory_space<vmem>>
        %dma_wait3A_276 = arith.constant 0 : i32
        %dma_wait3A_277 = tpu.memref_slice %arg7[%add3A_270, %dma_wait3A_276] : memref<152x128xi32, #tpu.memory_space<vmem>> -> memref<1x128xi32, #tpu.memory_space<vmem>>
        %dma_wait3A_278 = tpu.memref_squeeze %dma_wait3A_277 : memref<1x128xi32, #tpu.memory_space<vmem>> -> memref<128xi32, #tpu.memory_space<vmem>>
        %dma_wait3A_279 = arith.constant 0 : i32
        %dma_wait3A_280 = arith.constant 0 : i32
        %dma_wait3A_281 = tpu.memref_slice %arg10[%dma_wait3A_279, %dma_wait3A_280] : memref<10240x48xf32, #tpu.memory_space<vmem_shared>> -> memref<10240x48xf32, #tpu.memory_space<vmem_shared>>
        tpu.wait_indirect_dma semaphore(%arg15 : memref<!tpu.dma_semaphore, #tpu.memory_space<semaphore_mem>>) src(%dma_wait3A_275 : memref<128x48xf32, #tpu.memory_space<vmem>>) dst(%dma_wait3A_281 : memref<10240x48xf32, #tpu.memory_space<vmem_shared>>)
      } else {
      }
      %add3A_108 = arith.constant 1 : i32
      %add3A_109 = arith.addi %add3A_102, %add3A_108 : i32
      %lt3A_110 = arith.cmpi slt, %add3A_109, %select_n3A_53 : i32
      %convert_element_type3A_111 = arith.extui %lt3A_110 : i1 to i32
      %cond3A_112 = arith.constant 0 : i32
      %cond3A_113 = arith.cmpi ne, %convert_element_type3A_111, %cond3A_112 : i32
      scf.if %cond3A_113 {
        %add3A_248 = arith.constant 1 : i32
        %add3A_249 = arith.addi %add3A_102, %add3A_248 : i32
        %mul3A_250 = arith.constant 2 : i32
        %mul3A_251 = arith.muli %mul3A_250, %add3A_249 : i32
        %add3A_252 = arith.constant 0 : i32
        %add3A_253 = arith.addi %mul3A_251, %add3A_252 : i32
        %dma_start3A_254 = arith.constant 2 : i32
        %dma_start3A_255 = arith.constant 0 : i32
        %dma_start3A_256 = arith.constant 0 : i32
        %dma_start3A_257 = tpu.memref_slice %arg8[%dma_start3A_254, %dma_start3A_255, %dma_start3A_256] : memref<4x128x48xf32, #tpu.memory_space<vmem>> -> memref<1x128x48xf32, #tpu.memory_space<vmem>>
        %dma_start3A_258 = tpu.memref_squeeze %dma_start3A_257 : memref<1x128x48xf32, #tpu.memory_space<vmem>> -> memref<128x48xf32, #tpu.memory_space<vmem>>
        %dma_start3A_259 = arith.constant 0 : i32
        %dma_start3A_260 = tpu.memref_slice %arg6[%add3A_253, %dma_start3A_259] : memref<152x128xi32, #tpu.memory_space<vmem>> -> memref<1x128xi32, #tpu.memory_space<vmem>>
        %dma_start3A_261 = tpu.memref_squeeze %dma_start3A_260 : memref<1x128xi32, #tpu.memory_space<vmem>> -> memref<128xi32, #tpu.memory_space<vmem>>
        %dma_start3A_262 = arith.constant 0 : i32
        %dma_start3A_263 = arith.constant 0 : i32
        %dma_start3A_264 = tpu.memref_slice %arg2[%dma_start3A_262, %dma_start3A_263] : memref<10000x48xf32, #tpu.memory_space<hbm>> -> memref<10000x48xf32, #tpu.memory_space<hbm>>
        tpu.enqueue_indirect_dma source(%dma_start3A_264 : memref<10000x48xf32, #tpu.memory_space<hbm>>) target(%dma_start3A_258 : memref<128x48xf32, #tpu.memory_space<vmem>>) offsets(%dma_start3A_261 : memref<128xi32, #tpu.memory_space<vmem>>) semaphore(%arg13 : memref<!tpu.dma_semaphore, #tpu.memory_space<semaphore_mem>>)
        %add3A_265 = arith.constant 1 : i32
        %add3A_266 = arith.addi %add3A_102, %add3A_265 : i32
        %mul3A_267 = arith.constant 2 : i32
        %mul3A_268 = arith.muli %mul3A_267, %add3A_266 : i32
        %add3A_269 = arith.constant 1 : i32
        %add3A_270 = arith.addi %mul3A_268, %add3A_269 : i32
        %dma_start3A_271 = arith.constant 3 : i32
        %dma_start3A_272 = arith.constant 0 : i32
        %dma_start3A_273 = arith.constant 0 : i32
        %dma_start3A_274 = tpu.memref_slice %arg8[%dma_start3A_271, %dma_start3A_272, %dma_start3A_273] : memref<4x128x48xf32, #tpu.memory_space<vmem>> -> memref<1x128x48xf32, #tpu.memory_space<vmem>>
        %dma_start3A_275 = tpu.memref_squeeze %dma_start3A_274 : memref<1x128x48xf32, #tpu.memory_space<vmem>> -> memref<128x48xf32, #tpu.memory_space<vmem>>
        %dma_start3A_276 = arith.constant 0 : i32
        %dma_start3A_277 = tpu.memref_slice %arg6[%add3A_270, %dma_start3A_276] : memref<152x128xi32, #tpu.memory_space<vmem>> -> memref<1x128xi32, #tpu.memory_space<vmem>>
        %dma_start3A_278 = tpu.memref_squeeze %dma_start3A_277 : memref<1x128xi32, #tpu.memory_space<vmem>> -> memref<128xi32, #tpu.memory_space<vmem>>
        %dma_start3A_279 = arith.constant 0 : i32
        %dma_start3A_280 = arith.constant 0 : i32
        %dma_start3A_281 = tpu.memref_slice %arg2[%dma_start3A_279, %dma_start3A_280] : memref<10000x48xf32, #tpu.memory_space<hbm>> -> memref<10000x48xf32, #tpu.memory_space<hbm>>
        tpu.enqueue_indirect_dma source(%dma_start3A_281 : memref<10000x48xf32, #tpu.memory_space<hbm>>) target(%dma_start3A_275 : memref<128x48xf32, #tpu.memory_space<vmem>>) offsets(%dma_start3A_278 : memref<128xi32, #tpu.memory_space<vmem>>) semaphore(%arg14 : memref<!tpu.dma_semaphore, #tpu.memory_space<semaphore_mem>>)
      } else {
      }
      %mul3A_114 = arith.constant 2 : i32
      %mul3A_115 = arith.muli %mul3A_114, %add3A_102 : i32
      %add3A_116 = arith.constant 0 : i32
      %add3A_117 = arith.addi %mul3A_115, %add3A_116 : i32
      %dma_wait3A = arith.constant 0 : i32
      %dma_wait3A_118 = arith.constant 0 : i32
      %dma_wait3A_119 = arith.constant 0 : i32
      %dma_wait3A_120 = tpu.memref_slice %arg8[%dma_wait3A, %dma_wait3A_118, %dma_wait3A_119] : memref<4x128x48xf32, #tpu.memory_space<vmem>> -> memref<1x128x48xf32, #tpu.memory_space<vmem>>
      %dma_wait3A_121 = tpu.memref_squeeze %dma_wait3A_120 : memref<1x128x48xf32, #tpu.memory_space<vmem>> -> memref<128x48xf32, #tpu.memory_space<vmem>>
      %dma_wait3A_122 = arith.constant 0 : i32
      %dma_wait3A_123 = tpu.memref_slice %arg6[%add3A_117, %dma_wait3A_122] : memref<152x128xi32, #tpu.memory_space<vmem>> -> memref<1x128xi32, #tpu.memory_space<vmem>>
      %dma_wait3A_124 = tpu.memref_squeeze %dma_wait3A_123 : memref<1x128xi32, #tpu.memory_space<vmem>> -> memref<128xi32, #tpu.memory_space<vmem>>
      %dma_wait3A_125 = arith.constant 0 : i32
      %dma_wait3A_126 = arith.constant 0 : i32
      %dma_wait3A_127 = tpu.memref_slice %arg2[%dma_wait3A_125, %dma_wait3A_126] : memref<10000x48xf32, #tpu.memory_space<hbm>> -> memref<10000x48xf32, #tpu.memory_space<hbm>>
      tpu.wait_indirect_dma semaphore(%arg11 : memref<!tpu.dma_semaphore, #tpu.memory_space<semaphore_mem>>) src(%dma_wait3A_127 : memref<10000x48xf32, #tpu.memory_space<hbm>>) dst(%dma_wait3A_121 : memref<128x48xf32, #tpu.memory_space<vmem>>)
      %mul3A_128 = arith.constant 2 : i32
      %mul3A_129 = arith.muli %mul3A_128, %add3A_102 : i32
      %add3A_130 = arith.constant 0 : i32
      %add3A_131 = arith.addi %mul3A_129, %add3A_130 : i32
      %dma_start3A = arith.constant 0 : i32
      %dma_start3A_132 = arith.constant 0 : i32
      %dma_start3A_133 = arith.constant 0 : i32
      %dma_start3A_134 = tpu.memref_slice %arg8[%dma_start3A, %dma_start3A_132, %dma_start3A_133] : memref<4x128x48xf32, #tpu.memory_space<vmem>> -> memref<1x128x48xf32, #tpu.memory_space<vmem>>
      %dma_start3A_135 = tpu.memref_squeeze %dma_start3A_134 : memref<1x128x48xf32, #tpu.memory_space<vmem>> -> memref<128x48xf32, #tpu.memory_space<vmem>>
      %dma_start3A_136 = arith.constant 0 : i32
      %dma_start3A_137 = tpu.memref_slice %arg7[%add3A_131, %dma_start3A_136] : memref<152x128xi32, #tpu.memory_space<vmem>> -> memref<1x128xi32, #tpu.memory_space<vmem>>
      %dma_start3A_138 = tpu.memref_squeeze %dma_start3A_137 : memref<1x128xi32, #tpu.memory_space<vmem>> -> memref<128xi32, #tpu.memory_space<vmem>>
      %dma_start3A_139 = arith.constant 0 : i32
      %dma_start3A_140 = arith.constant 0 : i32
      %dma_start3A_141 = tpu.memref_slice %arg10[%dma_start3A_139, %dma_start3A_140] : memref<10240x48xf32, #tpu.memory_space<vmem_shared>> -> memref<10240x48xf32, #tpu.memory_space<vmem_shared>>
      tpu.enqueue_indirect_dma source(%dma_start3A_135 : memref<128x48xf32, #tpu.memory_space<vmem>>) target(%dma_start3A_141 : memref<10240x48xf32, #tpu.memory_space<vmem_shared>>) offsets(%dma_start3A_138 : memref<128xi32, #tpu.memory_space<vmem>>) semaphore(%arg15 : memref<!tpu.dma_semaphore, #tpu.memory_space<semaphore_mem>>) {add = true}
      %mul3A_142 = arith.constant 2 : i32
      %mul3A_143 = arith.muli %mul3A_142, %add3A_102 : i32
      %add3A_144 = arith.constant 1 : i32
      %add3A_145 = arith.addi %mul3A_143, %add3A_144 : i32
      %dma_wait3A_146 = arith.constant 1 : i32
      %dma_wait3A_147 = arith.constant 0 : i32
      %dma_wait3A_148 = arith.constant 0 : i32
      %dma_wait3A_149 = tpu.memref_slice %arg8[%dma_wait3A_146, %dma_wait3A_147, %dma_wait3A_148] : memref<4x128x48xf32, #tpu.memory_space<vmem>> -> memref<1x128x48xf32, #tpu.memory_space<vmem>>
      %dma_wait3A_150 = tpu.memref_squeeze %dma_wait3A_149 : memref<1x128x48xf32, #tpu.memory_space<vmem>> -> memref<128x48xf32, #tpu.memory_space<vmem>>
      %dma_wait3A_151 = arith.constant 0 : i32
      %dma_wait3A_152 = tpu.memref_slice %arg6[%add3A_145, %dma_wait3A_151] : memref<152x128xi32, #tpu.memory_space<vmem>> -> memref<1x128xi32, #tpu.memory_space<vmem>>
      %dma_wait3A_153 = tpu.memref_squeeze %dma_wait3A_152 : memref<1x128xi32, #tpu.memory_space<vmem>> -> memref<128xi32, #tpu.memory_space<vmem>>
      %dma_wait3A_154 = arith.constant 0 : i32
      %dma_wait3A_155 = arith.constant 0 : i32
      %dma_wait3A_156 = tpu.memref_slice %arg2[%dma_wait3A_154, %dma_wait3A_155] : memref<10000x48xf32, #tpu.memory_space<hbm>> -> memref<10000x48xf32, #tpu.memory_space<hbm>>
      tpu.wait_indirect_dma semaphore(%arg12 : memref<!tpu.dma_semaphore, #tpu.memory_space<semaphore_mem>>) src(%dma_wait3A_156 : memref<10000x48xf32, #tpu.memory_space<hbm>>) dst(%dma_wait3A_150 : memref<128x48xf32, #tpu.memory_space<vmem>>)
      %mul3A_157 = arith.constant 2 : i32
      %mul3A_158 = arith.muli %mul3A_157, %add3A_102 : i32
      %add3A_159 = arith.constant 1 : i32
      %add3A_160 = arith.addi %mul3A_158, %add3A_159 : i32
      %dma_start3A_161 = arith.constant 1 : i32
      %dma_start3A_162 = arith.constant 0 : i32
      %dma_start3A_163 = arith.constant 0 : i32
      %dma_start3A_164 = tpu.memref_slice %arg8[%dma_start3A_161, %dma_start3A_162, %dma_start3A_163] : memref<4x128x48xf32, #tpu.memory_space<vmem>> -> memref<1x128x48xf32, #tpu.memory_space<vmem>>
      %dma_start3A_165 = tpu.memref_squeeze %dma_start3A_164 : memref<1x128x48xf32, #tpu.memory_space<vmem>> -> memref<128x48xf32, #tpu.memory_space<vmem>>
      %dma_start3A_166 = arith.constant 0 : i32
      %dma_start3A_167 = tpu.memref_slice %arg7[%add3A_160, %dma_start3A_166] : memref<152x128xi32, #tpu.memory_space<vmem>> -> memref<1x128xi32, #tpu.memory_space<vmem>>
      %dma_start3A_168 = tpu.memref_squeeze %dma_start3A_167 : memref<1x128xi32, #tpu.memory_space<vmem>> -> memref<128xi32, #tpu.memory_space<vmem>>
      %dma_start3A_169 = arith.constant 0 : i32
      %dma_start3A_170 = arith.constant 0 : i32
      %dma_start3A_171 = tpu.memref_slice %arg10[%dma_start3A_169, %dma_start3A_170] : memref<10240x48xf32, #tpu.memory_space<vmem_shared>> -> memref<10240x48xf32, #tpu.memory_space<vmem_shared>>
      tpu.enqueue_indirect_dma source(%dma_start3A_165 : memref<128x48xf32, #tpu.memory_space<vmem>>) target(%dma_start3A_171 : memref<10240x48xf32, #tpu.memory_space<vmem_shared>>) offsets(%dma_start3A_168 : memref<128xi32, #tpu.memory_space<vmem>>) semaphore(%arg15 : memref<!tpu.dma_semaphore, #tpu.memory_space<semaphore_mem>>) {add = true}
      %mul3A_172 = arith.constant 2 : i32
      %mul3A_173 = arith.muli %mul3A_172, %while3A_97 : i32
      %add3A_174 = arith.constant 1 : i32
      %add3A_175 = arith.addi %mul3A_173, %add3A_174 : i32
      %gt3A_176 = arith.constant 0 : i32
      %gt3A_177 = arith.cmpi sgt, %add3A_175, %gt3A_176 : i32
      %convert_element_type3A_178 = arith.extui %gt3A_177 : i1 to i32
      %cond3A_179 = arith.constant 0 : i32
      %cond3A_180 = arith.cmpi ne, %convert_element_type3A_178, %cond3A_179 : i32
      scf.if %cond3A_180 {
        %sub3A_248 = arith.constant 1 : i32
        %sub3A_249 = arith.subi %add3A_175, %sub3A_248 : i32
        %mul3A_250 = arith.constant 2 : i32
        %mul3A_251 = arith.muli %mul3A_250, %sub3A_249 : i32
        %add3A_252 = arith.constant 0 : i32
        %add3A_253 = arith.addi %mul3A_251, %add3A_252 : i32
        %dma_wait3A_254 = arith.constant 0 : i32
        %dma_wait3A_255 = arith.constant 0 : i32
        %dma_wait3A_256 = arith.constant 0 : i32
        %dma_wait3A_257 = tpu.memref_slice %arg8[%dma_wait3A_254, %dma_wait3A_255, %dma_wait3A_256] : memref<4x128x48xf32, #tpu.memory_space<vmem>> -> memref<1x128x48xf32, #tpu.memory_space<vmem>>
        %dma_wait3A_258 = tpu.memref_squeeze %dma_wait3A_257 : memref<1x128x48xf32, #tpu.memory_space<vmem>> -> memref<128x48xf32, #tpu.memory_space<vmem>>
        %dma_wait3A_259 = arith.constant 0 : i32
        %dma_wait3A_260 = tpu.memref_slice %arg7[%add3A_253, %dma_wait3A_259] : memref<152x128xi32, #tpu.memory_space<vmem>> -> memref<1x128xi32, #tpu.memory_space<vmem>>
        %dma_wait3A_261 = tpu.memref_squeeze %dma_wait3A_260 : memref<1x128xi32, #tpu.memory_space<vmem>> -> memref<128xi32, #tpu.memory_space<vmem>>
        %dma_wait3A_262 = arith.constant 0 : i32
        %dma_wait3A_263 = arith.constant 0 : i32
        %dma_wait3A_264 = tpu.memref_slice %arg10[%dma_wait3A_262, %dma_wait3A_263] : memref<10240x48xf32, #tpu.memory_space<vmem_shared>> -> memref<10240x48xf32, #tpu.memory_space<vmem_shared>>
        tpu.wait_indirect_dma semaphore(%arg15 : memref<!tpu.dma_semaphore, #tpu.memory_space<semaphore_mem>>) src(%dma_wait3A_258 : memref<128x48xf32, #tpu.memory_space<vmem>>) dst(%dma_wait3A_264 : memref<10240x48xf32, #tpu.memory_space<vmem_shared>>)
        %sub3A_265 = arith.constant 1 : i32
        %sub3A_266 = arith.subi %add3A_175, %sub3A_265 : i32
        %mul3A_267 = arith.constant 2 : i32
        %mul3A_268 = arith.muli %mul3A_267, %sub3A_266 : i32
        %add3A_269 = arith.constant 1 : i32
        %add3A_270 = arith.addi %mul3A_268, %add3A_269 : i32
        %dma_wait3A_271 = arith.constant 1 : i32
        %dma_wait3A_272 = arith.constant 0 : i32
        %dma_wait3A_273 = arith.constant 0 : i32
        %dma_wait3A_274 = tpu.memref_slice %arg8[%dma_wait3A_271, %dma_wait3A_272, %dma_wait3A_273] : memref<4x128x48xf32, #tpu.memory_space<vmem>> -> memref<1x128x48xf32, #tpu.memory_space<vmem>>
        %dma_wait3A_275 = tpu.memref_squeeze %dma_wait3A_274 : memref<1x128x48xf32, #tpu.memory_space<vmem>> -> memref<128x48xf32, #tpu.memory_space<vmem>>
        %dma_wait3A_276 = arith.constant 0 : i32
        %dma_wait3A_277 = tpu.memref_slice %arg7[%add3A_270, %dma_wait3A_276] : memref<152x128xi32, #tpu.memory_space<vmem>> -> memref<1x128xi32, #tpu.memory_space<vmem>>
        %dma_wait3A_278 = tpu.memref_squeeze %dma_wait3A_277 : memref<1x128xi32, #tpu.memory_space<vmem>> -> memref<128xi32, #tpu.memory_space<vmem>>
        %dma_wait3A_279 = arith.constant 0 : i32
        %dma_wait3A_280 = arith.constant 0 : i32
        %dma_wait3A_281 = tpu.memref_slice %arg10[%dma_wait3A_279, %dma_wait3A_280] : memref<10240x48xf32, #tpu.memory_space<vmem_shared>> -> memref<10240x48xf32, #tpu.memory_space<vmem_shared>>
        tpu.wait_indirect_dma semaphore(%arg15 : memref<!tpu.dma_semaphore, #tpu.memory_space<semaphore_mem>>) src(%dma_wait3A_275 : memref<128x48xf32, #tpu.memory_space<vmem>>) dst(%dma_wait3A_281 : memref<10240x48xf32, #tpu.memory_space<vmem_shared>>)
      } else {
      }
      %add3A_181 = arith.constant 1 : i32
      %add3A_182 = arith.addi %add3A_175, %add3A_181 : i32
      %lt3A_183 = arith.cmpi slt, %add3A_182, %select_n3A_53 : i32
      %convert_element_type3A_184 = arith.extui %lt3A_183 : i1 to i32
      %cond3A_185 = arith.constant 0 : i32
      %cond3A_186 = arith.cmpi ne, %convert_element_type3A_184, %cond3A_185 : i32
      scf.if %cond3A_186 {
        %add3A_248 = arith.constant 1 : i32
        %add3A_249 = arith.addi %add3A_175, %add3A_248 : i32
        %mul3A_250 = arith.constant 2 : i32
        %mul3A_251 = arith.muli %mul3A_250, %add3A_249 : i32
        %add3A_252 = arith.constant 0 : i32
        %add3A_253 = arith.addi %mul3A_251, %add3A_252 : i32
        %dma_start3A_254 = arith.constant 0 : i32
        %dma_start3A_255 = arith.constant 0 : i32
        %dma_start3A_256 = arith.constant 0 : i32
        %dma_start3A_257 = tpu.memref_slice %arg8[%dma_start3A_254, %dma_start3A_255, %dma_start3A_256] : memref<4x128x48xf32, #tpu.memory_space<vmem>> -> memref<1x128x48xf32, #tpu.memory_space<vmem>>
        %dma_start3A_258 = tpu.memref_squeeze %dma_start3A_257 : memref<1x128x48xf32, #tpu.memory_space<vmem>> -> memref<128x48xf32, #tpu.memory_space<vmem>>
        %dma_start3A_259 = arith.constant 0 : i32
        %dma_start3A_260 = tpu.memref_slice %arg6[%add3A_253, %dma_start3A_259] : memref<152x128xi32, #tpu.memory_space<vmem>> -> memref<1x128xi32, #tpu.memory_space<vmem>>
        %dma_start3A_261 = tpu.memref_squeeze %dma_start3A_260 : memref<1x128xi32, #tpu.memory_space<vmem>> -> memref<128xi32, #tpu.memory_space<vmem>>
        %dma_start3A_262 = arith.constant 0 : i32
        %dma_start3A_263 = arith.constant 0 : i32
        %dma_start3A_264 = tpu.memref_slice %arg2[%dma_start3A_262, %dma_start3A_263] : memref<10000x48xf32, #tpu.memory_space<hbm>> -> memref<10000x48xf32, #tpu.memory_space<hbm>>
        tpu.enqueue_indirect_dma source(%dma_start3A_264 : memref<10000x48xf32, #tpu.memory_space<hbm>>) target(%dma_start3A_258 : memref<128x48xf32, #tpu.memory_space<vmem>>) offsets(%dma_start3A_261 : memref<128xi32, #tpu.memory_space<vmem>>) semaphore(%arg11 : memref<!tpu.dma_semaphore, #tpu.memory_space<semaphore_mem>>)
        %add3A_265 = arith.constant 1 : i32
        %add3A_266 = arith.addi %add3A_175, %add3A_265 : i32
        %mul3A_267 = arith.constant 2 : i32
        %mul3A_268 = arith.muli %mul3A_267, %add3A_266 : i32
        %add3A_269 = arith.constant 1 : i32
        %add3A_270 = arith.addi %mul3A_268, %add3A_269 : i32
        %dma_start3A_271 = arith.constant 1 : i32
        %dma_start3A_272 = arith.constant 0 : i32
        %dma_start3A_273 = arith.constant 0 : i32
        %dma_start3A_274 = tpu.memref_slice %arg8[%dma_start3A_271, %dma_start3A_272, %dma_start3A_273] : memref<4x128x48xf32, #tpu.memory_space<vmem>> -> memref<1x128x48xf32, #tpu.memory_space<vmem>>
        %dma_start3A_275 = tpu.memref_squeeze %dma_start3A_274 : memref<1x128x48xf32, #tpu.memory_space<vmem>> -> memref<128x48xf32, #tpu.memory_space<vmem>>
        %dma_start3A_276 = arith.constant 0 : i32
        %dma_start3A_277 = tpu.memref_slice %arg6[%add3A_270, %dma_start3A_276] : memref<152x128xi32, #tpu.memory_space<vmem>> -> memref<1x128xi32, #tpu.memory_space<vmem>>
        %dma_start3A_278 = tpu.memref_squeeze %dma_start3A_277 : memref<1x128xi32, #tpu.memory_space<vmem>> -> memref<128xi32, #tpu.memory_space<vmem>>
        %dma_start3A_279 = arith.constant 0 : i32
        %dma_start3A_280 = arith.constant 0 : i32
        %dma_start3A_281 = tpu.memref_slice %arg2[%dma_start3A_279, %dma_start3A_280] : memref<10000x48xf32, #tpu.memory_space<hbm>> -> memref<10000x48xf32, #tpu.memory_space<hbm>>
        tpu.enqueue_indirect_dma source(%dma_start3A_281 : memref<10000x48xf32, #tpu.memory_space<hbm>>) target(%dma_start3A_275 : memref<128x48xf32, #tpu.memory_space<vmem>>) offsets(%dma_start3A_278 : memref<128xi32, #tpu.memory_space<vmem>>) semaphore(%arg12 : memref<!tpu.dma_semaphore, #tpu.memory_space<semaphore_mem>>)
      } else {
      }
      %mul3A_187 = arith.constant 2 : i32
      %mul3A_188 = arith.muli %mul3A_187, %add3A_175 : i32
      %add3A_189 = arith.constant 0 : i32
      %add3A_190 = arith.addi %mul3A_188, %add3A_189 : i32
      %dma_wait3A_191 = arith.constant 2 : i32
      %dma_wait3A_192 = arith.constant 0 : i32
      %dma_wait3A_193 = arith.constant 0 : i32
      %dma_wait3A_194 = tpu.memref_slice %arg8[%dma_wait3A_191, %dma_wait3A_192, %dma_wait3A_193] : memref<4x128x48xf32, #tpu.memory_space<vmem>> -> memref<1x128x48xf32, #tpu.memory_space<vmem>>
      %dma_wait3A_195 = tpu.memref_squeeze %dma_wait3A_194 : memref<1x128x48xf32, #tpu.memory_space<vmem>> -> memref<128x48xf32, #tpu.memory_space<vmem>>
      %dma_wait3A_196 = arith.constant 0 : i32
      %dma_wait3A_197 = tpu.memref_slice %arg6[%add3A_190, %dma_wait3A_196] : memref<152x128xi32, #tpu.memory_space<vmem>> -> memref<1x128xi32, #tpu.memory_space<vmem>>
      %dma_wait3A_198 = tpu.memref_squeeze %dma_wait3A_197 : memref<1x128xi32, #tpu.memory_space<vmem>> -> memref<128xi32, #tpu.memory_space<vmem>>
      %dma_wait3A_199 = arith.constant 0 : i32
      %dma_wait3A_200 = arith.constant 0 : i32
      %dma_wait3A_201 = tpu.memref_slice %arg2[%dma_wait3A_199, %dma_wait3A_200] : memref<10000x48xf32, #tpu.memory_space<hbm>> -> memref<10000x48xf32, #tpu.memory_space<hbm>>
      tpu.wait_indirect_dma semaphore(%arg13 : memref<!tpu.dma_semaphore, #tpu.memory_space<semaphore_mem>>) src(%dma_wait3A_201 : memref<10000x48xf32, #tpu.memory_space<hbm>>) dst(%dma_wait3A_195 : memref<128x48xf32, #tpu.memory_space<vmem>>)
      %mul3A_202 = arith.constant 2 : i32
      %mul3A_203 = arith.muli %mul3A_202, %add3A_175 : i32
      %add3A_204 = arith.constant 0 : i32
      %add3A_205 = arith.addi %mul3A_203, %add3A_204 : i32
      %dma_start3A_206 = arith.constant 2 : i32
      %dma_start3A_207 = arith.constant 0 : i32
      %dma_start3A_208 = arith.constant 0 : i32
      %dma_start3A_209 = tpu.memref_slice %arg8[%dma_start3A_206, %dma_start3A_207, %dma_start3A_208] : memref<4x128x48xf32, #tpu.memory_space<vmem>> -> memref<1x128x48xf32, #tpu.memory_space<vmem>>
      %dma_start3A_210 = tpu.memref_squeeze %dma_start3A_209 : memref<1x128x48xf32, #tpu.memory_space<vmem>> -> memref<128x48xf32, #tpu.memory_space<vmem>>
      %dma_start3A_211 = arith.constant 0 : i32
      %dma_start3A_212 = tpu.memref_slice %arg7[%add3A_205, %dma_start3A_211] : memref<152x128xi32, #tpu.memory_space<vmem>> -> memref<1x128xi32, #tpu.memory_space<vmem>>
      %dma_start3A_213 = tpu.memref_squeeze %dma_start3A_212 : memref<1x128xi32, #tpu.memory_space<vmem>> -> memref<128xi32, #tpu.memory_space<vmem>>
      %dma_start3A_214 = arith.constant 0 : i32
      %dma_start3A_215 = arith.constant 0 : i32
      %dma_start3A_216 = tpu.memref_slice %arg10[%dma_start3A_214, %dma_start3A_215] : memref<10240x48xf32, #tpu.memory_space<vmem_shared>> -> memref<10240x48xf32, #tpu.memory_space<vmem_shared>>
      tpu.enqueue_indirect_dma source(%dma_start3A_210 : memref<128x48xf32, #tpu.memory_space<vmem>>) target(%dma_start3A_216 : memref<10240x48xf32, #tpu.memory_space<vmem_shared>>) offsets(%dma_start3A_213 : memref<128xi32, #tpu.memory_space<vmem>>) semaphore(%arg15 : memref<!tpu.dma_semaphore, #tpu.memory_space<semaphore_mem>>) {add = true}
      %mul3A_217 = arith.constant 2 : i32
      %mul3A_218 = arith.muli %mul3A_217, %add3A_175 : i32
      %add3A_219 = arith.constant 1 : i32
      %add3A_220 = arith.addi %mul3A_218, %add3A_219 : i32
      %dma_wait3A_221 = arith.constant 3 : i32
      %dma_wait3A_222 = arith.constant 0 : i32
      %dma_wait3A_223 = arith.constant 0 : i32
      %dma_wait3A_224 = tpu.memref_slice %arg8[%dma_wait3A_221, %dma_wait3A_222, %dma_wait3A_223] : memref<4x128x48xf32, #tpu.memory_space<vmem>> -> memref<1x128x48xf32, #tpu.memory_space<vmem>>
      %dma_wait3A_225 = tpu.memref_squeeze %dma_wait3A_224 : memref<1x128x48xf32, #tpu.memory_space<vmem>> -> memref<128x48xf32, #tpu.memory_space<vmem>>
      %dma_wait3A_226 = arith.constant 0 : i32
      %dma_wait3A_227 = tpu.memref_slice %arg6[%add3A_220, %dma_wait3A_226] : memref<152x128xi32, #tpu.memory_space<vmem>> -> memref<1x128xi32, #tpu.memory_space<vmem>>
      %dma_wait3A_228 = tpu.memref_squeeze %dma_wait3A_227 : memref<1x128xi32, #tpu.memory_space<vmem>> -> memref<128xi32, #tpu.memory_space<vmem>>
      %dma_wait3A_229 = arith.constant 0 : i32
      %dma_wait3A_230 = arith.constant 0 : i32
      %dma_wait3A_231 = tpu.memref_slice %arg2[%dma_wait3A_229, %dma_wait3A_230] : memref<10000x48xf32, #tpu.memory_space<hbm>> -> memref<10000x48xf32, #tpu.memory_space<hbm>>
      tpu.wait_indirect_dma semaphore(%arg14 : memref<!tpu.dma_semaphore, #tpu.memory_space<semaphore_mem>>) src(%dma_wait3A_231 : memref<10000x48xf32, #tpu.memory_space<hbm>>) dst(%dma_wait3A_225 : memref<128x48xf32, #tpu.memory_space<vmem>>)
      %mul3A_232 = arith.constant 2 : i32
      %mul3A_233 = arith.muli %mul3A_232, %add3A_175 : i32
      %add3A_234 = arith.constant 1 : i32
      %add3A_235 = arith.addi %mul3A_233, %add3A_234 : i32
      %dma_start3A_236 = arith.constant 3 : i32
      %dma_start3A_237 = arith.constant 0 : i32
      %dma_start3A_238 = arith.constant 0 : i32
      %dma_start3A_239 = tpu.memref_slice %arg8[%dma_start3A_236, %dma_start3A_237, %dma_start3A_238] : memref<4x128x48xf32, #tpu.memory_space<vmem>> -> memref<1x128x48xf32, #tpu.memory_space<vmem>>
      %dma_start3A_240 = tpu.memref_squeeze %dma_start3A_239 : memref<1x128x48xf32, #tpu.memory_space<vmem>> -> memref<128x48xf32, #tpu.memory_space<vmem>>
      %dma_start3A_241 = arith.constant 0 : i32
      %dma_start3A_242 = tpu.memref_slice %arg7[%add3A_235, %dma_start3A_241] : memref<152x128xi32, #tpu.memory_space<vmem>> -> memref<1x128xi32, #tpu.memory_space<vmem>>
      %dma_start3A_243 = tpu.memref_squeeze %dma_start3A_242 : memref<1x128xi32, #tpu.memory_space<vmem>> -> memref<128xi32, #tpu.memory_space<vmem>>
      %dma_start3A_244 = arith.constant 0 : i32
      %dma_start3A_245 = arith.constant 0 : i32
      %dma_start3A_246 = tpu.memref_slice %arg10[%dma_start3A_244, %dma_start3A_245] : memref<10240x48xf32, #tpu.memory_space<vmem_shared>> -> memref<10240x48xf32, #tpu.memory_space<vmem_shared>>
      tpu.enqueue_indirect_dma source(%dma_start3A_240 : memref<128x48xf32, #tpu.memory_space<vmem>>) target(%dma_start3A_246 : memref<10240x48xf32, #tpu.memory_space<vmem_shared>>) offsets(%dma_start3A_243 : memref<128xi32, #tpu.memory_space<vmem>>) semaphore(%arg15 : memref<!tpu.dma_semaphore, #tpu.memory_space<semaphore_mem>>) {add = true}
      %while3A_247 = arith.constant 0 : i32
      scf.yield %while3A_247 : i32
    }
    %while3A_89 = arith.constant 1 : i32
    %while3A_90 = scf.for %while3A_97 = %while3A_86 to %while3A_82 step %while3A_89 iter_args(%while3A_98 = %while3A_88) -> (i32)  : i32 {
      %mul3A_99 = arith.constant 2 : i32
      %mul3A_100 = arith.muli %mul3A_99, %while3A_97 : i32
      %add3A_101 = arith.constant 0 : i32
      %add3A_102 = arith.addi %mul3A_100, %add3A_101 : i32
      %gt3A_103 = arith.constant 0 : i32
      %gt3A_104 = arith.cmpi sgt, %add3A_102, %gt3A_103 : i32
      %convert_element_type3A_105 = arith.extui %gt3A_104 : i1 to i32
      %cond3A_106 = arith.constant 0 : i32
      %cond3A_107 = arith.cmpi ne, %convert_element_type3A_105, %cond3A_106 : i32
      scf.if %cond3A_107 {
        %sub3A_248 = arith.constant 1 : i32
        %sub3A_249 = arith.subi %add3A_102, %sub3A_248 : i32
        %mul3A_250 = arith.constant 2 : i32
        %mul3A_251 = arith.muli %mul3A_250, %sub3A_249 : i32
        %add3A_252 = arith.constant 0 : i32
        %add3A_253 = arith.addi %mul3A_251, %add3A_252 : i32
        %dma_wait3A_254 = arith.constant 2 : i32
        %dma_wait3A_255 = arith.constant 0 : i32
        %dma_wait3A_256 = arith.constant 0 : i32
        %dma_wait3A_257 = tpu.memref_slice %arg8[%dma_wait3A_254, %dma_wait3A_255, %dma_wait3A_256] : memref<4x128x48xf32, #tpu.memory_space<vmem>> -> memref<1x128x48xf32, #tpu.memory_space<vmem>>
        %dma_wait3A_258 = tpu.memref_squeeze %dma_wait3A_257 : memref<1x128x48xf32, #tpu.memory_space<vmem>> -> memref<128x48xf32, #tpu.memory_space<vmem>>
        %dma_wait3A_259 = arith.constant 0 : i32
        %dma_wait3A_260 = tpu.memref_slice %arg7[%add3A_253, %dma_wait3A_259] : memref<152x128xi32, #tpu.memory_space<vmem>> -> memref<1x128xi32, #tpu.memory_space<vmem>>
        %dma_wait3A_261 = tpu.memref_squeeze %dma_wait3A_260 : memref<1x128xi32, #tpu.memory_space<vmem>> -> memref<128xi32, #tpu.memory_space<vmem>>
        %dma_wait3A_262 = arith.constant 0 : i32
        %dma_wait3A_263 = arith.constant 0 : i32
        %dma_wait3A_264 = tpu.memref_slice %arg10[%dma_wait3A_262, %dma_wait3A_263] : memref<10240x48xf32, #tpu.memory_space<vmem_shared>> -> memref<10240x48xf32, #tpu.memory_space<vmem_shared>>
        tpu.wait_indirect_dma semaphore(%arg15 : memref<!tpu.dma_semaphore, #tpu.memory_space<semaphore_mem>>) src(%dma_wait3A_258 : memref<128x48xf32, #tpu.memory_space<vmem>>) dst(%dma_wait3A_264 : memref<10240x48xf32, #tpu.memory_space<vmem_shared>>)
        %sub3A_265 = arith.constant 1 : i32
        %sub3A_266 = arith.subi %add3A_102, %sub3A_265 : i32
        %mul3A_267 = arith.constant 2 : i32
        %mul3A_268 = arith.muli %mul3A_267, %sub3A_266 : i32
        %add3A_269 = arith.constant 1 : i32
        %add3A_270 = arith.addi %mul3A_268, %add3A_269 : i32
        %dma_wait3A_271 = arith.constant 3 : i32
        %dma_wait3A_272 = arith.constant 0 : i32
        %dma_wait3A_273 = arith.constant 0 : i32
        %dma_wait3A_274 = tpu.memref_slice %arg8[%dma_wait3A_271, %dma_wait3A_272, %dma_wait3A_273] : memref<4x128x48xf32, #tpu.memory_space<vmem>> -> memref<1x128x48xf32, #tpu.memory_space<vmem>>
        %dma_wait3A_275 = tpu.memref_squeeze %dma_wait3A_274 : memref<1x128x48xf32, #tpu.memory_space<vmem>> -> memref<128x48xf32, #tpu.memory_space<vmem>>
        %dma_wait3A_276 = arith.constant 0 : i32
        %dma_wait3A_277 = tpu.memref_slice %arg7[%add3A_270, %dma_wait3A_276] : memref<152x128xi32, #tpu.memory_space<vmem>> -> memref<1x128xi32, #tpu.memory_space<vmem>>
        %dma_wait3A_278 = tpu.memref_squeeze %dma_wait3A_277 : memref<1x128xi32, #tpu.memory_space<vmem>> -> memref<128xi32, #tpu.memory_space<vmem>>
        %dma_wait3A_279 = arith.constant 0 : i32
        %dma_wait3A_280 = arith.constant 0 : i32
        %dma_wait3A_281 = tpu.memref_slice %arg10[%dma_wait3A_279, %dma_wait3A_280] : memref<10240x48xf32, #tpu.memory_space<vmem_shared>> -> memref<10240x48xf32, #tpu.memory_space<vmem_shared>>
        tpu.wait_indirect_dma semaphore(%arg15 : memref<!tpu.dma_semaphore, #tpu.memory_space<semaphore_mem>>) src(%dma_wait3A_275 : memref<128x48xf32, #tpu.memory_space<vmem>>) dst(%dma_wait3A_281 : memref<10240x48xf32, #tpu.memory_space<vmem_shared>>)
      } else {
      }
      %add3A_108 = arith.constant 1 : i32
      %add3A_109 = arith.addi %add3A_102, %add3A_108 : i32
      %lt3A_110 = arith.cmpi slt, %add3A_109, %select_n3A_53 : i32
      %convert_element_type3A_111 = arith.extui %lt3A_110 : i1 to i32
      %cond3A_112 = arith.constant 0 : i32
      %cond3A_113 = arith.cmpi ne, %convert_element_type3A_111, %cond3A_112 : i32
      scf.if %cond3A_113 {
        %add3A_248 = arith.constant 1 : i32
        %add3A_249 = arith.addi %add3A_102, %add3A_248 : i32
        %mul3A_250 = arith.constant 2 : i32
        %mul3A_251 = arith.muli %mul3A_250, %add3A_249 : i32
        %add3A_252 = arith.constant 0 : i32
        %add3A_253 = arith.addi %mul3A_251, %add3A_252 : i32
        %dma_start3A_254 = arith.constant 2 : i32
        %dma_start3A_255 = arith.constant 0 : i32
        %dma_start3A_256 = arith.constant 0 : i32
        %dma_start3A_257 = tpu.memref_slice %arg8[%dma_start3A_254, %dma_start3A_255, %dma_start3A_256] : memref<4x128x48xf32, #tpu.memory_space<vmem>> -> memref<1x128x48xf32, #tpu.memory_space<vmem>>
        %dma_start3A_258 = tpu.memref_squeeze %dma_start3A_257 : memref<1x128x48xf32, #tpu.memory_space<vmem>> -> memref<128x48xf32, #tpu.memory_space<vmem>>
        %dma_start3A_259 = arith.constant 0 : i32
        %dma_start3A_260 = tpu.memref_slice %arg6[%add3A_253, %dma_start3A_259] : memref<152x128xi32, #tpu.memory_space<vmem>> -> memref<1x128xi32, #tpu.memory_space<vmem>>
        %dma_start3A_261 = tpu.memref_squeeze %dma_start3A_260 : memref<1x128xi32, #tpu.memory_space<vmem>> -> memref<128xi32, #tpu.memory_space<vmem>>
        %dma_start3A_262 = arith.constant 0 : i32
        %dma_start3A_263 = arith.constant 0 : i32
        %dma_start3A_264 = tpu.memref_slice %arg2[%dma_start3A_262, %dma_start3A_263] : memref<10000x48xf32, #tpu.memory_space<hbm>> -> memref<10000x48xf32, #tpu.memory_space<hbm>>
        tpu.enqueue_indirect_dma source(%dma_start3A_264 : memref<10000x48xf32, #tpu.memory_space<hbm>>) target(%dma_start3A_258 : memref<128x48xf32, #tpu.memory_space<vmem>>) offsets(%dma_start3A_261 : memref<128xi32, #tpu.memory_space<vmem>>) semaphore(%arg13 : memref<!tpu.dma_semaphore, #tpu.memory_space<semaphore_mem>>)
        %add3A_265 = arith.constant 1 : i32
        %add3A_266 = arith.addi %add3A_102, %add3A_265 : i32
        %mul3A_267 = arith.constant 2 : i32
        %mul3A_268 = arith.muli %mul3A_267, %add3A_266 : i32
        %add3A_269 = arith.constant 1 : i32
        %add3A_270 = arith.addi %mul3A_268, %add3A_269 : i32
        %dma_start3A_271 = arith.constant 3 : i32
        %dma_start3A_272 = arith.constant 0 : i32
        %dma_start3A_273 = arith.constant 0 : i32
        %dma_start3A_274 = tpu.memref_slice %arg8[%dma_start3A_271, %dma_start3A_272, %dma_start3A_273] : memref<4x128x48xf32, #tpu.memory_space<vmem>> -> memref<1x128x48xf32, #tpu.memory_space<vmem>>
        %dma_start3A_275 = tpu.memref_squeeze %dma_start3A_274 : memref<1x128x48xf32, #tpu.memory_space<vmem>> -> memref<128x48xf32, #tpu.memory_space<vmem>>
        %dma_start3A_276 = arith.constant 0 : i32
        %dma_start3A_277 = tpu.memref_slice %arg6[%add3A_270, %dma_start3A_276] : memref<152x128xi32, #tpu.memory_space<vmem>> -> memref<1x128xi32, #tpu.memory_space<vmem>>
        %dma_start3A_278 = tpu.memref_squeeze %dma_start3A_277 : memref<1x128xi32, #tpu.memory_space<vmem>> -> memref<128xi32, #tpu.memory_space<vmem>>
        %dma_start3A_279 = arith.constant 0 : i32
        %dma_start3A_280 = arith.constant 0 : i32
        %dma_start3A_281 = tpu.memref_slice %arg2[%dma_start3A_279, %dma_start3A_280] : memref<10000x48xf32, #tpu.memory_space<hbm>> -> memref<10000x48xf32, #tpu.memory_space<hbm>>
        tpu.enqueue_indirect_dma source(%dma_start3A_281 : memref<10000x48xf32, #tpu.memory_space<hbm>>) target(%dma_start3A_275 : memref<128x48xf32, #tpu.memory_space<vmem>>) offsets(%dma_start3A_278 : memref<128xi32, #tpu.memory_space<vmem>>) semaphore(%arg14 : memref<!tpu.dma_semaphore, #tpu.memory_space<semaphore_mem>>)
      } else {
      }
      %mul3A_114 = arith.constant 2 : i32
      %mul3A_115 = arith.muli %mul3A_114, %add3A_102 : i32
      %add3A_116 = arith.constant 0 : i32
      %add3A_117 = arith.addi %mul3A_115, %add3A_116 : i32
      %dma_wait3A = arith.constant 0 : i32
      %dma_wait3A_118 = arith.constant 0 : i32
      %dma_wait3A_119 = arith.constant 0 : i32
      %dma_wait3A_120 = tpu.memref_slice %arg8[%dma_wait3A, %dma_wait3A_118, %dma_wait3A_119] : memref<4x128x48xf32, #tpu.memory_space<vmem>> -> memref<1x128x48xf32, #tpu.memory_space<vmem>>
      %dma_wait3A_121 = tpu.memref_squeeze %dma_wait3A_120 : memref<1x128x48xf32, #tpu.memory_space<vmem>> -> memref<128x48xf32, #tpu.memory_space<vmem>>
      %dma_wait3A_122 = arith.constant 0 : i32
      %dma_wait3A_123 = tpu.memref_slice %arg6[%add3A_117, %dma_wait3A_122] : memref<152x128xi32, #tpu.memory_space<vmem>> -> memref<1x128xi32, #tpu.memory_space<vmem>>
      %dma_wait3A_124 = tpu.memref_squeeze %dma_wait3A_123 : memref<1x128xi32, #tpu.memory_space<vmem>> -> memref<128xi32, #tpu.memory_space<vmem>>
      %dma_wait3A_125 = arith.constant 0 : i32
      %dma_wait3A_126 = arith.constant 0 : i32
      %dma_wait3A_127 = tpu.memref_slice %arg2[%dma_wait3A_125, %dma_wait3A_126] : memref<10000x48xf32, #tpu.memory_space<hbm>> -> memref<10000x48xf32, #tpu.memory_space<hbm>>
      tpu.wait_indirect_dma semaphore(%arg11 : memref<!tpu.dma_semaphore, #tpu.memory_space<semaphore_mem>>) src(%dma_wait3A_127 : memref<10000x48xf32, #tpu.memory_space<hbm>>) dst(%dma_wait3A_121 : memref<128x48xf32, #tpu.memory_space<vmem>>)
      %mul3A_128 = arith.constant 2 : i32
      %mul3A_129 = arith.muli %mul3A_128, %add3A_102 : i32
      %add3A_130 = arith.constant 0 : i32
      %add3A_131 = arith.addi %mul3A_129, %add3A_130 : i32
      %dma_start3A = arith.constant 0 : i32
      %dma_start3A_132 = arith.constant 0 : i32
      %dma_start3A_133 = arith.constant 0 : i32
      %dma_start3A_134 = tpu.memref_slice %arg8[%dma_start3A, %dma_start3A_132, %dma_start3A_133] : memref<4x128x48xf32, #tpu.memory_space<vmem>> -> memref<1x128x48xf32, #tpu.memory_space<vmem>>
      %dma_start3A_135 = tpu.memref_squeeze %dma_start3A_134 : memref<1x128x48xf32, #tpu.memory_space<vmem>> -> memref<128x48xf32, #tpu.memory_space<vmem>>
      %dma_start3A_136 = arith.constant 0 : i32
      %dma_start3A_137 = tpu.memref_slice %arg7[%add3A_131, %dma_start3A_136] : memref<152x128xi32, #tpu.memory_space<vmem>> -> memref<1x128xi32, #tpu.memory_space<vmem>>
      %dma_start3A_138 = tpu.memref_squeeze %dma_start3A_137 : memref<1x128xi32, #tpu.memory_space<vmem>> -> memref<128xi32, #tpu.memory_space<vmem>>
      %dma_start3A_139 = arith.constant 0 : i32
      %dma_start3A_140 = arith.constant 0 : i32
      %dma_start3A_141 = tpu.memref_slice %arg10[%dma_start3A_139, %dma_start3A_140] : memref<10240x48xf32, #tpu.memory_space<vmem_shared>> -> memref<10240x48xf32, #tpu.memory_space<vmem_shared>>
      tpu.enqueue_indirect_dma source(%dma_start3A_135 : memref<128x48xf32, #tpu.memory_space<vmem>>) target(%dma_start3A_141 : memref<10240x48xf32, #tpu.memory_space<vmem_shared>>) offsets(%dma_start3A_138 : memref<128xi32, #tpu.memory_space<vmem>>) semaphore(%arg15 : memref<!tpu.dma_semaphore, #tpu.memory_space<semaphore_mem>>) {add = true}
      %mul3A_142 = arith.constant 2 : i32
      %mul3A_143 = arith.muli %mul3A_142, %add3A_102 : i32
      %add3A_144 = arith.constant 1 : i32
      %add3A_145 = arith.addi %mul3A_143, %add3A_144 : i32
      %dma_wait3A_146 = arith.constant 1 : i32
      %dma_wait3A_147 = arith.constant 0 : i32
      %dma_wait3A_148 = arith.constant 0 : i32
      %dma_wait3A_149 = tpu.memref_slice %arg8[%dma_wait3A_146, %dma_wait3A_147, %dma_wait3A_148] : memref<4x128x48xf32, #tpu.memory_space<vmem>> -> memref<1x128x48xf32, #tpu.memory_space<vmem>>
      %dma_wait3A_150 = tpu.memref_squeeze %dma_wait3A_149 : memref<1x128x48xf32, #tpu.memory_space<vmem>> -> memref<128x48xf32, #tpu.memory_space<vmem>>
      %dma_wait3A_151 = arith.constant 0 : i32
      %dma_wait3A_152 = tpu.memref_slice %arg6[%add3A_145, %dma_wait3A_151] : memref<152x128xi32, #tpu.memory_space<vmem>> -> memref<1x128xi32, #tpu.memory_space<vmem>>
      %dma_wait3A_153 = tpu.memref_squeeze %dma_wait3A_152 : memref<1x128xi32, #tpu.memory_space<vmem>> -> memref<128xi32, #tpu.memory_space<vmem>>
      %dma_wait3A_154 = arith.constant 0 : i32
      %dma_wait3A_155 = arith.constant 0 : i32
      %dma_wait3A_156 = tpu.memref_slice %arg2[%dma_wait3A_154, %dma_wait3A_155] : memref<10000x48xf32, #tpu.memory_space<hbm>> -> memref<10000x48xf32, #tpu.memory_space<hbm>>
      tpu.wait_indirect_dma semaphore(%arg12 : memref<!tpu.dma_semaphore, #tpu.memory_space<semaphore_mem>>) src(%dma_wait3A_156 : memref<10000x48xf32, #tpu.memory_space<hbm>>) dst(%dma_wait3A_150 : memref<128x48xf32, #tpu.memory_space<vmem>>)
      %mul3A_157 = arith.constant 2 : i32
      %mul3A_158 = arith.muli %mul3A_157, %add3A_102 : i32
      %add3A_159 = arith.constant 1 : i32
      %add3A_160 = arith.addi %mul3A_158, %add3A_159 : i32
      %dma_start3A_161 = arith.constant 1 : i32
      %dma_start3A_162 = arith.constant 0 : i32
      %dma_start3A_163 = arith.constant 0 : i32
      %dma_start3A_164 = tpu.memref_slice %arg8[%dma_start3A_161, %dma_start3A_162, %dma_start3A_163] : memref<4x128x48xf32, #tpu.memory_space<vmem>> -> memref<1x128x48xf32, #tpu.memory_space<vmem>>
      %dma_start3A_165 = tpu.memref_squeeze %dma_start3A_164 : memref<1x128x48xf32, #tpu.memory_space<vmem>> -> memref<128x48xf32, #tpu.memory_space<vmem>>
      %dma_start3A_166 = arith.constant 0 : i32
      %dma_start3A_167 = tpu.memref_slice %arg7[%add3A_160, %dma_start3A_166] : memref<152x128xi32, #tpu.memory_space<vmem>> -> memref<1x128xi32, #tpu.memory_space<vmem>>
      %dma_start3A_168 = tpu.memref_squeeze %dma_start3A_167 : memref<1x128xi32, #tpu.memory_space<vmem>> -> memref<128xi32, #tpu.memory_space<vmem>>
      %dma_start3A_169 = arith.constant 0 : i32
      %dma_start3A_170 = arith.constant 0 : i32
      %dma_start3A_171 = tpu.memref_slice %arg10[%dma_start3A_169, %dma_start3A_170] : memref<10240x48xf32, #tpu.memory_space<vmem_shared>> -> memref<10240x48xf32, #tpu.memory_space<vmem_shared>>
      tpu.enqueue_indirect_dma source(%dma_start3A_165 : memref<128x48xf32, #tpu.memory_space<vmem>>) target(%dma_start3A_171 : memref<10240x48xf32, #tpu.memory_space<vmem_shared>>) offsets(%dma_start3A_168 : memref<128xi32, #tpu.memory_space<vmem>>) semaphore(%arg15 : memref<!tpu.dma_semaphore, #tpu.memory_space<semaphore_mem>>) {add = true}
      %mul3A_172 = arith.constant 2 : i32
      %mul3A_173 = arith.muli %mul3A_172, %while3A_97 : i32
      %add3A_174 = arith.constant 1 : i32
      %add3A_175 = arith.addi %mul3A_173, %add3A_174 : i32
      %gt3A_176 = arith.constant 0 : i32
      %gt3A_177 = arith.cmpi sgt, %add3A_175, %gt3A_176 : i32
      %convert_element_type3A_178 = arith.extui %gt3A_177 : i1 to i32
      %cond3A_179 = arith.constant 0 : i32
      %cond3A_180 = arith.cmpi ne, %convert_element_type3A_178, %cond3A_179 : i32
      scf.if %cond3A_180 {
        %sub3A_248 = arith.constant 1 : i32
        %sub3A_249 = arith.subi %add3A_175, %sub3A_248 : i32
        %mul3A_250 = arith.constant 2 : i32
        %mul3A_251 = arith.muli %mul3A_250, %sub3A_249 : i32
        %add3A_252 = arith.constant 0 : i32
        %add3A_253 = arith.addi %mul3A_251, %add3A_252 : i32
        %dma_wait3A_254 = arith.constant 0 : i32
        %dma_wait3A_255 = arith.constant 0 : i32
        %dma_wait3A_256 = arith.constant 0 : i32
        %dma_wait3A_257 = tpu.memref_slice %arg8[%dma_wait3A_254, %dma_wait3A_255, %dma_wait3A_256] : memref<4x128x48xf32, #tpu.memory_space<vmem>> -> memref<1x128x48xf32, #tpu.memory_space<vmem>>
        %dma_wait3A_258 = tpu.memref_squeeze %dma_wait3A_257 : memref<1x128x48xf32, #tpu.memory_space<vmem>> -> memref<128x48xf32, #tpu.memory_space<vmem>>
        %dma_wait3A_259 = arith.constant 0 : i32
        %dma_wait3A_260 = tpu.memref_slice %arg7[%add3A_253, %dma_wait3A_259] : memref<152x128xi32, #tpu.memory_space<vmem>> -> memref<1x128xi32, #tpu.memory_space<vmem>>
        %dma_wait3A_261 = tpu.memref_squeeze %dma_wait3A_260 : memref<1x128xi32, #tpu.memory_space<vmem>> -> memref<128xi32, #tpu.memory_space<vmem>>
        %dma_wait3A_262 = arith.constant 0 : i32
        %dma_wait3A_263 = arith.constant 0 : i32
        %dma_wait3A_264 = tpu.memref_slice %arg10[%dma_wait3A_262, %dma_wait3A_263] : memref<10240x48xf32, #tpu.memory_space<vmem_shared>> -> memref<10240x48xf32, #tpu.memory_space<vmem_shared>>
        tpu.wait_indirect_dma semaphore(%arg15 : memref<!tpu.dma_semaphore, #tpu.memory_space<semaphore_mem>>) src(%dma_wait3A_258 : memref<128x48xf32, #tpu.memory_space<vmem>>) dst(%dma_wait3A_264 : memref<10240x48xf32, #tpu.memory_space<vmem_shared>>)
        %sub3A_265 = arith.constant 1 : i32
        %sub3A_266 = arith.subi %add3A_175, %sub3A_265 : i32
        %mul3A_267 = arith.constant 2 : i32
        %mul3A_268 = arith.muli %mul3A_267, %sub3A_266 : i32
        %add3A_269 = arith.constant 1 : i32
        %add3A_270 = arith.addi %mul3A_268, %add3A_269 : i32
        %dma_wait3A_271 = arith.constant 1 : i32
        %dma_wait3A_272 = arith.constant 0 : i32
        %dma_wait3A_273 = arith.constant 0 : i32
        %dma_wait3A_274 = tpu.memref_slice %arg8[%dma_wait3A_271, %dma_wait3A_272, %dma_wait3A_273] : memref<4x128x48xf32, #tpu.memory_space<vmem>> -> memref<1x128x48xf32, #tpu.memory_space<vmem>>
        %dma_wait3A_275 = tpu.memref_squeeze %dma_wait3A_274 : memref<1x128x48xf32, #tpu.memory_space<vmem>> -> memref<128x48xf32, #tpu.memory_space<vmem>>
        %dma_wait3A_276 = arith.constant 0 : i32
        %dma_wait3A_277 = tpu.memref_slice %arg7[%add3A_270, %dma_wait3A_276] : memref<152x128xi32, #tpu.memory_space<vmem>> -> memref<1x128xi32, #tpu.memory_space<vmem>>
        %dma_wait3A_278 = tpu.memref_squeeze %dma_wait3A_277 : memref<1x128xi32, #tpu.memory_space<vmem>> -> memref<128xi32, #tpu.memory_space<vmem>>
        %dma_wait3A_279 = arith.constant 0 : i32
        %dma_wait3A_280 = arith.constant 0 : i32
        %dma_wait3A_281 = tpu.memref_slice %arg10[%dma_wait3A_279, %dma_wait3A_280] : memref<10240x48xf32, #tpu.memory_space<vmem_shared>> -> memref<10240x48xf32, #tpu.memory_space<vmem_shared>>
        tpu.wait_indirect_dma semaphore(%arg15 : memref<!tpu.dma_semaphore, #tpu.memory_space<semaphore_mem>>) src(%dma_wait3A_275 : memref<128x48xf32, #tpu.memory_space<vmem>>) dst(%dma_wait3A_281 : memref<10240x48xf32, #tpu.memory_space<vmem_shared>>)
      } else {
      }
      %add3A_181 = arith.constant 1 : i32
      %add3A_182 = arith.addi %add3A_175, %add3A_181 : i32
      %lt3A_183 = arith.cmpi slt, %add3A_182, %select_n3A_53 : i32
      %convert_element_type3A_184 = arith.extui %lt3A_183 : i1 to i32
      %cond3A_185 = arith.constant 0 : i32
      %cond3A_186 = arith.cmpi ne, %convert_element_type3A_184, %cond3A_185 : i32
      scf.if %cond3A_186 {
        %add3A_248 = arith.constant 1 : i32
        %add3A_249 = arith.addi %add3A_175, %add3A_248 : i32
        %mul3A_250 = arith.constant 2 : i32
        %mul3A_251 = arith.muli %mul3A_250, %add3A_249 : i32
        %add3A_252 = arith.constant 0 : i32
        %add3A_253 = arith.addi %mul3A_251, %add3A_252 : i32
        %dma_start3A_254 = arith.constant 0 : i32
        %dma_start3A_255 = arith.constant 0 : i32
        %dma_start3A_256 = arith.constant 0 : i32
        %dma_start3A_257 = tpu.memref_slice %arg8[%dma_start3A_254, %dma_start3A_255, %dma_start3A_256] : memref<4x128x48xf32, #tpu.memory_space<vmem>> -> memref<1x128x48xf32, #tpu.memory_space<vmem>>
        %dma_start3A_258 = tpu.memref_squeeze %dma_start3A_257 : memref<1x128x48xf32, #tpu.memory_space<vmem>> -> memref<128x48xf32, #tpu.memory_space<vmem>>
        %dma_start3A_259 = arith.constant 0 : i32
        %dma_start3A_260 = tpu.memref_slice %arg6[%add3A_253, %dma_start3A_259] : memref<152x128xi32, #tpu.memory_space<vmem>> -> memref<1x128xi32, #tpu.memory_space<vmem>>
        %dma_start3A_261 = tpu.memref_squeeze %dma_start3A_260 : memref<1x128xi32, #tpu.memory_space<vmem>> -> memref<128xi32, #tpu.memory_space<vmem>>
        %dma_start3A_262 = arith.constant 0 : i32
        %dma_start3A_263 = arith.constant 0 : i32
        %dma_start3A_264 = tpu.memref_slice %arg2[%dma_start3A_262, %dma_start3A_263] : memref<10000x48xf32, #tpu.memory_space<hbm>> -> memref<10000x48xf32, #tpu.memory_space<hbm>>
        tpu.enqueue_indirect_dma source(%dma_start3A_264 : memref<10000x48xf32, #tpu.memory_space<hbm>>) target(%dma_start3A_258 : memref<128x48xf32, #tpu.memory_space<vmem>>) offsets(%dma_start3A_261 : memref<128xi32, #tpu.memory_space<vmem>>) semaphore(%arg11 : memref<!tpu.dma_semaphore, #tpu.memory_space<semaphore_mem>>)
        %add3A_265 = arith.constant 1 : i32
        %add3A_266 = arith.addi %add3A_175, %add3A_265 : i32
        %mul3A_267 = arith.constant 2 : i32
        %mul3A_268 = arith.muli %mul3A_267, %add3A_266 : i32
        %add3A_269 = arith.constant 1 : i32
        %add3A_270 = arith.addi %mul3A_268, %add3A_269 : i32
        %dma_start3A_271 = arith.constant 1 : i32
        %dma_start3A_272 = arith.constant 0 : i32
        %dma_start3A_273 = arith.constant 0 : i32
        %dma_start3A_274 = tpu.memref_slice %arg8[%dma_start3A_271, %dma_start3A_272, %dma_start3A_273] : memref<4x128x48xf32, #tpu.memory_space<vmem>> -> memref<1x128x48xf32, #tpu.memory_space<vmem>>
        %dma_start3A_275 = tpu.memref_squeeze %dma_start3A_274 : memref<1x128x48xf32, #tpu.memory_space<vmem>> -> memref<128x48xf32, #tpu.memory_space<vmem>>
        %dma_start3A_276 = arith.constant 0 : i32
        %dma_start3A_277 = tpu.memref_slice %arg6[%add3A_270, %dma_start3A_276] : memref<152x128xi32, #tpu.memory_space<vmem>> -> memref<1x128xi32, #tpu.memory_space<vmem>>
        %dma_start3A_278 = tpu.memref_squeeze %dma_start3A_277 : memref<1x128xi32, #tpu.memory_space<vmem>> -> memref<128xi32, #tpu.memory_space<vmem>>
        %dma_start3A_279 = arith.constant 0 : i32
        %dma_start3A_280 = arith.constant 0 : i32
        %dma_start3A_281 = tpu.memref_slice %arg2[%dma_start3A_279, %dma_start3A_280] : memref<10000x48xf32, #tpu.memory_space<hbm>> -> memref<10000x48xf32, #tpu.memory_space<hbm>>
        tpu.enqueue_indirect_dma source(%dma_start3A_281 : memref<10000x48xf32, #tpu.memory_space<hbm>>) target(%dma_start3A_275 : memref<128x48xf32, #tpu.memory_space<vmem>>) offsets(%dma_start3A_278 : memref<128xi32, #tpu.memory_space<vmem>>) semaphore(%arg12 : memref<!tpu.dma_semaphore, #tpu.memory_space<semaphore_mem>>)
      } else {
      }
      %mul3A_187 = arith.constant 2 : i32
      %mul3A_188 = arith.muli %mul3A_187, %add3A_175 : i32
      %add3A_189 = arith.constant 0 : i32
      %add3A_190 = arith.addi %mul3A_188, %add3A_189 : i32
      %dma_wait3A_191 = arith.constant 2 : i32
      %dma_wait3A_192 = arith.constant 0 : i32
      %dma_wait3A_193 = arith.constant 0 : i32
      %dma_wait3A_194 = tpu.memref_slice %arg8[%dma_wait3A_191, %dma_wait3A_192, %dma_wait3A_193] : memref<4x128x48xf32, #tpu.memory_space<vmem>> -> memref<1x128x48xf32, #tpu.memory_space<vmem>>
      %dma_wait3A_195 = tpu.memref_squeeze %dma_wait3A_194 : memref<1x128x48xf32, #tpu.memory_space<vmem>> -> memref<128x48xf32, #tpu.memory_space<vmem>>
      %dma_wait3A_196 = arith.constant 0 : i32
      %dma_wait3A_197 = tpu.memref_slice %arg6[%add3A_190, %dma_wait3A_196] : memref<152x128xi32, #tpu.memory_space<vmem>> -> memref<1x128xi32, #tpu.memory_space<vmem>>
      %dma_wait3A_198 = tpu.memref_squeeze %dma_wait3A_197 : memref<1x128xi32, #tpu.memory_space<vmem>> -> memref<128xi32, #tpu.memory_space<vmem>>
      %dma_wait3A_199 = arith.constant 0 : i32
      %dma_wait3A_200 = arith.constant 0 : i32
      %dma_wait3A_201 = tpu.memref_slice %arg2[%dma_wait3A_199, %dma_wait3A_200] : memref<10000x48xf32, #tpu.memory_space<hbm>> -> memref<10000x48xf32, #tpu.memory_space<hbm>>
      tpu.wait_indirect_dma semaphore(%arg13 : memref<!tpu.dma_semaphore, #tpu.memory_space<semaphore_mem>>) src(%dma_wait3A_201 : memref<10000x48xf32, #tpu.memory_space<hbm>>) dst(%dma_wait3A_195 : memref<128x48xf32, #tpu.memory_space<vmem>>)
      %mul3A_202 = arith.constant 2 : i32
      %mul3A_203 = arith.muli %mul3A_202, %add3A_175 : i32
      %add3A_204 = arith.constant 0 : i32
      %add3A_205 = arith.addi %mul3A_203, %add3A_204 : i32
      %dma_start3A_206 = arith.constant 2 : i32
      %dma_start3A_207 = arith.constant 0 : i32
      %dma_start3A_208 = arith.constant 0 : i32
      %dma_start3A_209 = tpu.memref_slice %arg8[%dma_start3A_206, %dma_start3A_207, %dma_start3A_208] : memref<4x128x48xf32, #tpu.memory_space<vmem>> -> memref<1x128x48xf32, #tpu.memory_space<vmem>>
      %dma_start3A_210 = tpu.memref_squeeze %dma_start3A_209 : memref<1x128x48xf32, #tpu.memory_space<vmem>> -> memref<128x48xf32, #tpu.memory_space<vmem>>
      %dma_start3A_211 = arith.constant 0 : i32
      %dma_start3A_212 = tpu.memref_slice %arg7[%add3A_205, %dma_start3A_211] : memref<152x128xi32, #tpu.memory_space<vmem>> -> memref<1x128xi32, #tpu.memory_space<vmem>>
      %dma_start3A_213 = tpu.memref_squeeze %dma_start3A_212 : memref<1x128xi32, #tpu.memory_space<vmem>> -> memref<128xi32, #tpu.memory_space<vmem>>
      %dma_start3A_214 = arith.constant 0 : i32
      %dma_start3A_215 = arith.constant 0 : i32
      %dma_start3A_216 = tpu.memref_slice %arg10[%dma_start3A_214, %dma_start3A_215] : memref<10240x48xf32, #tpu.memory_space<vmem_shared>> -> memref<10240x48xf32, #tpu.memory_space<vmem_shared>>
      tpu.enqueue_indirect_dma source(%dma_start3A_210 : memref<128x48xf32, #tpu.memory_space<vmem>>) target(%dma_start3A_216 : memref<10240x48xf32, #tpu.memory_space<vmem_shared>>) offsets(%dma_start3A_213 : memref<128xi32, #tpu.memory_space<vmem>>) semaphore(%arg15 : memref<!tpu.dma_semaphore, #tpu.memory_space<semaphore_mem>>) {add = true}
      %mul3A_217 = arith.constant 2 : i32
      %mul3A_218 = arith.muli %mul3A_217, %add3A_175 : i32
      %add3A_219 = arith.constant 1 : i32
      %add3A_220 = arith.addi %mul3A_218, %add3A_219 : i32
      %dma_wait3A_221 = arith.constant 3 : i32
      %dma_wait3A_222 = arith.constant 0 : i32
      %dma_wait3A_223 = arith.constant 0 : i32
      %dma_wait3A_224 = tpu.memref_slice %arg8[%dma_wait3A_221, %dma_wait3A_222, %dma_wait3A_223] : memref<4x128x48xf32, #tpu.memory_space<vmem>> -> memref<1x128x48xf32, #tpu.memory_space<vmem>>
      %dma_wait3A_225 = tpu.memref_squeeze %dma_wait3A_224 : memref<1x128x48xf32, #tpu.memory_space<vmem>> -> memref<128x48xf32, #tpu.memory_space<vmem>>
      %dma_wait3A_226 = arith.constant 0 : i32
      %dma_wait3A_227 = tpu.memref_slice %arg6[%add3A_220, %dma_wait3A_226] : memref<152x128xi32, #tpu.memory_space<vmem>> -> memref<1x128xi32, #tpu.memory_space<vmem>>
      %dma_wait3A_228 = tpu.memref_squeeze %dma_wait3A_227 : memref<1x128xi32, #tpu.memory_space<vmem>> -> memref<128xi32, #tpu.memory_space<vmem>>
      %dma_wait3A_229 = arith.constant 0 : i32
      %dma_wait3A_230 = arith.constant 0 : i32
      %dma_wait3A_231 = tpu.memref_slice %arg2[%dma_wait3A_229, %dma_wait3A_230] : memref<10000x48xf32, #tpu.memory_space<hbm>> -> memref<10000x48xf32, #tpu.memory_space<hbm>>
      tpu.wait_indirect_dma semaphore(%arg14 : memref<!tpu.dma_semaphore, #tpu.memory_space<semaphore_mem>>) src(%dma_wait3A_231 : memref<10000x48xf32, #tpu.memory_space<hbm>>) dst(%dma_wait3A_225 : memref<128x48xf32, #tpu.memory_space<vmem>>)
      %mul3A_232 = arith.constant 2 : i32
      %mul3A_233 = arith.muli %mul3A_232, %add3A_175 : i32
      %add3A_234 = arith.constant 1 : i32
      %add3A_235 = arith.addi %mul3A_233, %add3A_234 : i32
      %dma_start3A_236 = arith.constant 3 : i32
      %dma_start3A_237 = arith.constant 0 : i32
      %dma_start3A_238 = arith.constant 0 : i32
      %dma_start3A_239 = tpu.memref_slice %arg8[%dma_start3A_236, %dma_start3A_237, %dma_start3A_238] : memref<4x128x48xf32, #tpu.memory_space<vmem>> -> memref<1x128x48xf32, #tpu.memory_space<vmem>>
      %dma_start3A_240 = tpu.memref_squeeze %dma_start3A_239 : memref<1x128x48xf32, #tpu.memory_space<vmem>> -> memref<128x48xf32, #tpu.memory_space<vmem>>
      %dma_start3A_241 = arith.constant 0 : i32
      %dma_start3A_242 = tpu.memref_slice %arg7[%add3A_235, %dma_start3A_241] : memref<152x128xi32, #tpu.memory_space<vmem>> -> memref<1x128xi32, #tpu.memory_space<vmem>>
      %dma_start3A_243 = tpu.memref_squeeze %dma_start3A_242 : memref<1x128xi32, #tpu.memory_space<vmem>> -> memref<128xi32, #tpu.memory_space<vmem>>
      %dma_start3A_244 = arith.constant 0 : i32
      %dma_start3A_245 = arith.constant 0 : i32
      %dma_start3A_246 = tpu.memref_slice %arg10[%dma_start3A_244, %dma_start3A_245] : memref<10240x48xf32, #tpu.memory_space<vmem_shared>> -> memref<10240x48xf32, #tpu.memory_space<vmem_shared>>
      tpu.enqueue_indirect_dma source(%dma_start3A_240 : memref<128x48xf32, #tpu.memory_space<vmem>>) target(%dma_start3A_246 : memref<10240x48xf32, #tpu.memory_space<vmem_shared>>) offsets(%dma_start3A_243 : memref<128xi32, #tpu.memory_space<vmem>>) semaphore(%arg15 : memref<!tpu.dma_semaphore, #tpu.memory_space<semaphore_mem>>) {add = true}
      %while3A_247 = arith.constant 0 : i32
      scf.yield %while3A_247 : i32
    }
    %gt3A_91 = arith.constant 0 : i32
    %gt3A_92 = arith.cmpi sgt, %select_n3A_31, %gt3A_91 : i32
    %convert_element_type3A_93 = arith.extui %gt3A_92 : i1 to i32
    %cond3A_94 = arith.constant 0 : i32
    %cond3A_95 = arith.cmpi ne, %convert_element_type3A_93, %cond3A_94 : i32
    scf.if %cond3A_95 {
      %sub3A_97 = arith.constant 1 : i32
      %sub3A_98 = arith.subi %select_n3A_53, %sub3A_97 : i32
      %mul3A_99 = arith.constant 2 : i32
      %mul3A_100 = arith.muli %mul3A_99, %sub3A_98 : i32
      %add3A_101 = arith.constant 0 : i32
      %add3A_102 = arith.addi %mul3A_100, %add3A_101 : i32
      %dma_wait3A = arith.constant 2 : i32
      %dma_wait3A_103 = arith.constant 0 : i32
      %dma_wait3A_104 = arith.constant 0 : i32
      %dma_wait3A_105 = tpu.memref_slice %arg8[%dma_wait3A, %dma_wait3A_103, %dma_wait3A_104] : memref<4x128x48xf32, #tpu.memory_space<vmem>> -> memref<1x128x48xf32, #tpu.memory_space<vmem>>
      %dma_wait3A_106 = tpu.memref_squeeze %dma_wait3A_105 : memref<1x128x48xf32, #tpu.memory_space<vmem>> -> memref<128x48xf32, #tpu.memory_space<vmem>>
      %dma_wait3A_107 = arith.constant 0 : i32
      %dma_wait3A_108 = tpu.memref_slice %arg7[%add3A_102, %dma_wait3A_107] : memref<152x128xi32, #tpu.memory_space<vmem>> -> memref<1x128xi32, #tpu.memory_space<vmem>>
      %dma_wait3A_109 = tpu.memref_squeeze %dma_wait3A_108 : memref<1x128xi32, #tpu.memory_space<vmem>> -> memref<128xi32, #tpu.memory_space<vmem>>
      %dma_wait3A_110 = arith.constant 0 : i32
      %dma_wait3A_111 = arith.constant 0 : i32
      %dma_wait3A_112 = tpu.memref_slice %arg10[%dma_wait3A_110, %dma_wait3A_111] : memref<10240x48xf32, #tpu.memory_space<vmem_shared>> -> memref<10240x48xf32, #tpu.memory_space<vmem_shared>>
      tpu.wait_indirect_dma semaphore(%arg15 : memref<!tpu.dma_semaphore, #tpu.memory_space<semaphore_mem>>) src(%dma_wait3A_106 : memref<128x48xf32, #tpu.memory_space<vmem>>) dst(%dma_wait3A_112 : memref<10240x48xf32, #tpu.memory_space<vmem_shared>>)
      %sub3A_113 = arith.constant 1 : i32
      %sub3A_114 = arith.subi %select_n3A_53, %sub3A_113 : i32
      %mul3A_115 = arith.constant 2 : i32
      %mul3A_116 = arith.muli %mul3A_115, %sub3A_114 : i32
      %add3A_117 = arith.constant 1 : i32
      %add3A_118 = arith.addi %mul3A_116, %add3A_117 : i32
      %dma_wait3A_119 = arith.constant 3 : i32
      %dma_wait3A_120 = arith.constant 0 : i32
      %dma_wait3A_121 = arith.constant 0 : i32
      %dma_wait3A_122 = tpu.memref_slice %arg8[%dma_wait3A_119, %dma_wait3A_120, %dma_wait3A_121] : memref<4x128x48xf32, #tpu.memory_space<vmem>> -> memref<1x128x48xf32, #tpu.memory_space<vmem>>
      %dma_wait3A_123 = tpu.memref_squeeze %dma_wait3A_122 : memref<1x128x48xf32, #tpu.memory_space<vmem>> -> memref<128x48xf32, #tpu.memory_space<vmem>>
      %dma_wait3A_124 = arith.constant 0 : i32
      %dma_wait3A_125 = tpu.memref_slice %arg7[%add3A_118, %dma_wait3A_124] : memref<152x128xi32, #tpu.memory_space<vmem>> -> memref<1x128xi32, #tpu.memory_space<vmem>>
      %dma_wait3A_126 = tpu.memref_squeeze %dma_wait3A_125 : memref<1x128xi32, #tpu.memory_space<vmem>> -> memref<128xi32, #tpu.memory_space<vmem>>
      %dma_wait3A_127 = arith.constant 0 : i32
      %dma_wait3A_128 = arith.constant 0 : i32
      %dma_wait3A_129 = tpu.memref_slice %arg10[%dma_wait3A_127, %dma_wait3A_128] : memref<10240x48xf32, #tpu.memory_space<vmem_shared>> -> memref<10240x48xf32, #tpu.memory_space<vmem_shared>>
      tpu.wait_indirect_dma semaphore(%arg15 : memref<!tpu.dma_semaphore, #tpu.memory_space<semaphore_mem>>) src(%dma_wait3A_123 : memref<128x48xf32, #tpu.memory_space<vmem>>) dst(%dma_wait3A_129 : memref<10240x48xf32, #tpu.memory_space<vmem_shared>>)
    } else {
    }
    %barrier3A_96 = arith.constant 0 : index
    tpu.barrier barrier_id(%barrier3A_96)
    "tpu.region"() ({
      %run_scoped3A = tpu.sem_alloc : memref<!tpu.dma_semaphore, #tpu.memory_space<semaphore_mem>>
      %dma_start3A = arith.constant 0 : i32
      %dma_start3A_97 = tpu.memref_slice %arg5[%arg0, %mul3A_21, %dma_start3A] : memref<2x10240x48xf32, #tpu.memory_space<hbm>> -> memref<1x640x48xf32, #tpu.memory_space<hbm>>
      %dma_start3A_98 = tpu.memref_squeeze %dma_start3A_97 : memref<1x640x48xf32, #tpu.memory_space<hbm>> -> memref<640x48xf32, #tpu.memory_space<hbm>>
      %dma_start3A_99 = arith.constant 0 : i32
      %dma_start3A_100 = tpu.memref_slice %arg10[%mul3A_21, %dma_start3A_99] : memref<10240x48xf32, #tpu.memory_space<vmem_shared>> -> memref<640x48xf32, #tpu.memory_space<vmem_shared>>
      tpu.enqueue_dma source(%dma_start3A_100 : memref<640x48xf32, #tpu.memory_space<vmem_shared>>) target(%dma_start3A_98 : memref<640x48xf32, #tpu.memory_space<hbm>>) target_semaphore(%run_scoped3A : memref<!tpu.dma_semaphore, #tpu.memory_space<semaphore_mem>>)
      %dma_wait3A = arith.constant 0 : i32
      %dma_wait3A_101 = tpu.memref_slice %arg5[%arg0, %mul3A_21, %dma_wait3A] : memref<2x10240x48xf32, #tpu.memory_space<hbm>> -> memref<1x640x48xf32, #tpu.memory_space<hbm>>
      %dma_wait3A_102 = tpu.memref_squeeze %dma_wait3A_101 : memref<1x640x48xf32, #tpu.memory_space<hbm>> -> memref<640x48xf32, #tpu.memory_space<hbm>>
      %dma_wait3A_103 = arith.constant 0 : i32
      %dma_wait3A_104 = tpu.memref_slice %arg10[%mul3A_21, %dma_wait3A_103] : memref<10240x48xf32, #tpu.memory_space<vmem_shared>> -> memref<640x48xf32, #tpu.memory_space<vmem_shared>>
      tpu.wait_dma2 semaphore(%run_scoped3A : memref<!tpu.dma_semaphore, #tpu.memory_space<semaphore_mem>>) src(%dma_wait3A_104 : memref<640x48xf32, #tpu.memory_space<vmem_shared>>) dst(%dma_wait3A_102 : memref<640x48xf32, #tpu.memory_space<hbm>>)
      tpu.yield
    }) : () -> ()
    return
  }
}

module attributes {stable_mosaic.version = 14 : i64} {
  func.func @_tc1_body(%arg0: i32, %arg1: memref<2000x128xf32, #tpu.memory_space<vmem>>, %arg2: memref<128x64xf32, #tpu.memory_space<vmem>>, %arg3: memref<2000x1xf32, #tpu.memory_space<vmem>>, %arg4: memref<2000x1xf32, #tpu.memory_space<vmem>>, %arg5: memref<2000x64xf32, #tpu.memory_space<vmem>>, %arg6: memref<2000x1xf32, #tpu.memory_space<vmem>>) attributes {dimension_semantics = [#tpu.dimension_semantics<arbitrary>], iteration_bounds = array<i64: 5>, scalar_prefetch = 0 : i64, scratch_operands = 0 : i64, tpu.core_type = #tpu.core_type<tc>, window_params = [{transform_indices = @transform_0, window_bounds = array<i64: 2000, 128>}, {pipeline_mode = #tpu.pipeline_mode<synchronous>, transform_indices = @transform_1, window_bounds = array<i64: 128, 64>}, {transform_indices = @transform_2, window_bounds = array<i64: 2000, 1>}, {transform_indices = @transform_3, window_bounds = array<i64: 2000, 1>}, {transform_indices = @transform_4, window_bounds = array<i64: 2000, 64>}, {transform_indices = @transform_5, window_bounds = array<i64: 2000, 1>}]} {
    %get3A = arith.constant 0 : index
    %get3A_0 = arith.constant 0 : index
    %get3A_1 = vector.load %arg3[%get3A, %get3A_0] : memref<2000x1xf32, #tpu.memory_space<vmem>>, vector<2000x1xf32>
    %get3A_2 = arith.constant 0 : index
    %get3A_3 = arith.constant 0 : index
    %get3A_4 = vector.load %arg4[%get3A_2, %get3A_3] : memref<2000x1xf32, #tpu.memory_space<vmem>>, vector<2000x1xf32>
    %add3A = arith.addf %get3A_1, %get3A_4 : vector<2000x1xf32>
    %add3A_5 = arith.constant 1.000000e+00 : f32
    %add3A_6 = vector.broadcast %add3A_5 : f32 to vector<2000x1xf32>
    %add3A_7 = arith.addf %add3A, %add3A_6 : vector<2000x1xf32>
    %max3A = arith.constant 1.000000e+00 : f32
    %max3A_8 = vector.broadcast %max3A : f32 to vector<2000x1xf32>
    %max3A_9 = arith.maximumf %add3A_7, %max3A_8 : vector<2000x1xf32>
    %rsqrt3A = math.rsqrt %max3A_9 : vector<2000x1xf32>
    %get3A_10 = arith.constant 0 : index
    %get3A_11 = arith.constant 0 : index
    %get3A_12 = vector.load %arg1[%get3A_10, %get3A_11] : memref<2000x128xf32, #tpu.memory_space<vmem>>, vector<2000x128xf32>
    %get3A_13 = arith.constant 0 : index
    %get3A_14 = arith.constant 0 : index
    %get3A_15 = vector.load %arg2[%get3A_13, %get3A_14] : memref<128x64xf32, #tpu.memory_space<vmem>>, vector<128x64xf32>
    %dot_general3A = arith.constant dense<0.000000e+00> : vector<2000x64xf32>
    %dot_general3A_16 = tpu.matmul %get3A_12, %get3A_15, %dot_general3A {dimension_numbers = #tpu.dot_dimension_numbers<[1], [0], [0], [1], [0, 0, 1, 1], [], []>, transpose_lhs_hint = false} : vector<2000x128xf32>, vector<128x64xf32>, vector<2000x64xf32> -> vector<2000x64xf32>
    %mul3A = vector.broadcast %rsqrt3A : vector<2000x1xf32> to vector<2000x64xf32>
    %mul3A_17 = arith.mulf %dot_general3A_16, %mul3A : vector<2000x64xf32>
    %swap3A = arith.constant 0 : index
    %swap3A_18 = arith.constant 0 : index
    %swap3A_19 = vector.load %arg5[%swap3A, %swap3A_18] : memref<2000x64xf32, #tpu.memory_space<vmem>>, vector<2000x64xf32>
    tpu.vector_store %arg5[%swap3A, %swap3A_18], %mul3A_17 {strides = array<i32>} : memref<2000x64xf32, #tpu.memory_space<vmem>>, vector<2000x64xf32>,
    %swap3A_20 = arith.constant 0 : index
    %swap3A_21 = arith.constant 0 : index
    %swap3A_22 = vector.load %arg6[%swap3A_20, %swap3A_21] : memref<2000x1xf32, #tpu.memory_space<vmem>>, vector<2000x1xf32>
    tpu.vector_store %arg6[%swap3A_20, %swap3A_21], %rsqrt3A {strides = array<i32>} : memref<2000x1xf32, #tpu.memory_space<vmem>>, vector<2000x1xf32>,
    return
  }
  func.func @transform_0(%arg0: i32) -> (i32, i32) {
    %c0_i32 = arith.constant 0 : i32
    %c0_i32_0 = arith.constant 0 : i32
    return %arg0, %c0_i32 : i32, i32
  }
  func.func @transform_1(%arg0: i32) -> (i32, i32) {
    %c0_i32 = arith.constant 0 : i32
    %c0_i32_0 = arith.constant 0 : i32
    %c0_i32_1 = arith.constant 0 : i32
    return %c0_i32, %c0_i32_0 : i32, i32
  }
  func.func @transform_2(%arg0: i32) -> (i32, i32) {
    %c0_i32 = arith.constant 0 : i32
    %c0_i32_0 = arith.constant 0 : i32
    return %arg0, %c0_i32 : i32, i32
  }
  func.func @transform_3(%arg0: i32) -> (i32, i32) {
    %c0_i32 = arith.constant 0 : i32
    %c0_i32_0 = arith.constant 0 : i32
    return %arg0, %c0_i32 : i32, i32
  }
  func.func @transform_4(%arg0: i32) -> (i32, i32) {
    %c0_i32 = arith.constant 0 : i32
    %c0_i32_0 = arith.constant 0 : i32
    return %arg0, %c0_i32 : i32, i32
  }
  func.func @transform_5(%arg0: i32) -> (i32, i32) {
    %c0_i32 = arith.constant 0 : i32
    %c0_i32_0 = arith.constant 0 : i32
    return %arg0, %c0_i32 : i32, i32
  }
}

module attributes {stable_mosaic.version = 14 : i64} {
  func.func @_tc2_body(%arg0: i32, %arg1: memref<2000x64xf32, #tpu.memory_space<vmem>>, %arg2: memref<2000x64xf32, #tpu.memory_space<vmem>>, %arg3: memref<2000x64xf32, #tpu.memory_space<vmem>>, %arg4: memref<2000x1xf32, #tpu.memory_space<vmem>>, %arg5: memref<1x64xf32, #tpu.memory_space<vmem>>, %arg6: memref<64x48xf32, #tpu.memory_space<vmem>>, %arg7: memref<2000x48xf32, #tpu.memory_space<vmem>>) attributes {dimension_semantics = [#tpu.dimension_semantics<arbitrary>], iteration_bounds = array<i64: 5>, scalar_prefetch = 0 : i64, scratch_operands = 0 : i64, tpu.core_type = #tpu.core_type<tc>, window_params = [{transform_indices = @transform_0, window_bounds = array<i64: 2000, 64>}, {transform_indices = @transform_1, window_bounds = array<i64: 2000, 64>}, {transform_indices = @transform_2, window_bounds = array<i64: 2000, 64>}, {transform_indices = @transform_3, window_bounds = array<i64: 2000, 1>}, {pipeline_mode = #tpu.pipeline_mode<synchronous>, transform_indices = @transform_4, window_bounds = array<i64: 1, 64>}, {pipeline_mode = #tpu.pipeline_mode<synchronous>, transform_indices = @transform_5, window_bounds = array<i64: 64, 48>}, {transform_indices = @transform_6, window_bounds = array<i64: 2000, 48>}]} {
    %get3A = arith.constant 0 : index
    %get3A_0 = arith.constant 0 : index
    %get3A_1 = vector.load %arg4[%get3A, %get3A_0] : memref<2000x1xf32, #tpu.memory_space<vmem>>, vector<2000x1xf32>
    %get3A_2 = arith.constant 0 : index
    %get3A_3 = arith.constant 0 : index
    %get3A_4 = vector.load %arg1[%get3A_2, %get3A_3] : memref<2000x64xf32, #tpu.memory_space<vmem>>, vector<2000x64xf32>
    %get3A_5 = arith.constant 0 : index
    %get3A_6 = arith.constant 0 : index
    %get3A_7 = vector.load %arg2[%get3A_5, %get3A_6] : memref<2000x64xf32, #tpu.memory_space<vmem>>, vector<2000x64xf32>
    %add3A = arith.addf %get3A_4, %get3A_7 : vector<2000x64xf32>
    %get3A_8 = arith.constant 0 : index
    %get3A_9 = arith.constant 0 : index
    %get3A_10 = vector.load %arg3[%get3A_8, %get3A_9] : memref<2000x64xf32, #tpu.memory_space<vmem>>, vector<2000x64xf32>
    %add3A_11 = arith.addf %add3A, %get3A_10 : vector<2000x64xf32>
    %mul3A = vector.broadcast %get3A_1 : vector<2000x1xf32> to vector<2000x64xf32>
    %mul3A_12 = arith.mulf %mul3A, %add3A_11 : vector<2000x64xf32>
    %get3A_13 = arith.constant 0 : index
    %get3A_14 = arith.constant 0 : index
    %get3A_15 = vector.load %arg5[%get3A_13, %get3A_14] : memref<1x64xf32, #tpu.memory_space<vmem>>, vector<1x64xf32>
    %add3A_16 = vector.broadcast %get3A_15 : vector<1x64xf32> to vector<2000x64xf32>
    %add3A_17 = arith.addf %mul3A_12, %add3A_16 : vector<2000x64xf32>
    %max3A = arith.constant 0.000000e+00 : f32
    %max3A_18 = vector.broadcast %max3A : f32 to vector<2000x64xf32>
    %max3A_19 = arith.maximumf %add3A_17, %max3A_18 : vector<2000x64xf32>
    %get3A_20 = arith.constant 0 : index
    %get3A_21 = arith.constant 0 : index
    %get3A_22 = vector.load %arg6[%get3A_20, %get3A_21] : memref<64x48xf32, #tpu.memory_space<vmem>>, vector<64x48xf32>
    %dot_general3A = arith.constant dense<0.000000e+00> : vector<2000x48xf32>
    %dot_general3A_23 = tpu.matmul %max3A_19, %get3A_22, %dot_general3A {dimension_numbers = #tpu.dot_dimension_numbers<[1], [0], [0], [1], [0, 0, 1, 1], [], []>, transpose_lhs_hint = false} : vector<2000x64xf32>, vector<64x48xf32>, vector<2000x48xf32> -> vector<2000x48xf32>
    %mul3A_24 = vector.broadcast %get3A_1 : vector<2000x1xf32> to vector<2000x48xf32>
    %mul3A_25 = arith.mulf %dot_general3A_23, %mul3A_24 : vector<2000x48xf32>
    %swap3A = arith.constant 0 : index
    %swap3A_26 = arith.constant 0 : index
    %swap3A_27 = vector.load %arg7[%swap3A, %swap3A_26] : memref<2000x48xf32, #tpu.memory_space<vmem>>, vector<2000x48xf32>
    tpu.vector_store %arg7[%swap3A, %swap3A_26], %mul3A_25 {strides = array<i32>} : memref<2000x48xf32, #tpu.memory_space<vmem>>, vector<2000x48xf32>,
    return
  }
  func.func @transform_0(%arg0: i32) -> (i32, i32) {
    %c0_i32 = arith.constant 0 : i32
    %c0_i32_0 = arith.constant 0 : i32
    return %arg0, %c0_i32 : i32, i32
  }
  func.func @transform_1(%arg0: i32) -> (i32, i32) {
    %c0_i32 = arith.constant 0 : i32
    %c0_i32_0 = arith.constant 0 : i32
    return %arg0, %c0_i32 : i32, i32
  }
  func.func @transform_2(%arg0: i32) -> (i32, i32) {
    %c0_i32 = arith.constant 0 : i32
    %c0_i32_0 = arith.constant 0 : i32
    return %arg0, %c0_i32 : i32, i32
  }
  func.func @transform_3(%arg0: i32) -> (i32, i32) {
    %c0_i32 = arith.constant 0 : i32
    %c0_i32_0 = arith.constant 0 : i32
    return %arg0, %c0_i32 : i32, i32
  }
  func.func @transform_4(%arg0: i32) -> (i32, i32) {
    %c0_i32 = arith.constant 0 : i32
    %c0_i32_0 = arith.constant 0 : i32
    %c0_i32_1 = arith.constant 0 : i32
    return %c0_i32, %c0_i32_0 : i32, i32
  }
  func.func @transform_5(%arg0: i32) -> (i32, i32) {
    %c0_i32 = arith.constant 0 : i32
    %c0_i32_0 = arith.constant 0 : i32
    %c0_i32_1 = arith.constant 0 : i32
    return %c0_i32, %c0_i32_0 : i32, i32
  }
  func.func @transform_6(%arg0: i32) -> (i32, i32) {
    %c0_i32 = arith.constant 0 : i32
    %c0_i32_0 = arith.constant 0 : i32
    return %arg0, %c0_i32 : i32, i32
  }
}

module attributes {stable_mosaic.version = 14 : i64} {
  func.func @_tc3_body(%arg0: i32, %arg1: memref<2000x48xf32, #tpu.memory_space<vmem>>, %arg2: memref<2000x48xf32, #tpu.memory_space<vmem>>, %arg3: memref<2000x48xf32, #tpu.memory_space<vmem>>, %arg4: memref<2000x1xf32, #tpu.memory_space<vmem>>, %arg5: memref<1x48xf32, #tpu.memory_space<vmem>>, %arg6: memref<2000x48xf32, #tpu.memory_space<vmem>>) attributes {dimension_semantics = [#tpu.dimension_semantics<arbitrary>], iteration_bounds = array<i64: 5>, scalar_prefetch = 0 : i64, scratch_operands = 0 : i64, tpu.core_type = #tpu.core_type<tc>, window_params = [{transform_indices = @transform_0, window_bounds = array<i64: 2000, 48>}, {transform_indices = @transform_1, window_bounds = array<i64: 2000, 48>}, {transform_indices = @transform_2, window_bounds = array<i64: 2000, 48>}, {transform_indices = @transform_3, window_bounds = array<i64: 2000, 1>}, {pipeline_mode = #tpu.pipeline_mode<synchronous>, transform_indices = @transform_4, window_bounds = array<i64: 1, 48>}, {transform_indices = @transform_5, window_bounds = array<i64: 2000, 48>}]} {
    %get3A = arith.constant 0 : index
    %get3A_0 = arith.constant 0 : index
    %get3A_1 = vector.load %arg4[%get3A, %get3A_0] : memref<2000x1xf32, #tpu.memory_space<vmem>>, vector<2000x1xf32>
    %get3A_2 = arith.constant 0 : index
    %get3A_3 = arith.constant 0 : index
    %get3A_4 = vector.load %arg1[%get3A_2, %get3A_3] : memref<2000x48xf32, #tpu.memory_space<vmem>>, vector<2000x48xf32>
    %get3A_5 = arith.constant 0 : index
    %get3A_6 = arith.constant 0 : index
    %get3A_7 = vector.load %arg2[%get3A_5, %get3A_6] : memref<2000x48xf32, #tpu.memory_space<vmem>>, vector<2000x48xf32>
    %add3A = arith.addf %get3A_4, %get3A_7 : vector<2000x48xf32>
    %get3A_8 = arith.constant 0 : index
    %get3A_9 = arith.constant 0 : index
    %get3A_10 = vector.load %arg3[%get3A_8, %get3A_9] : memref<2000x48xf32, #tpu.memory_space<vmem>>, vector<2000x48xf32>
    %add3A_11 = arith.addf %add3A, %get3A_10 : vector<2000x48xf32>
    %mul3A = vector.broadcast %get3A_1 : vector<2000x1xf32> to vector<2000x48xf32>
    %mul3A_12 = arith.mulf %mul3A, %add3A_11 : vector<2000x48xf32>
    %get3A_13 = arith.constant 0 : index
    %get3A_14 = arith.constant 0 : index
    %get3A_15 = vector.load %arg5[%get3A_13, %get3A_14] : memref<1x48xf32, #tpu.memory_space<vmem>>, vector<1x48xf32>
    %add3A_16 = vector.broadcast %get3A_15 : vector<1x48xf32> to vector<2000x48xf32>
    %add3A_17 = arith.addf %mul3A_12, %add3A_16 : vector<2000x48xf32>
    %swap3A = arith.constant 0 : index
    %swap3A_18 = arith.constant 0 : index
    %swap3A_19 = vector.load %arg6[%swap3A, %swap3A_18] : memref<2000x48xf32, #tpu.memory_space<vmem>>, vector<2000x48xf32>
    tpu.vector_store %arg6[%swap3A, %swap3A_18], %add3A_17 {strides = array<i32>} : memref<2000x48xf32, #tpu.memory_space<vmem>>, vector<2000x48xf32>,
    return
  }
  func.func @transform_0(%arg0: i32) -> (i32, i32) {
    %c0_i32 = arith.constant 0 : i32
    %c0_i32_0 = arith.constant 0 : i32
    return %arg0, %c0_i32 : i32, i32
  }
  func.func @transform_1(%arg0: i32) -> (i32, i32) {
    %c0_i32 = arith.constant 0 : i32
    %c0_i32_0 = arith.constant 0 : i32
    return %arg0, %c0_i32 : i32, i32
  }
  func.func @transform_2(%arg0: i32) -> (i32, i32) {
    %c0_i32 = arith.constant 0 : i32
    %c0_i32_0 = arith.constant 0 : i32
    return %arg0, %c0_i32 : i32, i32
  }
  func.func @transform_3(%arg0: i32) -> (i32, i32) {
    %c0_i32 = arith.constant 0 : i32
    %c0_i32_0 = arith.constant 0 : i32
    return %arg0, %c0_i32 : i32, i32
  }
  func.func @transform_4(%arg0: i32) -> (i32, i32) {
    %c0_i32 = arith.constant 0 : i32
    %c0_i32_0 = arith.constant 0 : i32
    %c0_i32_1 = arith.constant 0 : i32
    return %c0_i32, %c0_i32_0 : i32, i32
  }
  func.func @transform_5(%arg0: i32) -> (i32, i32) {
    %c0_i32 = arith.constant 0 : i32
    %c0_i32_0 = arith.constant 0 : i32
    return %arg0, %c0_i32 : i32, i32
  }
}

</mosaic_0001>

<sc_bundles>
// kernel: kernel.11.cloned.1.call-start
scs
__scs_entry_jumppad:
0x0: {  	(pc) =	sbr.rel $0x88, $3  }
0x1: {  	(tag) =	ssettag $0x0;
	lr =	simm.s32 $0x1  }
0x2: {  	[smem:$0x3F9B] =	sst lr;
	_ =	strace $0xD0000000  }
0x3: {  	_ = 	snop  }
0x4: {  	_ = 	snop  }
0x5: {  	_ = 	snop  }
0x6: {  	_ = 	snop  }
0x7: {  	_ = 	snop  }
__scs_overlays_trampoline_lowered:
0x8: {  	[smem:$0x3FAA] =	sst s0  }
0x9: {  	[smem:$0x3FAB] =	sst s1  }
0xa: {  	[smem:$0x3FAC] =	sst s2  }
0xb: {  	[smem:$0x3FAD] =	sst s3  }
0xc: {  	[smem:$0x3FAE] =	sst s4  }
0xd: {  	[smem:$0x3FAF] =	sst s5  }
0xe: {  	[smem:$0x3FB0] =	sst s6  }
0xf: {  	[smem:$0x3FB1] =	sst s7  }
0x10: {  	[smem:$0x3FB2] =	sst s8  }
0x11: {  	[smem:$0x3FB3] =	sst s9;
	s0 =	simm.s32 @!p0 $0x0  }
0x12: {  	s1 =	sld [smem:$0x3F99];
	s0 =	simm.s32 @p0 $0x1  }
0x13: {  	[smem:$0x3FB4] =	sst s0;
	s0 =	simm.s32 @!p1 $0x0  }
0x14: {  	s2 =	sld [smem:$0x3F98];
	s0 =	simm.s32 @p1 $0x1  }
0x15: {  	[smem:$0x3FB5] =	sst s0;
	s0 =	simm.s32 @!p2 $0x0  }
0x16: {  	s3 =	sld [smem:$0x3FDB];
	s0 =	simm.s32 @p2 $0x1  }
0x17: {  	s4 =	simm.s32 $0x1BF5;
	[smem:$0x3FB7] =	sst s0  }
0x18: {  	s0 =	sld [smem:$0x3F9A];
	_ =	swait.ge [sflag:s4], $0x0  }
0x19: {  	s7 =	sld [smem:$0x3F9B]  }
0x1a: {  	s8 =	sadd.s32 $0xFFFFE003, lr  }
0x1b: {  	s9 =	sadd.s32 $0xFFFFFEF7, lr;
	s5 =	simm.s32 $0xFFFFFFFF;
	p2 =	slt.u32 s8, $0xFFFFF086  }
0x1c: {  	p1 =	slt.u32 s9, $0xF7A;
	s5 =	simm.s32 @!p2 $0x0  }
0x1d: {  	s5 =	simm.s32 @p1 $0x1;
	p0 =	seq.s32 s7, s2  }
0x1e: {  	s7 =	smul.u32 @!p0 $0xF7A, s2;
	p2 =	seq.s32 @!p0 s5, $0x0  }
0x1f: {  	s9 =	smul.u32 $0xF7A, s1;
	s8 =	simm.s32 @!p0 $0x1BF5;
	p2 =	por !p2, p0  }
0x20: {  	[sflag:s8] =	ssyncset.s32 @!p0 $0xFFFFF086;
	s6 =	sadd.s32 @!p0 s3, s7;
	s7 =	simm.s32 @!p0 $0x108  }
0x21: {  	s3 =	sadd.s32 s3, s9;
	s6 =	sadd.s32 @!p0 $0x88, s6;
	s7 =	simm.s32 @p2 $0x1082  }
0x22: {  	[simem:s7], [sflag:s8] =	dma.local @!p0 [hbm:s6], $0xF7A  }
0x23: {  	s9 =	sor.u32 $0xD0000000, s2;
	s6 =	simm.s32 $0x108;
	_ =	swait.ge @!p0 [sflag:s8], $0x0  }
0x24: {  	s3 =	sadd.s32 $0x88, s3;
	s6 =	simm.s32 @!p1 $0x1082;
	[sflag:s4] =	ssyncset.s32 $0xFFFFF086  }
0x25: {  	[simem:s6], [sflag:s4] =	dma.local [hbm:s3], $0xF7A  }
0x26: {  	[smem:$0x3F9B] =	sst s1;
	(tag) =	ssettag s2;
	_ =	strace s9  }
0x27: {  	s1 =	sld [smem:$0x3FAB]  }
0x28: {  	s2 =	sld [smem:$0x3FAC]  }
0x29: {  	s4 =	sld [smem:$0x3FAE]  }
0x2a: {  	p0 =	seq.s32 s5, $0x0;
	s5 =	sld [smem:$0x3FAF]  }
0x2b: {  	s6 =	sld [smem:$0x3FB0]  }
0x2c: {  	s7 =	sld [smem:$0x3FB1]  }
0x2d: {  	s3 =	simm.s32 $0x108;
	s8 =	sld [smem:$0x3FB2]  }
0x2e: {  	s3 =	simm.s32 @!p0 $0x1082;
	s9 =	sld [smem:$0x3FB3]  }
0x2f: {  	lr =	sadd.s32 s0, s3;
	s0 =	sld [smem:$0x3FAA]  }
0x30: {  	s3 =	sld [smem:$0x3FAD]  }
0x31: {  	[smem:$0x3FB6] =	sst s10  }
0x32: {  	s10 =	sld [smem:$0x3FB4];
	_ =	sdelay $0x3  }
0x33: {  	p0 =	seq.s32 s10, $0x1;
	s10 =	sld [smem:$0x3FB6];
	_ =	sdelay $0x3  }
0x34: {  	[smem:$0x3FB6] =	sst s10  }
0x35: {  	s10 =	sld [smem:$0x3FB5];
	_ =	sdelay $0x3  }
0x36: {  	p1 =	seq.s32 s10, $0x1;
	s10 =	sld [smem:$0x3FB6];
	_ =	sdelay $0x3  }
0x37: {  	[smem:$0x3FB6] =	sst s10  }
0x38: {  	s10 =	sld [smem:$0x3FB7]  }
0x39: {  	_ = 	snop;
	(pc) =	sbr.ind lr, $3  }
0x3a: {  	_ = 	snop  }
0x3b: {  	_ = 	snop  }
0x3c: {  	p2 =	seq.s32 s10, $0x1;
	s10 =	sld [smem:$0x3FB6]  }
0x3d: {  	_ =	shalt  }
0x3e: {  	_ =	shalt  }
0x3f: {  	_ =	shalt  }
0x40: {  	_ =	shalt  }
0x41: {  	_ =	shalt  }
0x42: {  	_ =	shalt  }
0x43: {  	_ =	shalt  }
0x44: {  	_ =	shalt  }
0x45: {  	_ =	shalt  }
0x46: {  	_ =	shalt  }
0x47: {  	_ =	shalt  }
0x48: {  	_ =	shalt  }
0x49: {  	_ =	shalt  }
0x4a: {  	_ =	shalt  }
0x4b: {  	_ =	shalt  }
0x4c: {  	_ =	shalt  }
0x4d: {  	_ =	shalt  }
0x4e: {  	_ =	shalt  }
0x4f: {  	_ =	shalt  }
0x50: {  	_ =	shalt  }
0x51: {  	_ =	shalt  }
0x52: {  	_ =	shalt  }
0x53: {  	_ =	shalt  }
0x54: {  	_ =	shalt  }
0x55: {  	_ =	shalt  }
0x56: {  	_ =	shalt  }
0x57: {  	_ =	shalt  }
0x58: {  	_ =	shalt  }
0x59: {  	_ =	shalt  }
0x5a: {  	_ =	shalt  }
0x5b: {  	_ =	shalt  }
0x5c: {  	_ =	shalt  }
0x5d: {  	_ =	shalt  }
0x5e: {  	_ =	shalt  }
0x5f: {  	_ =	shalt  }
0x60: {  	_ =	shalt  }
0x61: {  	_ =	shalt  }
0x62: {  	_ =	shalt  }
0x63: {  	_ =	shalt  }
0x64: {  	_ =	shalt  }
0x65: {  	_ =	shalt  }
0x66: {  	_ =	shalt  }
0x67: {  	_ =	shalt  }
0x68: {  	_ =	shalt  }
0x69: {  	_ =	shalt  }
0x6a: {  	_ =	shalt  }
0x6b: {  	_ =	shalt  }
0x6c: {  	_ =	shalt  }
0x6d: {  	_ =	shalt  }
0x6e: {  	_ =	shalt  }
0x6f: {  	_ =	shalt  }
0x70: {  	_ =	shalt  }
0x71: {  	_ =	shalt  }
0x72: {  	_ =	shalt  }
0x73: {  	_ =	shalt  }
0x74: {  	_ =	shalt  }
0x75: {  	_ =	shalt  }
0x76: {  	_ =	shalt  }
0x77: {  	_ =	shalt  }
0x78: {  	_ =	shalt  }
0x79: {  	_ =	shalt  }
0x7a: {  	_ =	shalt  }
0x7b: {  	_ =	shalt  }
0x7c: {  	_ =	shalt  }
0x7d: {  	_ =	shalt  }
0x7e: {  	_ =	shalt  }
0x7f: {  	_ =	shalt  }
0x80: {  	_ =	shalt  }
0x81: {  	_ =	shalt  }
0x82: {  	_ =	shalt  }
0x83: {  	_ =	shalt  }
0x84: {  	_ =	shalt  }
0x85: {  	_ =	shalt  }
0x86: {  	_ =	shalt  }
0x87: {  	_ =	shalt  }
.Lfunc_end0:
.L_simem_size_0:
called_computation.1_lowered:
.L_overlay_start_0:
0x88: {  	s2 =	sld [smem:$0x3FD9]  }
0x89: {  	s3 =	sld [smem:$0x3FFE];
	_ =	sdelay $0x1  }
0x8a: {  	s1 =	srdreg.scid  }
0x8b: {  	s0 =	sand.u32 $0x1, s1  }
0x8c: {  	s17 =	sshll.u32 s0, $0xA;
	s2 =	sadd.s32 s3, s2  }
0x8d: {  	s2 =	sadd.s32 s2, s17  }
0x8e: {  	[smem:$0x3FC2] =	sst s2  }
0x8f: {  	_ = 	snop  }
0x90: {  	s2 =	sld [smem:$0x3FD0];
	(tm) =	ssettm $0x1  }
0x91: {  	s18 =	sld [smem:$0x3FFB];
	_ =	sdelay $0x3  }
0x92: {  	_ =	strace s18  }
0x93: {  	s3 =	sld [smem:$0x3FFC];
	_ =	sdelay $0x3  }
0x94: {  	_ =	strace s3  }
0x95: {  	s3 =	sld [smem:$0x3FFD];
	_ =	sdelay $0x3  }
0x96: {  	_ =	strace s3  }
0x97: {  	_ =	strace $0x8FFFFFFF  }
0x98: {  	s19 =	sld [smem:$0x3FDB];
	_ =	sdelay $0x1  }
0x99: {  	s4 =	simm.s32 $_scs_section_size  }
0x9a: {  	s5 =	simm.s32 $_size__tile_overlayer_lowered;
	s6 =	simm.s32 $_tile_overlayer_lowered  }
0x9b: {  	s22 =	simm.s32 $0x1BFF;
	s21 =	sshll.u32 s6, $0x1;
	s3 =	sadd.s32 s4, s19  }
0x9c: {  	s7 =	simm.s32 $0x0;
	s20 =	sshll.u32 s5, $0x1;
	s5 =	sadd.s32 s21, s3  }
0x9d: {  	[timem:s7], [sflag:s22] =	dma.local [hbm:s5], s20  }
0x9e: {  	_ =	swait.ge [sflag:s22], s20  }
0x9f: {  	s4 =	ssub.s32 $0x0, s20;
	[sflag:s22] =	ssyncset.done $0x0  }
0xa0: {  	[sflag:s22] =	ssyncadd.s32 s4;
	_ =	sdelay $0x1  }
0xa1: {  	s23 =	simm.s32 $0x1B8B  }
0xa2: {  	_ =	swait.ge [sflag:s23], $0x1  }
0xa3: {  	[sflag:s23] =	ssyncset.done $0x0  }
0xa4: {  	s25 =	simm.s32 $0x1B8E;
	s24 =	sld [smem:$0x3FFE];
	[sflag:s23] =	ssyncadd.s32 $0xFFFFFFFF  }
0xa5: {  	s26 =	simm.s32 $execute0_lowered;
	[smem:$0x3FD2] =	sst s25  }
0xa6: {  	s5 =	sshll.u32 s26, $0x1;
	_ =	strace $0x80000049;
	[dreg:$0x1] =	wrdreg $0xFFFFFFFF  }
0xa7: {  	s28 =	simm.s32 $_size_execute0_lowered;
	s3 =	sadd.s32 s3, s5;
	[dreg:$0x0] =	wrdreg $0x0  }
0xa8: {  	s5 =	sshll.u32 s28, $0x1;
	[dreg:$0x2] =	wrdreg s3  }
0xa9: {  	[dreg:$0x3] =	wrdreg s5  }
0xaa: {  	[dreg:$0x4] =	wrdreg $0xC0  }
0xab: {  	_ =	task [dreg:s7], $0x5FFFF  }
0xac: {  	[dreg:$0x1] =	wrdreg $0xFFFFFFFF  }
0xad: {  	[dreg:$0x0] =	wrdreg $0x60  }
0xae: {  	[dreg:$0x2] =	wrdreg s24  }
0xaf: {  	[dreg:$0x3] =	wrdreg s2  }
0xb0: {  	[dreg:$0x4] =	wrdreg $0x128000  }
0xb1: {  	[dreg:$0x5] =	wrdreg $0x9  }
0xb2: {  	_ =	task.clear_ibuf [dreg:s7], $0x6FFFF;
	_ =	strace $0x90000049  }
0xb3: {  	s29 =	simm.s32 $0x9;
	_ =	strace $0x8000004B  }
0xb4: {  	_ =	swait.ge [sflag:s29], $0x1  }
0xb5: {  	[sflag:s29] =	ssyncadd.s32 $0xFFFFFFFF  }
0xb6: {  	_ =	strace $0x9000004B  }
0xb7: {  	_ =	sfence  }
0xb8: {  	s30 =	sld [smem:$0x0];
	_ =	sdelay $0x2  }
0xb9: {  	s31 =	sshll.u32 s1, $0xD;
	s1 =	sshrl.u32 s1, $0x2  }
0xba: {  	s3 =	sand.u32 $0x4000, s31;
	s1 =	sadd.s32 s1, s30  }
0xbb: {  	s0 =	sor.u32 s3, s0;
	s1 =	sshll.u32 s1, $0x11  }
0xbc: {  	s0 =	sor.u32 s1, s0  }
0xbd: {  	s0 =	sadd.s32 $0x8F2B, s0  }
0xbe: {  	[sflag:s0] =	ssyncadd.remote.s32 $0x1  }
0xbf: {  	_ =	sfence.sel $0xFFFF  }
0xc0: {  	[dreg:$0x0] =	wrdreg $0xFFFFFFFF;
	(pc) =	sbr.abs _section_cstart, $3  }
0xc1: {  	[dreg:$0x1] =	wrdreg $0xFFFFFFFF  }
0xc2: {  	_ =	task.clear_ibuf [dreg:s7], $0x2FFFF;
	_ =	strace $0x9FFFFFFF  }
0xc3: {  	(tm) =	ssettm $0x7FFFFFFF  }
tec
execute0_lowered:
.L_overlay_start_1:
0x0: {  	(tag) =	ssettag $0x1  }
0x1: {  	s0 =	rddreg [dreg:$0x0]  }
0x2: {  	s1 =	rddreg [dreg:$0x1]  }
0x3: {  	s2 =	rddreg [dreg:$0x2]  }
0x4: {  	s4 =	srdreg.scid;
	s10 =	stileid.u32;
	s3 =	simm.s32 $0x0  }
0x5: {  	s20 =	simm.s32 $0x11800;
	s29 =	simm.s32 $0xD800;
	s31 =	simm.s32 $0xF800  }
0x6: {  	s30 =	simm.s32 $0x5;
	s28 =	simm.s32 $0x4;
	s6 =	smul.u32 $0x98, s10  }
0x7: {  	s5 =	sand.u32 $0x1, s4;
	[smem:$0x7FF] =	sst s3;
	s9 =	smul.u32 $0xA000, s10  }
0x8: {  	s23 =	sshll.u32 s10, $0x3;
	s4 =	sadd.s32 $0x33C00, s0;
	s25 =	smul.u32 $0x28000, s10  }
0x9: {  	s7 =	smul.u32 $0xA0000, s5;
	p0 =	seq.s32 s5, $0x0;
	s8 =	sor.u32 $0x980, s23  }
0xa: {  	_ =	strace $0x8000004A;
	s5 =	ssub.s32 $0x2, s5;
	s8 =	smov.u32 @p0 s6  }
0xb: {  	s12 =	sshrl.u32 s5, $0x1;
	s14 =	sadd.s32 s9, s2;
	s8 =	sshll.u32 s8, $0x4  }
0xc: {  	s24 =	sadd.s32 s9, s7;
	s7 =	sshrl.u32 s25, $0x2;
	s11 =	ssub.s32 s5, s12  }
0xd: {  	s26 =	sadd.s32 s8, s0;
	s6 =	sshrl.u32 s24, $0x3;
	s5 =	sadd.s32 s7, s2  }
0xe: {  	s1 =	sadd.s32 s1, s8;
	s21 =	smax.u32 s11, $0x1;
	s7 =	simm.s32 $0x3  }
0xf: {  	s0 =	sadd.s32 s6, s0;
	s6 =	simm.s32 $0x4C;
	[dreg:$0x6] =	wrdreg s1  }
0x10: {  	s13 =	sadd.s32 $0x2000, s26;
	[dreg:$0x8] =	wrdreg s21;
	s22 =	sadd.s32 $0x1000, s5  }
0x11: {  	s23 =	sadd.s32 $0x2000, s5;
	s24 =	sadd.s32 $0x3000, s5;
	s25 =	sadd.s32 $0x4000, s5  }
0x12: {  	s15 =	sadd.s32 $0x5000, s5;
	s16 =	sadd.s32 $0x6000, s5;
	[dreg:$0x5] =	wrdreg s13  }
0x13: {  	s17 =	sadd.s32 $0x7000, s5;
	s18 =	sadd.s32 $0x8000, s5;
	[dreg:$0x9] =	wrdreg s22  }
0x14: {  	s19 =	sadd.s32 $0x9000, s5;
	s21 =	simm.s32 $0x6;
	[dreg:$0xa] =	wrdreg s23  }
0x15: {  	s6 =	simm.s32 @!p0 $0x4;
	s0 =	sadd.s32 $0x47600, s0;
	[dreg:$0xb] =	wrdreg s24  }
0x16: {  	[dreg:$0xc] =	wrdreg s25;
	s22 =	simm.s32 $0x4C00;
	s23 =	simm.s32 $0x80  }
0x17: {  	s24 =	simm.s32 $0x9800;
	s25 =	sshrl.u32 s14, $0x3;
	s26 =	sshll.u32 s6, $0xA  }
0x18: {  	[dreg:$0x7] =	wrdreg s0;
	s0 =	simm.s32 $0x1;
	s1 =	sadd.s32 $0xFFFFF800, s26  }
0x19: {  	v0 =	vimm.f32 $0.0e+00;
	s26 =	simm.s32 $0xB800;
	[dreg:$0x4] =	wrdreg s1;
	s1 =	simm.s32 $0x2  }
.LBB2_1:
0x1a: {  	s9 =	simm.s32 $0x100;
	s8 =	simm.s32 $0x0  }
.LBB2_2:
0x1b: {  	p0 =	sne.s32 s9, $0x3F00;
	[tilespmem:s8+$0x11830] =	vst v0;
	s10 =	smov.u32 s9;
	s9 =	sadd.s32 $0x100, s9  }
.Ltmp0:
0x1c: {  	[tilespmem:s8+$0x11820] =	vst v0;
	(pc) =	sbr.rel @p0 .LBB2_2-.Ltmp0, $3  }
0x1d: {  	[tilespmem:s8+$0x11800] =	vst v0  }
0x1e: {  	[tilespmem:s8+$0x11810] =	vst v0;
	_ =	sdelay $0x1  }
0x1f: {  	s8 =	sshra.s32 s10, $0x2  }
0x20: {  	[tilespmem:s8+$0x11830] =	vst v0  }
0x21: {  	[tilespmem:s8+$0x11820] =	vst v0  }
0x22: {  	[tilespmem:s8+$0x11800] =	vst v0  }
0x23: {  	[tilespmem:s8+$0x11810] =	vst v0  }
0x24: {  	[spmem:s5] =	stream.linear.scatter [tilespmem:s20], [sflag:$0x6], $0x1000, $0x38;
	[tilespmem:$0x1C800] =	vst v63  }
0x25: {  	_ =	swait.ge [sflag:s21], $0x1000  }
0x26: {  	[sflag:s21] =	ssyncset.done $0x0  }
0x27: {  	s9 =	rddreg [dreg:$0x9];
	[sflag:s21] =	ssyncadd.s32 $0xFFFFF000  }
0x28: {  	[spmem:s9] =	stream.linear.scatter [tilespmem:s20], [sflag:$0x6], $0x1000, $0x38;
	[tilespmem:$0x1C800] =	vst v63  }
0x29: {  	_ =	swait.ge [sflag:s21], $0x1000  }
0x2a: {  	[sflag:s21] =	ssyncset.done $0x0  }
0x2b: {  	s10 =	rddreg [dreg:$0xa];
	[sflag:s21] =	ssyncadd.s32 $0xFFFFF000  }
0x2c: {  	[spmem:s10] =	stream.linear.scatter [tilespmem:s20], [sflag:$0x6], $0x1000, $0x38;
	[tilespmem:$0x1C800] =	vst v63  }
0x2d: {  	_ =	swait.ge [sflag:s21], $0x1000  }
0x2e: {  	[sflag:s21] =	ssyncset.done $0x0  }
0x2f: {  	s11 =	rddreg [dreg:$0xb];
	[sflag:s21] =	ssyncadd.s32 $0xFFFFF000  }
0x30: {  	[spmem:s11] =	stream.linear.scatter [tilespmem:s20], [sflag:$0x6], $0x1000, $0x38;
	[tilespmem:$0x1C800] =	vst v63  }
0x31: {  	_ =	swait.ge [sflag:s21], $0x1000  }
0x32: {  	[sflag:s21] =	ssyncset.done $0x0  }
0x33: {  	s12 =	rddreg [dreg:$0xc];
	[sflag:s21] =	ssyncadd.s32 $0xFFFFF000  }
0x34: {  	[spmem:s12] =	stream.linear.scatter [tilespmem:s20], [sflag:$0x6], $0x1000, $0x38;
	[tilespmem:$0x1C800] =	vst v63  }
0x35: {  	_ =	swait.ge [sflag:s21], $0x1000  }
0x36: {  	[sflag:s21] =	ssyncset.done $0x0  }
0x37: {  	[sflag:s21] =	ssyncadd.s32 $0xFFFFF000  }
0x38: {  	[spmem:s15] =	stream.linear.scatter [tilespmem:s20], [sflag:$0x6], $0x1000, $0x38;
	[tilespmem:$0x1C800] =	vst v63  }
0x39: {  	_ =	swait.ge [sflag:s21], $0x1000  }
0x3a: {  	[sflag:s21] =	ssyncset.done $0x0  }
0x3b: {  	[sflag:s21] =	ssyncadd.s32 $0xFFFFF000  }
0x3c: {  	[spmem:s16] =	stream.linear.scatter [tilespmem:s20], [sflag:$0x6], $0x1000, $0x38;
	[tilespmem:$0x1C800] =	vst v63  }
0x3d: {  	_ =	swait.ge [sflag:s21], $0x1000  }
0x3e: {  	[sflag:s21] =	ssyncset.done $0x0  }
0x3f: {  	[sflag:s21] =	ssyncadd.s32 $0xFFFFF000  }
0x40: {  	[spmem:s17] =	stream.linear.scatter [tilespmem:s20], [sflag:$0x6], $0x1000, $0x38;
	[tilespmem:$0x1C800] =	vst v63  }
0x41: {  	_ =	swait.ge [sflag:s21], $0x1000  }
0x42: {  	[sflag:s21] =	ssyncset.done $0x0  }
0x43: {  	[sflag:s21] =	ssyncadd.s32 $0xFFFFF000  }
0x44: {  	[spmem:s18] =	stream.linear.scatter [tilespmem:s20], [sflag:$0x6], $0x1000, $0x38;
	[tilespmem:$0x1C800] =	vst v63  }
0x45: {  	_ =	swait.ge [sflag:s21], $0x1000  }
0x46: {  	[sflag:s21] =	ssyncset.done $0x0  }
0x47: {  	[sflag:s21] =	ssyncadd.s32 $0xFFFFF000  }
0x48: {  	[spmem:s19] =	stream.linear.scatter [tilespmem:s20], [sflag:$0x6], $0x1000, $0x38;
	[tilespmem:$0x1C800] =	vst v63  }
0x49: {  	_ =	swait.ge [sflag:s21], $0x1000  }
0x4a: {  	[sflag:s21] =	ssyncset.done $0x0  }
0x4b: {  	[sflag:s21] =	ssyncadd.s32 $0xFFFFF000  }
0x4c: {  	[bflag:$0x0] =	sbarrier.arrive $0xFFFF  }
0x4d: {  	s8 =	simm.s32 $0x0;
	s9 =	rddreg [dreg:$0x5]  }
0x4e: {  	[tilespmem:s8], [sflag:$0x6] =	stream.linear.gather [hbm4b:s9+s8], $0x4C00, $0x38;
	[tilespmem:$0x1C800] =	vst v63  }
0x4f: {  	_ =	swait.ge [sflag:s21], $0x4C00  }
0x50: {  	[sflag:s21] =	ssyncset.done $0x0  }
0x51: {  	s13 =	rddreg [dreg:$0x6];
	[sflag:s21] =	ssyncadd.s32 $0xFFFFB400  }
0x52: {  	[tilespmem:s22], [sflag:$0x6] =	stream.linear.gather [hbm4b:s13+s8], $0x4C00, $0x38;
	[tilespmem:$0x1C800] =	vst v63  }
0x53: {  	_ =	swait.ge [sflag:s21], $0x4C00  }
0x54: {  	[sflag:s21] =	ssyncset.done $0x0  }
0x55: {  	[sflag:s21] =	ssyncadd.s32 $0xFFFFB400  }
0x56: {  	[tilespmem:s24], [sflag:$0x1] =	stream.indirect.gather [hbm4b:s4+s23], $0x40, s8, s23, $0xb8;
	[tilespmem:$0x1C800] =	vst v63  }
0x57: {  	_ = 	snop  }
0x58: {  	[tilespmem:s26], [sflag:$0x2] =	stream.indirect.gather [hbm4b:s4+s23], $0x40, s23, s23, $0xb8;
	[tilespmem:$0x1C800] =	vst v63  }
0x59: {  	s14 =	simm.s32 $0x100  }
0x5a: {  	[tilespmem:s29], [sflag:$0x3] =	stream.indirect.gather [hbm4b:s4+s23], $0x40, s14, s23, $0xb8;
	[tilespmem:$0x1C800] =	vst v63  }
0x5b: {  	s10 =	simm.s32 $0x180  }
0x5c: {  	[tilespmem:s31], [sflag:$0x4] =	stream.indirect.gather [hbm4b:s4+s23], $0x40, s10, s23, $0xb8;
	[tilespmem:$0x1C800] =	vst v63  }
0x5d: {  	_ =	swait.ge [sflag:s0], $0x2000  }
0x5e: {  	[sflag:s0] =	ssyncset.done $0x0  }
0x5f: {  	[sflag:s0] =	ssyncadd.s32 $0xFFFFE000  }
0x60: {  	[spmem:s2] =	stream.indirect.scatter.add.f32 [tilespmem:s24], [sflag:$0x5], $0x40, s22, s23, $0xb8;
	[tilespmem:$0x1C800] =	vst v63  }
0x61: {  	_ =	swait.ge [sflag:s1], $0x2000  }
0x62: {  	[sflag:s1] =	ssyncset.done $0x0  }
0x63: {  	s11 =	simm.s32 $0x4C80;
	[sflag:s1] =	ssyncadd.s32 $0xFFFFE000  }
0x64: {  	[spmem:s2] =	stream.indirect.scatter.add.f32 [tilespmem:s26], [sflag:$0x5], $0x40, s11, s23, $0xb8;
	[tilespmem:$0x1C800] =	vst v63  }
0x65: {  	_ =	swait.ge [sflag:s30], $0x2000  }
0x66: {  	[sflag:s30] =	ssyncset.done $0x0  }
0x67: {  	[sflag:s30] =	ssyncadd.s32 $0xFFFFE000  }
0x68: {  	_ =	swait.ge [sflag:s30], $0x2000  }
0x69: {  	[sflag:s30] =	ssyncset.done $0x0  }
0x6a: {  	s12 =	simm.s32 $0x200;
	[sflag:s30] =	ssyncadd.s32 $0xFFFFE000  }
0x6b: {  	[tilespmem:s24], [sflag:$0x1] =	stream.indirect.gather [hbm4b:s4+s23], $0x40, s12, s23, $0xb8;
	[tilespmem:$0x1C800] =	vst v63  }
0x6c: {  	s9 =	simm.s32 $0x3;
	s13 =	simm.s32 $0x280  }
0x6d: {  	[tilespmem:s26], [sflag:$0x2] =	stream.indirect.gather [hbm4b:s4+s23], $0x40, s13, s23, $0xb8;
	[tilespmem:$0x1C800] =	vst v63  }
0x6e: {  	_ =	swait.ge [sflag:s9], $0x2000  }
0x6f: {  	[sflag:s9] =	ssyncset.done $0x0  }
0x70: {  	s10 =	simm.s32 $0x4D00;
	[sflag:s9] =	ssyncadd.s32 $0xFFFFE000  }
0x71: {  	[spmem:s2] =	stream.indirect.scatter.add.f32 [tilespmem:s29], [sflag:$0x5], $0x40, s10, s23, $0xb8;
	[tilespmem:$0x1C800] =	vst v63  }
0x72: {  	_ =	swait.ge [sflag:s28], $0x2000  }
0x73: {  	[sflag:s28] =	ssyncset.done $0x0  }
0x74: {  	s14 =	simm.s32 $0x4D80;
	[sflag:s28] =	ssyncadd.s32 $0xFFFFE000  }
0x75: {  	[spmem:s2] =	stream.indirect.scatter.add.f32 [tilespmem:s31], [sflag:$0x5], $0x40, s14, s23, $0xb8;
	[tilespmem:$0x1C800] =	vst v63  }
.LBB2_4:
0x76: {  	_ =	swait.ge [sflag:s30], $0x2000  }
0x77: {  	[sflag:s30] =	ssyncset.done $0x0  }
0x78: {  	[sflag:s30] =	ssyncadd.s32 $0xFFFFE000  }
0x79: {  	p0 =	sge.u32 s9, s6;
	_ =	swait.ge [sflag:s30], $0x2000  }
0x7a: {  	s10 =	sshra.s32 @!p0 s8, $0x2;
	s12 =	simm.s32 @!p0 $0x80;
	[sflag:s30] =	ssyncset.done $0x0  }
0x7b: {  	s13 =	simm.s32 @!p0 $0xD800;
	s11 =	sadd.s32 @!p0 $0x300, s10;
	[sflag:s30] =	ssyncadd.s32 $0xFFFFE000  }
0x7c: {  	[tilespmem:s13], [sflag:$0x3] =	stream.indirect.gather @!p0 [hbm4b:s4+s12], $0x40, s11, s12, $0xb8;
	[tilespmem:$0x1C800] =	vst v63  }
0x7d: {  	s10 =	sadd.s32 @!p0 $0x380, s10;
	s11 =	simm.s32 @!p0 $0xF800  }
0x7e: {  	[tilespmem:s11], [sflag:$0x4] =	stream.indirect.gather @!p0 [hbm4b:s4+s12], $0x40, s10, s12, $0xb8;
	[tilespmem:$0x1C800] =	vst v63  }
0x7f: {  	_ =	swait.ge [sflag:s0], $0x2000  }
0x80: {  	s10 =	sshra.s32 s8, $0x2;
	[sflag:s0] =	ssyncset.done $0x0  }
0x81: {  	s13 =	sadd.s32 $0x4E00, s10;
	[sflag:s0] =	ssyncadd.s32 $0xFFFFE000  }
0x82: {  	[spmem:s2] =	stream.indirect.scatter.add.f32 [tilespmem:s24], [sflag:$0x5], $0x40, s13, s23, $0xb8;
	[tilespmem:$0x1C800] =	vst v63  }
0x83: {  	_ =	swait.ge [sflag:s1], $0x2000  }
0x84: {  	[sflag:s1] =	ssyncset.done $0x0  }
0x85: {  	s14 =	sadd.s32 $0x4E80, s10;
	[sflag:s1] =	ssyncadd.s32 $0xFFFFE000  }
0x86: {  	[spmem:s2] =	stream.indirect.scatter.add.f32 [tilespmem:s26], [sflag:$0x5], $0x40, s14, s23, $0xb8;
	[tilespmem:$0x1C800] =	vst v63  }
0x87: {  	_ =	swait.ge [sflag:s30], $0x2000  }
0x88: {  	s12 =	sadd.s32 $0x1, s9;
	[sflag:s30] =	ssyncset.done $0x0  }
0x89: {  	p0 =	sge.u32 s12, s6;
	[sflag:s30] =	ssyncadd.s32 $0xFFFFE000  }
0x8a: {  	s11 =	sshra.s32 @!p0 s8, $0x2;
	_ =	swait.ge [sflag:s30], $0x2000  }
0x8b: {  	s12 =	sadd.s32 @!p0 $0x400, s11;
	[sflag:s30] =	ssyncset.done $0x0  }
0x8c: {  	s13 =	simm.s32 @!p0 $0x80;
	s14 =	simm.s32 @!p0 $0x9800;
	[sflag:s30] =	ssyncadd.s32 $0xFFFFE000  }
0x8d: {  	[tilespmem:s14], [sflag:$0x1] =	stream.indirect.gather @!p0 [hbm4b:s4+s13], $0x40, s12, s13, $0xb8;
	[tilespmem:$0x1C800] =	vst v63  }
0x8e: {  	s11 =	sadd.s32 @!p0 $0x480, s11;
	s12 =	simm.s32 @!p0 $0xB800  }
0x8f: {  	[tilespmem:s12], [sflag:$0x2] =	stream.indirect.gather @!p0 [hbm4b:s4+s13], $0x40, s11, s13, $0xb8;
	[tilespmem:$0x1C800] =	vst v63  }
0x90: {  	_ =	swait.ge [sflag:s7], $0x2000  }
0x91: {  	[sflag:s7] =	ssyncset.done $0x0  }
0x92: {  	s13 =	sadd.s32 $0x4F00, s10;
	[sflag:s7] =	ssyncadd.s32 $0xFFFFE000  }
0x93: {  	[spmem:s2] =	stream.indirect.scatter.add.f32 [tilespmem:s29], [sflag:$0x5], $0x40, s13, s23, $0xb8;
	[tilespmem:$0x1C800] =	vst v63  }
0x94: {  	_ =	swait.ge [sflag:s28], $0x2000  }
0x95: {  	s8 =	sadd.s32 $0x800, s8;
	s14 =	rddreg [dreg:$0x4]  }
0x96: {  	p0 =	sne.s32 s14, s8  }
.Ltmp1:
0x97: {  	_ = 	snop;
	(pc) =	sbr.rel @p0 .LBB2_4-.Ltmp1, $4  }
0x98: {  	_ = 	snop  }
0x99: {  	[sflag:s28] =	ssyncset.done $0x0  }
0x9a: {  	s9 =	sadd.s32 $0x2, s9;
	s10 =	sadd.s32 $0x4F80, s10;
	[sflag:s28] =	ssyncadd.s32 $0xFFFFE000  }
0x9b: {  	[spmem:s2] =	stream.indirect.scatter.add.f32 [tilespmem:s31], [sflag:$0x5], $0x40, s10, s23, $0xb8;
	[tilespmem:$0x1C800] =	vst v63  }
0x9c: {  	_ =	swait.ge [sflag:s30], $0x2000  }
0x9d: {  	[sflag:s30] =	ssyncset.done $0x0  }
0x9e: {  	[sflag:s30] =	ssyncadd.s32 $0xFFFFE000  }
0x9f: {  	_ =	swait.ge [sflag:s30], $0x2000  }
0xa0: {  	[sflag:s30] =	ssyncset.done $0x0  }
0xa1: {  	s8 =	stileid.u32;
	[sflag:s30] =	ssyncadd.s32 $0xFFFFE000  }
0xa2: {  	s8 =	sshll.u32 s8, $0x6;
	[bflag:$0x0] =	sbarrier.arrive $0xFFFF  }
0xa3: {  	s8 =	sor.u32 $0x1C06, s8;
	s9 =	rddreg [dreg:$0x7]  }
0xa4: {  	[hbm:s9], [sflag:s8] =	dma.local [spmem:s25], $0x1400  }
0xa5: {  	_ =	swait.ge [sflag:s21], $0x1400  }
0xa6: {  	s3 =	sadd.s32 $0x1, s3;
	s14 =	rddreg [dreg:$0x8]  }
0xa7: {  	p0 =	sne.s32 s3, s14  }
.Ltmp2:
0xa8: {  	_ = 	snop;
	(pc) =	sbr.rel @p0 .LBB2_1-.Ltmp2, $3  }
0xa9: {  	_ =	sdelay $0x1  }
0xaa: {  	[sflag:s21] =	ssyncset.done $0x0  }
0xab: {  	[sflag:s21] =	ssyncadd.s32 $0xFFFFEC00  }
0xac: {  	_ =	sfence.sel $0x180000  }
0xad: {  	[bflag:$0x0] =	sbarrier.arrive $0xFFFF  }
0xae: {  	_ =	strace $0x9000004A  }
0xaf: {  	s0 =	stileid.u32;
	[bflag:$0x2] =	sbarrier.arrive $0xFFFF  }
0xb0: {  	p0 =	sne.s32 s0, $0x0;
	s0 =	rddreg [dreg:$0x3]  }
0xb1: {  	s0 =	sadd.s32 @!p0 $0x100000, s0  }
0xb2: {  	[sflag:s0] =	ssyncadd.tile.s32 @!p0 $0x1;
	_ =	shalt  }
.Lfunc_end2:
_tile_overlayer_lowered:
.L_overlay_start_2:
0xb3: {  	(tag) =	ssettag $0x2  }
0xb4: {  	s0 =	rddreg [dreg:$0x0];
	s2 =	stileid.u32  }
0xb5: {  	s1 =	rddreg [dreg:$0x1];
	p0 =	sne.s32 s2, $0x0  }
0xb6: {  	s3 =	rddreg [dreg:$0x2];
	[bflag:$0x3] =	sbarrier.arrive $0xFFFF;
	s2 =	simm.s32 @!p0 $0x1C06  }
0xb7: {  	[timem:s3], [sflag:s2] =	dma.local @!p0 [hbm:s0], s1  }
0xb8: {  	s0 =	simm.s32 @!p0 $0x6  }
0xb9: {  	_ =	swait.ge @!p0 [sflag:s0], s1  }
0xba: {  	s1 =	ssub.s32 @!p0 $0x0, s1;
	[sflag:s0] =	ssyncset.done @!p0 $0x0  }
0xbb: {  	[sflag:s0] =	ssyncadd.s32 @!p0 s1  }
0xbc: {  	[bflag:$0x3] =	sbarrier.arrive $0xFFFF  }
0xbd: {  	_ =	shalt  }

// kernel: kernel.14.cloned.1.call-start
scs
__scs_entry_jumppad:
0x0: {  	(pc) =	sbr.rel $0x88, $3  }
0x1: {  	(tag) =	ssettag $0x0;
	lr =	simm.s32 $0x1  }
0x2: {  	[smem:$0x3F9B] =	sst lr;
	_ =	strace $0xD0000000  }
0x3: {  	_ = 	snop  }
0x4: {  	_ = 	snop  }
0x5: {  	_ = 	snop  }
0x6: {  	_ = 	snop  }
0x7: {  	_ = 	snop  }
__scs_overlays_trampoline_lowered:
0x8: {  	[smem:$0x3FAA] =	sst s0  }
0x9: {  	[smem:$0x3FAB] =	sst s1  }
0xa: {  	[smem:$0x3FAC] =	sst s2  }
0xb: {  	[smem:$0x3FAD] =	sst s3  }
0xc: {  	[smem:$0x3FAE] =	sst s4  }
0xd: {  	[smem:$0x3FAF] =	sst s5  }
0xe: {  	[smem:$0x3FB0] =	sst s6  }
0xf: {  	[smem:$0x3FB1] =	sst s7  }
0x10: {  	[smem:$0x3FB2] =	sst s8  }
0x11: {  	[smem:$0x3FB3] =	sst s9;
	s0 =	simm.s32 @!p0 $0x0  }
0x12: {  	s1 =	sld [smem:$0x3F99];
	s0 =	simm.s32 @p0 $0x1  }
0x13: {  	[smem:$0x3FB4] =	sst s0;
	s0 =	simm.s32 @!p1 $0x0  }
0x14: {  	s2 =	sld [smem:$0x3F98];
	s0 =	simm.s32 @p1 $0x1  }
0x15: {  	[smem:$0x3FB5] =	sst s0;
	s0 =	simm.s32 @!p2 $0x0  }
0x16: {  	s3 =	sld [smem:$0x3FDB];
	s0 =	simm.s32 @p2 $0x1  }
0x17: {  	s4 =	simm.s32 $0x1BF5;
	[smem:$0x3FB7] =	sst s0  }
0x18: {  	s0 =	sld [smem:$0x3F9A];
	_ =	swait.ge [sflag:s4], $0x0  }
0x19: {  	s7 =	sld [smem:$0x3F9B]  }
0x1a: {  	s8 =	sadd.s32 $0xFFFFE003, lr  }
0x1b: {  	s9 =	sadd.s32 $0xFFFFFEF7, lr;
	s5 =	simm.s32 $0xFFFFFFFF;
	p2 =	slt.u32 s8, $0xFFFFF086  }
0x1c: {  	p1 =	slt.u32 s9, $0xF7A;
	s5 =	simm.s32 @!p2 $0x0  }
0x1d: {  	s5 =	simm.s32 @p1 $0x1;
	p0 =	seq.s32 s7, s2  }
0x1e: {  	s7 =	smul.u32 @!p0 $0xF7A, s2;
	p2 =	seq.s32 @!p0 s5, $0x0  }
0x1f: {  	s9 =	smul.u32 $0xF7A, s1;
	s8 =	simm.s32 @!p0 $0x1BF5;
	p2 =	por !p2, p0  }
0x20: {  	[sflag:s8] =	ssyncset.s32 @!p0 $0xFFFFF086;
	s6 =	sadd.s32 @!p0 s3, s7;
	s7 =	simm.s32 @!p0 $0x108  }
0x21: {  	s3 =	sadd.s32 s3, s9;
	s6 =	sadd.s32 @!p0 $0x88, s6;
	s7 =	simm.s32 @p2 $0x1082  }
0x22: {  	[simem:s7], [sflag:s8] =	dma.local @!p0 [hbm:s6], $0xF7A  }
0x23: {  	s9 =	sor.u32 $0xD0000000, s2;
	s6 =	simm.s32 $0x108;
	_ =	swait.ge @!p0 [sflag:s8], $0x0  }
0x24: {  	s3 =	sadd.s32 $0x88, s3;
	s6 =	simm.s32 @!p1 $0x1082;
	[sflag:s4] =	ssyncset.s32 $0xFFFFF086  }
0x25: {  	[simem:s6], [sflag:s4] =	dma.local [hbm:s3], $0xF7A  }
0x26: {  	[smem:$0x3F9B] =	sst s1;
	(tag) =	ssettag s2;
	_ =	strace s9  }
0x27: {  	s1 =	sld [smem:$0x3FAB]  }
0x28: {  	s2 =	sld [smem:$0x3FAC]  }
0x29: {  	s4 =	sld [smem:$0x3FAE]  }
0x2a: {  	p0 =	seq.s32 s5, $0x0;
	s5 =	sld [smem:$0x3FAF]  }
0x2b: {  	s6 =	sld [smem:$0x3FB0]  }
0x2c: {  	s7 =	sld [smem:$0x3FB1]  }
0x2d: {  	s3 =	simm.s32 $0x108;
	s8 =	sld [smem:$0x3FB2]  }
0x2e: {  	s3 =	simm.s32 @!p0 $0x1082;
	s9 =	sld [smem:$0x3FB3]  }
0x2f: {  	lr =	sadd.s32 s0, s3;
	s0 =	sld [smem:$0x3FAA]  }
0x30: {  	s3 =	sld [smem:$0x3FAD]  }
0x31: {  	[smem:$0x3FB6] =	sst s10  }
0x32: {  	s10 =	sld [smem:$0x3FB4];
	_ =	sdelay $0x3  }
0x33: {  	p0 =	seq.s32 s10, $0x1;
	s10 =	sld [smem:$0x3FB6];
	_ =	sdelay $0x3  }
0x34: {  	[smem:$0x3FB6] =	sst s10  }
0x35: {  	s10 =	sld [smem:$0x3FB5];
	_ =	sdelay $0x3  }
0x36: {  	p1 =	seq.s32 s10, $0x1;
	s10 =	sld [smem:$0x3FB6];
	_ =	sdelay $0x3  }
0x37: {  	[smem:$0x3FB6] =	sst s10  }
0x38: {  	s10 =	sld [smem:$0x3FB7]  }
0x39: {  	_ = 	snop;
	(pc) =	sbr.ind lr, $3  }
0x3a: {  	_ = 	snop  }
0x3b: {  	_ = 	snop  }
0x3c: {  	p2 =	seq.s32 s10, $0x1;
	s10 =	sld [smem:$0x3FB6]  }
0x3d: {  	_ =	shalt  }
0x3e: {  	_ =	shalt  }
0x3f: {  	_ =	shalt  }
0x40: {  	_ =	shalt  }
0x41: {  	_ =	shalt  }
0x42: {  	_ =	shalt  }
0x43: {  	_ =	shalt  }
0x44: {  	_ =	shalt  }
0x45: {  	_ =	shalt  }
0x46: {  	_ =	shalt  }
0x47: {  	_ =	shalt  }
0x48: {  	_ =	shalt  }
0x49: {  	_ =	shalt  }
0x4a: {  	_ =	shalt  }
0x4b: {  	_ =	shalt  }
0x4c: {  	_ =	shalt  }
0x4d: {  	_ =	shalt  }
0x4e: {  	_ =	shalt  }
0x4f: {  	_ =	shalt  }
0x50: {  	_ =	shalt  }
0x51: {  	_ =	shalt  }
0x52: {  	_ =	shalt  }
0x53: {  	_ =	shalt  }
0x54: {  	_ =	shalt  }
0x55: {  	_ =	shalt  }
0x56: {  	_ =	shalt  }
0x57: {  	_ =	shalt  }
0x58: {  	_ =	shalt  }
0x59: {  	_ =	shalt  }
0x5a: {  	_ =	shalt  }
0x5b: {  	_ =	shalt  }
0x5c: {  	_ =	shalt  }
0x5d: {  	_ =	shalt  }
0x5e: {  	_ =	shalt  }
0x5f: {  	_ =	shalt  }
0x60: {  	_ =	shalt  }
0x61: {  	_ =	shalt  }
0x62: {  	_ =	shalt  }
0x63: {  	_ =	shalt  }
0x64: {  	_ =	shalt  }
0x65: {  	_ =	shalt  }
0x66: {  	_ =	shalt  }
0x67: {  	_ =	shalt  }
0x68: {  	_ =	shalt  }
0x69: {  	_ =	shalt  }
0x6a: {  	_ =	shalt  }
0x6b: {  	_ =	shalt  }
0x6c: {  	_ =	shalt  }
0x6d: {  	_ =	shalt  }
0x6e: {  	_ =	shalt  }
0x6f: {  	_ =	shalt  }
0x70: {  	_ =	shalt  }
0x71: {  	_ =	shalt  }
0x72: {  	_ =	shalt  }
0x73: {  	_ =	shalt  }
0x74: {  	_ =	shalt  }
0x75: {  	_ =	shalt  }
0x76: {  	_ =	shalt  }
0x77: {  	_ =	shalt  }
0x78: {  	_ =	shalt  }
0x79: {  	_ =	shalt  }
0x7a: {  	_ =	shalt  }
0x7b: {  	_ =	shalt  }
0x7c: {  	_ =	shalt  }
0x7d: {  	_ =	shalt  }
0x7e: {  	_ =	shalt  }
0x7f: {  	_ =	shalt  }
0x80: {  	_ =	shalt  }
0x81: {  	_ =	shalt  }
0x82: {  	_ =	shalt  }
0x83: {  	_ =	shalt  }
0x84: {  	_ =	shalt  }
0x85: {  	_ =	shalt  }
0x86: {  	_ =	shalt  }
0x87: {  	_ =	shalt  }
.Lfunc_end0:
.L_simem_size_0:
called_computation.2_lowered:
.L_overlay_start_0:
0x88: {  	s2 =	sld [smem:$0x3FD9]  }
0x89: {  	s3 =	sld [smem:$0x3FFE];
	_ =	sdelay $0x1  }
0x8a: {  	s1 =	srdreg.scid  }
0x8b: {  	s0 =	sand.u32 $0x1, s1  }
0x8c: {  	s17 =	sshll.u32 s0, $0xA;
	s2 =	sadd.s32 s3, s2  }
0x8d: {  	s2 =	sadd.s32 s2, s17  }
0x8e: {  	[smem:$0x3FC2] =	sst s2  }
0x8f: {  	_ = 	snop  }
0x90: {  	s2 =	sld [smem:$0x3FD0];
	(tm) =	ssettm $0x1  }
0x91: {  	s18 =	sld [smem:$0x3FFB];
	_ =	sdelay $0x3  }
0x92: {  	_ =	strace s18  }
0x93: {  	s3 =	sld [smem:$0x3FFC];
	_ =	sdelay $0x3  }
0x94: {  	_ =	strace s3  }
0x95: {  	s3 =	sld [smem:$0x3FFD];
	_ =	sdelay $0x3  }
0x96: {  	_ =	strace s3  }
0x97: {  	_ =	strace $0x8FFFFFFF  }
0x98: {  	s19 =	sld [smem:$0x3FDB];
	_ =	sdelay $0x1  }
0x99: {  	s4 =	simm.s32 $_scs_section_size  }
0x9a: {  	s5 =	simm.s32 $_size__tile_overlayer_lowered;
	s6 =	simm.s32 $_tile_overlayer_lowered  }
0x9b: {  	s22 =	simm.s32 $0x1BFF;
	s21 =	sshll.u32 s6, $0x1;
	s3 =	sadd.s32 s4, s19  }
0x9c: {  	s7 =	simm.s32 $0x0;
	s20 =	sshll.u32 s5, $0x1;
	s5 =	sadd.s32 s21, s3  }
0x9d: {  	[timem:s7], [sflag:s22] =	dma.local [hbm:s5], s20  }
0x9e: {  	_ =	swait.ge [sflag:s22], s20  }
0x9f: {  	s4 =	ssub.s32 $0x0, s20;
	[sflag:s22] =	ssyncset.done $0x0  }
0xa0: {  	[sflag:s22] =	ssyncadd.s32 s4;
	_ =	sdelay $0x1  }
0xa1: {  	s23 =	simm.s32 $0x1B8B  }
0xa2: {  	_ =	swait.ge [sflag:s23], $0x1  }
0xa3: {  	[sflag:s23] =	ssyncset.done $0x0  }
0xa4: {  	s25 =	simm.s32 $0x1B8E;
	s24 =	sld [smem:$0x3FFE];
	[sflag:s23] =	ssyncadd.s32 $0xFFFFFFFF  }
0xa5: {  	s26 =	simm.s32 $execute0_lowered;
	[smem:$0x3FD2] =	sst s25  }
0xa6: {  	s5 =	sshll.u32 s26, $0x1;
	_ =	strace $0x8000004C;
	[dreg:$0x1] =	wrdreg $0xFFFFFFFF  }
0xa7: {  	s28 =	simm.s32 $_size_execute0_lowered;
	s3 =	sadd.s32 s3, s5;
	[dreg:$0x0] =	wrdreg $0x0  }
0xa8: {  	s5 =	sshll.u32 s28, $0x1;
	[dreg:$0x2] =	wrdreg s3  }
0xa9: {  	[dreg:$0x3] =	wrdreg s5  }
0xaa: {  	[dreg:$0x4] =	wrdreg $0xC0  }
0xab: {  	_ =	task [dreg:s7], $0x5FFFF  }
0xac: {  	[dreg:$0x1] =	wrdreg $0xFFFFFFFF  }
0xad: {  	[dreg:$0x0] =	wrdreg $0x60  }
0xae: {  	[dreg:$0x2] =	wrdreg s24  }
0xaf: {  	[dreg:$0x3] =	wrdreg s2  }
0xb0: {  	[dreg:$0x4] =	wrdreg $0x104000  }
0xb1: {  	[dreg:$0x5] =	wrdreg $0x9  }
0xb2: {  	_ =	task.clear_ibuf [dreg:s7], $0x6FFFF;
	_ =	strace $0x9000004C  }
0xb3: {  	s29 =	simm.s32 $0x9;
	_ =	strace $0x8000004E  }
0xb4: {  	_ =	swait.ge [sflag:s29], $0x1  }
0xb5: {  	[sflag:s29] =	ssyncadd.s32 $0xFFFFFFFF  }
0xb6: {  	_ =	strace $0x9000004E  }
0xb7: {  	_ =	sfence  }
0xb8: {  	s30 =	sld [smem:$0x0];
	_ =	sdelay $0x2  }
0xb9: {  	s31 =	sshll.u32 s1, $0xD;
	s1 =	sshrl.u32 s1, $0x2  }
0xba: {  	s3 =	sand.u32 $0x4000, s31;
	s1 =	sadd.s32 s1, s30  }
0xbb: {  	s0 =	sor.u32 s3, s0;
	s1 =	sshll.u32 s1, $0x11  }
0xbc: {  	s0 =	sor.u32 s1, s0  }
0xbd: {  	s0 =	sadd.s32 $0x8F2B, s0  }
0xbe: {  	[sflag:s0] =	ssyncadd.remote.s32 $0x1  }
0xbf: {  	_ =	sfence.sel $0xFFFF  }
0xc0: {  	[dreg:$0x0] =	wrdreg $0xFFFFFFFF;
	(pc) =	sbr.abs _section_cstart, $3  }
0xc1: {  	[dreg:$0x1] =	wrdreg $0xFFFFFFFF  }
0xc2: {  	_ =	task.clear_ibuf [dreg:s7], $0x2FFFF;
	_ =	strace $0x9FFFFFFF  }
0xc3: {  	(tm) =	ssettm $0x7FFFFFFF  }
tec
execute0_lowered:
.L_overlay_start_1:
0x0: {  	(tag) =	ssettag $0x1  }
0x1: {  	s0 =	rddreg [dreg:$0x0]  }
0x2: {  	s1 =	rddreg [dreg:$0x1]  }
0x3: {  	s2 =	rddreg [dreg:$0x2]  }
0x4: {  	s4 =	srdreg.scid;
	s11 =	stileid.u32;
	s3 =	simm.s32 $0x0  }
0x5: {  	s20 =	simm.s32 $0xF800;
	s21 =	simm.s32 $0x6;
	s22 =	simm.s32 $0x4C00  }
0x6: {  	s29 =	simm.s32 $0xC800;
	s31 =	simm.s32 $0xE000;
	s6 =	smul.u32 $0x98, s11  }
0x7: {  	s30 =	simm.s32 $0x5;
	s28 =	simm.s32 $0x4;
	s9 =	smul.u32 $0x7800, s11  }
0x8: {  	s5 =	sand.u32 $0x1, s4;
	s10 =	sshll.u32 s11, $0x3;
	s11 =	smul.u32 $0x1E000, s11  }
0x9: {  	[smem:$0x7FF] =	sst s3;
	s4 =	sadd.s32 $0x33C00, s0;
	s7 =	smul.u32 $0x78000, s5  }
0xa: {  	p0 =	seq.s32 s5, $0x0;
	s8 =	sor.u32 $0x980, s10;
	s5 =	ssub.s32 $0x2, s5  }
0xb: {  	_ =	strace $0x8000004D;
	s8 =	smov.u32 @p0 s6;
	s10 =	sshrl.u32 s5, $0x1  }
0xc: {  	s13 =	sshrl.u32 s11, $0x2;
	s14 =	sadd.s32 s9, s2;
	s6 =	sshll.u32 s8, $0x4  }
0xd: {  	s7 =	sadd.s32 s9, s7;
	s5 =	ssub.s32 s5, s10;
	s10 =	sadd.s32 s13, s2  }
0xe: {  	s8 =	sadd.s32 s6, s0;
	s7 =	sshrl.u32 s7, $0x3;
	s1 =	sadd.s32 s1, s6  }
0xf: {  	s5 =	smax.u32 s5, $0x1;
	s23 =	sadd.s32 $0x1800, s10;
	s24 =	sadd.s32 $0x2400, s10  }
0x10: {  	s25 =	sadd.s32 $0x3000, s10;
	s15 =	sadd.s32 $0x3C00, s10;
	[dreg:$0x6] =	wrdreg s1  }
0x11: {  	s16 =	sadd.s32 $0x4800, s10;
	s17 =	sadd.s32 $0x5400, s10;
	[dreg:$0x8] =	wrdreg s5  }
0x12: {  	s18 =	sadd.s32 $0x6000, s10;
	s19 =	sadd.s32 $0x6C00, s10;
	[dreg:$0xa] =	wrdreg s23  }
0x13: {  	s0 =	sadd.s32 s7, s0;
	s12 =	sadd.s32 $0x2000, s8;
	[dreg:$0xb] =	wrdreg s24  }
0x14: {  	s7 =	simm.s32 $0x4C;
	[dreg:$0xc] =	wrdreg s25;
	s23 =	simm.s32 $0x80  }
0x15: {  	s24 =	simm.s32 $0x9800;
	s25 =	sshrl.u32 s14, $0x3;
	s1 =	simm.s32 $0x2  }
0x16: {  	[dreg:$0x5] =	wrdreg s12;
	s7 =	simm.s32 @!p0 $0x4;
	s0 =	sadd.s32 $0x42800, s0  }
0x17: {  	[dreg:$0x7] =	wrdreg s0;
	s0 =	sadd.s32 $0xC00, s10;
	s26 =	sshll.u32 s7, $0xA  }
0x18: {  	s5 =	simm.s32 $0x3;
	[dreg:$0x9] =	wrdreg s0;
	s0 =	sadd.s32 $0xFFFFF800, s26  }
0x19: {  	v0 =	vimm.f32 $0.0e+00;
	s26 =	simm.s32 $0xB000;
	[dreg:$0x4] =	wrdreg s0;
	s0 =	simm.s32 $0x1  }
.LBB2_1:
0x1a: {  	s6 =	simm.s32 $0xC0;
	s8 =	simm.s32 $0x0  }
.LBB2_2:
0x1b: {  	p0 =	sne.s32 s6, $0x2F40;
	[tilespmem:s8+$0xF820] =	vst v0;
	s9 =	smov.u32 s6;
	s6 =	sadd.s32 $0xC0, s6  }
.Ltmp0:
0x1c: {  	[tilespmem:s8+$0xF800] =	vst v0;
	(pc) =	sbr.rel @p0 .LBB2_2-.Ltmp0, $2  }
0x1d: {  	[tilespmem:s8+$0xF810] =	vst v0;
	_ =	sdelay $0x2  }
0x1e: {  	s8 =	sshra.s32 s9, $0x2  }
0x1f: {  	[tilespmem:s8+$0xF820] =	vst v0  }
0x20: {  	[tilespmem:s8+$0xF800] =	vst v0  }
0x21: {  	[tilespmem:s8+$0xF810] =	vst v0  }
0x22: {  	[spmem:s10] =	stream.linear.scatter [tilespmem:s20], [sflag:$0x6], $0xC00, $0x38;
	[tilespmem:$0x17C00] =	vst v63  }
0x23: {  	_ =	swait.ge [sflag:s21], $0xC00  }
0x24: {  	[sflag:s21] =	ssyncset.done $0x0  }
0x25: {  	s6 =	rddreg [dreg:$0x9];
	[sflag:s21] =	ssyncadd.s32 $0xFFFFF400  }
0x26: {  	[spmem:s6] =	stream.linear.scatter [tilespmem:s20], [sflag:$0x6], $0xC00, $0x38;
	[tilespmem:$0x17C00] =	vst v63  }
0x27: {  	_ =	swait.ge [sflag:s21], $0xC00  }
0x28: {  	[sflag:s21] =	ssyncset.done $0x0  }
0x29: {  	s8 =	rddreg [dreg:$0xa];
	[sflag:s21] =	ssyncadd.s32 $0xFFFFF400  }
0x2a: {  	[spmem:s8] =	stream.linear.scatter [tilespmem:s20], [sflag:$0x6], $0xC00, $0x38;
	[tilespmem:$0x17C00] =	vst v63  }
0x2b: {  	_ =	swait.ge [sflag:s21], $0xC00  }
0x2c: {  	[sflag:s21] =	ssyncset.done $0x0  }
0x2d: {  	s9 =	rddreg [dreg:$0xb];
	[sflag:s21] =	ssyncadd.s32 $0xFFFFF400  }
0x2e: {  	[spmem:s9] =	stream.linear.scatter [tilespmem:s20], [sflag:$0x6], $0xC00, $0x38;
	[tilespmem:$0x17C00] =	vst v63  }
0x2f: {  	_ =	swait.ge [sflag:s21], $0xC00  }
0x30: {  	[sflag:s21] =	ssyncset.done $0x0  }
0x31: {  	s11 =	rddreg [dreg:$0xc];
	[sflag:s21] =	ssyncadd.s32 $0xFFFFF400  }
0x32: {  	[spmem:s11] =	stream.linear.scatter [tilespmem:s20], [sflag:$0x6], $0xC00, $0x38;
	[tilespmem:$0x17C00] =	vst v63  }
0x33: {  	_ =	swait.ge [sflag:s21], $0xC00  }
0x34: {  	[sflag:s21] =	ssyncset.done $0x0  }
0x35: {  	[sflag:s21] =	ssyncadd.s32 $0xFFFFF400  }
0x36: {  	[spmem:s15] =	stream.linear.scatter [tilespmem:s20], [sflag:$0x6], $0xC00, $0x38;
	[tilespmem:$0x17C00] =	vst v63  }
0x37: {  	_ =	swait.ge [sflag:s21], $0xC00  }
0x38: {  	[sflag:s21] =	ssyncset.done $0x0  }
0x39: {  	[sflag:s21] =	ssyncadd.s32 $0xFFFFF400  }
0x3a: {  	[spmem:s16] =	stream.linear.scatter [tilespmem:s20], [sflag:$0x6], $0xC00, $0x38;
	[tilespmem:$0x17C00] =	vst v63  }
0x3b: {  	_ =	swait.ge [sflag:s21], $0xC00  }
0x3c: {  	[sflag:s21] =	ssyncset.done $0x0  }
0x3d: {  	[sflag:s21] =	ssyncadd.s32 $0xFFFFF400  }
0x3e: {  	[spmem:s17] =	stream.linear.scatter [tilespmem:s20], [sflag:$0x6], $0xC00, $0x38;
	[tilespmem:$0x17C00] =	vst v63  }
0x3f: {  	_ =	swait.ge [sflag:s21], $0xC00  }
0x40: {  	[sflag:s21] =	ssyncset.done $0x0  }
0x41: {  	[sflag:s21] =	ssyncadd.s32 $0xFFFFF400  }
0x42: {  	[spmem:s18] =	stream.linear.scatter [tilespmem:s20], [sflag:$0x6], $0xC00, $0x38;
	[tilespmem:$0x17C00] =	vst v63  }
0x43: {  	_ =	swait.ge [sflag:s21], $0xC00  }
0x44: {  	[sflag:s21] =	ssyncset.done $0x0  }
0x45: {  	[sflag:s21] =	ssyncadd.s32 $0xFFFFF400  }
0x46: {  	[spmem:s19] =	stream.linear.scatter [tilespmem:s20], [sflag:$0x6], $0xC00, $0x38;
	[tilespmem:$0x17C00] =	vst v63  }
0x47: {  	_ =	swait.ge [sflag:s21], $0xC00  }
0x48: {  	[sflag:s21] =	ssyncset.done $0x0  }
0x49: {  	[sflag:s21] =	ssyncadd.s32 $0xFFFFF400  }
0x4a: {  	[bflag:$0x0] =	sbarrier.arrive $0xFFFF  }
0x4b: {  	s6 =	simm.s32 $0x0;
	s12 =	rddreg [dreg:$0x5]  }
0x4c: {  	[tilespmem:s6], [sflag:$0x6] =	stream.linear.gather [hbm4b:s12+s6], $0x4C00, $0x38;
	[tilespmem:$0x17C00] =	vst v63  }
0x4d: {  	_ =	swait.ge [sflag:s21], $0x4C00  }
0x4e: {  	[sflag:s21] =	ssyncset.done $0x0  }
0x4f: {  	s13 =	rddreg [dreg:$0x6];
	[sflag:s21] =	ssyncadd.s32 $0xFFFFB400  }
0x50: {  	[tilespmem:s22], [sflag:$0x6] =	stream.linear.gather [hbm4b:s13+s6], $0x4C00, $0x38;
	[tilespmem:$0x17C00] =	vst v63  }
0x51: {  	_ =	swait.ge [sflag:s21], $0x4C00  }
0x52: {  	[sflag:s21] =	ssyncset.done $0x0  }
0x53: {  	[sflag:s21] =	ssyncadd.s32 $0xFFFFB400  }
0x54: {  	[tilespmem:s24], [sflag:$0x1] =	stream.indirect.gather [hbm4b:s4+s23], $0x30, s6, s23, $0xb8;
	[tilespmem:$0x17C00] =	vst v63  }
0x55: {  	_ = 	snop  }
0x56: {  	[tilespmem:s26], [sflag:$0x2] =	stream.indirect.gather [hbm4b:s4+s23], $0x30, s23, s23, $0xb8;
	[tilespmem:$0x17C00] =	vst v63  }
0x57: {  	s14 =	simm.s32 $0x100  }
0x58: {  	[tilespmem:s29], [sflag:$0x3] =	stream.indirect.gather [hbm4b:s4+s23], $0x30, s14, s23, $0xb8;
	[tilespmem:$0x17C00] =	vst v63  }
0x59: {  	s9 =	simm.s32 $0x180  }
0x5a: {  	[tilespmem:s31], [sflag:$0x4] =	stream.indirect.gather [hbm4b:s4+s23], $0x30, s9, s23, $0xb8;
	[tilespmem:$0x17C00] =	vst v63  }
0x5b: {  	_ =	swait.ge [sflag:s0], $0x1800  }
0x5c: {  	[sflag:s0] =	ssyncset.done $0x0  }
0x5d: {  	[sflag:s0] =	ssyncadd.s32 $0xFFFFE800  }
0x5e: {  	[spmem:s2] =	stream.indirect.scatter.add.f32 [tilespmem:s24], [sflag:$0x5], $0x30, s22, s23, $0xb8;
	[tilespmem:$0x17C00] =	vst v63  }
0x5f: {  	_ =	swait.ge [sflag:s1], $0x1800  }
0x60: {  	[sflag:s1] =	ssyncset.done $0x0  }
0x61: {  	s11 =	simm.s32 $0x4C80;
	[sflag:s1] =	ssyncadd.s32 $0xFFFFE800  }
0x62: {  	[spmem:s2] =	stream.indirect.scatter.add.f32 [tilespmem:s26], [sflag:$0x5], $0x30, s11, s23, $0xb8;
	[tilespmem:$0x17C00] =	vst v63  }
0x63: {  	_ =	swait.ge [sflag:s30], $0x1800  }
0x64: {  	[sflag:s30] =	ssyncset.done $0x0  }
0x65: {  	[sflag:s30] =	ssyncadd.s32 $0xFFFFE800  }
0x66: {  	_ =	swait.ge [sflag:s30], $0x1800  }
0x67: {  	[sflag:s30] =	ssyncset.done $0x0  }
0x68: {  	s12 =	simm.s32 $0x200;
	[sflag:s30] =	ssyncadd.s32 $0xFFFFE800  }
0x69: {  	[tilespmem:s24], [sflag:$0x1] =	stream.indirect.gather [hbm4b:s4+s23], $0x30, s12, s23, $0xb8;
	[tilespmem:$0x17C00] =	vst v63  }
0x6a: {  	s8 =	simm.s32 $0x3;
	s13 =	simm.s32 $0x280  }
0x6b: {  	[tilespmem:s26], [sflag:$0x2] =	stream.indirect.gather [hbm4b:s4+s23], $0x30, s13, s23, $0xb8;
	[tilespmem:$0x17C00] =	vst v63  }
0x6c: {  	_ =	swait.ge [sflag:s8], $0x1800  }
0x6d: {  	[sflag:s8] =	ssyncset.done $0x0  }
0x6e: {  	s9 =	simm.s32 $0x4D00;
	[sflag:s8] =	ssyncadd.s32 $0xFFFFE800  }
0x6f: {  	[spmem:s2] =	stream.indirect.scatter.add.f32 [tilespmem:s29], [sflag:$0x5], $0x30, s9, s23, $0xb8;
	[tilespmem:$0x17C00] =	vst v63  }
0x70: {  	_ =	swait.ge [sflag:s28], $0x1800  }
0x71: {  	[sflag:s28] =	ssyncset.done $0x0  }
0x72: {  	s14 =	simm.s32 $0x4D80;
	[sflag:s28] =	ssyncadd.s32 $0xFFFFE800  }
0x73: {  	[spmem:s2] =	stream.indirect.scatter.add.f32 [tilespmem:s31], [sflag:$0x5], $0x30, s14, s23, $0xb8;
	[tilespmem:$0x17C00] =	vst v63  }
.LBB2_4:
0x74: {  	_ =	swait.ge [sflag:s30], $0x1800  }
0x75: {  	[sflag:s30] =	ssyncset.done $0x0  }
0x76: {  	[sflag:s30] =	ssyncadd.s32 $0xFFFFE800  }
0x77: {  	p0 =	sge.u32 s8, s7;
	_ =	swait.ge [sflag:s30], $0x1800  }
0x78: {  	s9 =	sshra.s32 @!p0 s6, $0x2;
	s12 =	simm.s32 @!p0 $0x80;
	[sflag:s30] =	ssyncset.done $0x0  }
0x79: {  	s13 =	simm.s32 @!p0 $0xC800;
	s11 =	sadd.s32 @!p0 $0x300, s9;
	[sflag:s30] =	ssyncadd.s32 $0xFFFFE800  }
0x7a: {  	[tilespmem:s13], [sflag:$0x3] =	stream.indirect.gather @!p0 [hbm4b:s4+s12], $0x30, s11, s12, $0xb8;
	[tilespmem:$0x17C00] =	vst v63  }
0x7b: {  	s9 =	sadd.s32 @!p0 $0x380, s9;
	s11 =	simm.s32 @!p0 $0xE000  }
0x7c: {  	[tilespmem:s11], [sflag:$0x4] =	stream.indirect.gather @!p0 [hbm4b:s4+s12], $0x30, s9, s12, $0xb8;
	[tilespmem:$0x17C00] =	vst v63  }
0x7d: {  	_ =	swait.ge [sflag:s0], $0x1800  }
0x7e: {  	s9 =	sshra.s32 s6, $0x2;
	[sflag:s0] =	ssyncset.done $0x0  }
0x7f: {  	s13 =	sadd.s32 $0x4E00, s9;
	[sflag:s0] =	ssyncadd.s32 $0xFFFFE800  }
0x80: {  	[spmem:s2] =	stream.indirect.scatter.add.f32 [tilespmem:s24], [sflag:$0x5], $0x30, s13, s23, $0xb8;
	[tilespmem:$0x17C00] =	vst v63  }
0x81: {  	_ =	swait.ge [sflag:s1], $0x1800  }
0x82: {  	[sflag:s1] =	ssyncset.done $0x0  }
0x83: {  	s14 =	sadd.s32 $0x4E80, s9;
	[sflag:s1] =	ssyncadd.s32 $0xFFFFE800  }
0x84: {  	[spmem:s2] =	stream.indirect.scatter.add.f32 [tilespmem:s26], [sflag:$0x5], $0x30, s14, s23, $0xb8;
	[tilespmem:$0x17C00] =	vst v63  }
0x85: {  	_ =	swait.ge [sflag:s30], $0x1800  }
0x86: {  	s12 =	sadd.s32 $0x1, s8;
	[sflag:s30] =	ssyncset.done $0x0  }
0x87: {  	p0 =	sge.u32 s12, s7;
	[sflag:s30] =	ssyncadd.s32 $0xFFFFE800  }
0x88: {  	s11 =	sshra.s32 @!p0 s6, $0x2;
	_ =	swait.ge [sflag:s30], $0x1800  }
0x89: {  	s12 =	sadd.s32 @!p0 $0x400, s11;
	[sflag:s30] =	ssyncset.done $0x0  }
0x8a: {  	s13 =	simm.s32 @!p0 $0x80;
	s14 =	simm.s32 @!p0 $0x9800;
	[sflag:s30] =	ssyncadd.s32 $0xFFFFE800  }
0x8b: {  	[tilespmem:s14], [sflag:$0x1] =	stream.indirect.gather @!p0 [hbm4b:s4+s13], $0x30, s12, s13, $0xb8;
	[tilespmem:$0x17C00] =	vst v63  }
0x8c: {  	s11 =	sadd.s32 @!p0 $0x480, s11;
	s12 =	simm.s32 @!p0 $0xB000  }
0x8d: {  	[tilespmem:s12], [sflag:$0x2] =	stream.indirect.gather @!p0 [hbm4b:s4+s13], $0x30, s11, s13, $0xb8;
	[tilespmem:$0x17C00] =	vst v63  }
0x8e: {  	_ =	swait.ge [sflag:s5], $0x1800  }
0x8f: {  	[sflag:s5] =	ssyncset.done $0x0  }
0x90: {  	s13 =	sadd.s32 $0x4F00, s9;
	[sflag:s5] =	ssyncadd.s32 $0xFFFFE800  }
0x91: {  	[spmem:s2] =	stream.indirect.scatter.add.f32 [tilespmem:s29], [sflag:$0x5], $0x30, s13, s23, $0xb8;
	[tilespmem:$0x17C00] =	vst v63  }
0x92: {  	_ =	swait.ge [sflag:s28], $0x1800  }
0x93: {  	s6 =	sadd.s32 $0x800, s6;
	s14 =	rddreg [dreg:$0x4]  }
0x94: {  	p0 =	sne.s32 s14, s6  }
.Ltmp1:
0x95: {  	_ = 	snop;
	(pc) =	sbr.rel @p0 .LBB2_4-.Ltmp1, $4  }
0x96: {  	_ = 	snop  }
0x97: {  	[sflag:s28] =	ssyncset.done $0x0  }
0x98: {  	s8 =	sadd.s32 $0x2, s8;
	s9 =	sadd.s32 $0x4F80, s9;
	[sflag:s28] =	ssyncadd.s32 $0xFFFFE800  }
0x99: {  	[spmem:s2] =	stream.indirect.scatter.add.f32 [tilespmem:s31], [sflag:$0x5], $0x30, s9, s23, $0xb8;
	[tilespmem:$0x17C00] =	vst v63  }
0x9a: {  	_ =	swait.ge [sflag:s30], $0x1800  }
0x9b: {  	[sflag:s30] =	ssyncset.done $0x0  }
0x9c: {  	[sflag:s30] =	ssyncadd.s32 $0xFFFFE800  }
0x9d: {  	_ =	swait.ge [sflag:s30], $0x1800  }
0x9e: {  	[sflag:s30] =	ssyncset.done $0x0  }
0x9f: {  	s6 =	stileid.u32;
	[sflag:s30] =	ssyncadd.s32 $0xFFFFE800  }
0xa0: {  	s6 =	sshll.u32 s6, $0x6;
	[bflag:$0x0] =	sbarrier.arrive $0xFFFF  }
0xa1: {  	s6 =	sor.u32 $0x1C06, s6;
	s8 =	rddreg [dreg:$0x7]  }
0xa2: {  	[hbm:s8], [sflag:s6] =	dma.local [spmem:s25], $0xF00  }
0xa3: {  	_ =	swait.ge [sflag:s21], $0xF00  }
0xa4: {  	s3 =	sadd.s32 $0x1, s3;
	s14 =	rddreg [dreg:$0x8]  }
0xa5: {  	p0 =	sne.s32 s3, s14  }
.Ltmp2:
0xa6: {  	_ = 	snop;
	(pc) =	sbr.rel @p0 .LBB2_1-.Ltmp2, $3  }
0xa7: {  	_ =	sdelay $0x1  }
0xa8: {  	[sflag:s21] =	ssyncset.done $0x0  }
0xa9: {  	[sflag:s21] =	ssyncadd.s32 $0xFFFFF100  }
0xaa: {  	_ =	sfence.sel $0x180000  }
0xab: {  	[bflag:$0x0] =	sbarrier.arrive $0xFFFF  }
0xac: {  	_ =	strace $0x9000004D  }
0xad: {  	s0 =	stileid.u32;
	[bflag:$0x2] =	sbarrier.arrive $0xFFFF  }
0xae: {  	p0 =	sne.s32 s0, $0x0;
	s0 =	rddreg [dreg:$0x3]  }
0xaf: {  	s0 =	sadd.s32 @!p0 $0x100000, s0  }
0xb0: {  	[sflag:s0] =	ssyncadd.tile.s32 @!p0 $0x1;
	_ =	shalt  }
.Lfunc_end2:
_tile_overlayer_lowered:
.L_overlay_start_2:
0xb1: {  	(tag) =	ssettag $0x2  }
0xb2: {  	s0 =	rddreg [dreg:$0x0];
	s2 =	stileid.u32  }
0xb3: {  	s1 =	rddreg [dreg:$0x1];
	p0 =	sne.s32 s2, $0x0  }
0xb4: {  	s3 =	rddreg [dreg:$0x2];
	[bflag:$0x3] =	sbarrier.arrive $0xFFFF;
	s2 =	simm.s32 @!p0 $0x1C06  }
0xb5: {  	[timem:s3], [sflag:s2] =	dma.local @!p0 [hbm:s0], s1  }
0xb6: {  	s0 =	simm.s32 @!p0 $0x6  }
0xb7: {  	_ =	swait.ge @!p0 [sflag:s0], s1  }
0xb8: {  	s1 =	ssub.s32 @!p0 $0x0, s1;
	[sflag:s0] =	ssyncset.done @!p0 $0x0  }
0xb9: {  	[sflag:s0] =	ssyncadd.s32 @!p0 s1  }
0xba: {  	[bflag:$0x3] =	sbarrier.arrive $0xFFFF  }
0xbb: {  	_ =	shalt  }

// kernel: kernel.8.cloned.1.call-start
scs
__scs_entry_jumppad:
0x0: {  	(pc) =	sbr.rel $0x88, $3  }
0x1: {  	(tag) =	ssettag $0x0;
	lr =	simm.s32 $0x1  }
0x2: {  	[smem:$0x3F9B] =	sst lr;
	_ =	strace $0xD0000000  }
0x3: {  	_ = 	snop  }
0x4: {  	_ = 	snop  }
0x5: {  	_ = 	snop  }
0x6: {  	_ = 	snop  }
0x7: {  	_ = 	snop  }
__scs_overlays_trampoline_lowered:
0x8: {  	[smem:$0x3FAA] =	sst s0  }
0x9: {  	[smem:$0x3FAB] =	sst s1  }
0xa: {  	[smem:$0x3FAC] =	sst s2  }
0xb: {  	[smem:$0x3FAD] =	sst s3  }
0xc: {  	[smem:$0x3FAE] =	sst s4  }
0xd: {  	[smem:$0x3FAF] =	sst s5  }
0xe: {  	[smem:$0x3FB0] =	sst s6  }
0xf: {  	[smem:$0x3FB1] =	sst s7  }
0x10: {  	[smem:$0x3FB2] =	sst s8  }
0x11: {  	[smem:$0x3FB3] =	sst s9;
	s0 =	simm.s32 @!p0 $0x0  }
0x12: {  	s1 =	sld [smem:$0x3F99];
	s0 =	simm.s32 @p0 $0x1  }
0x13: {  	[smem:$0x3FB4] =	sst s0;
	s0 =	simm.s32 @!p1 $0x0  }
0x14: {  	s2 =	sld [smem:$0x3F98];
	s0 =	simm.s32 @p1 $0x1  }
0x15: {  	[smem:$0x3FB5] =	sst s0;
	s0 =	simm.s32 @!p2 $0x0  }
0x16: {  	s3 =	sld [smem:$0x3FDB];
	s0 =	simm.s32 @p2 $0x1  }
0x17: {  	s4 =	simm.s32 $0x1BF5;
	[smem:$0x3FB7] =	sst s0  }
0x18: {  	s0 =	sld [smem:$0x3F9A];
	_ =	swait.ge [sflag:s4], $0x0  }
0x19: {  	s7 =	sld [smem:$0x3F9B]  }
0x1a: {  	s8 =	sadd.s32 $0xFFFFE003, lr  }
0x1b: {  	s9 =	sadd.s32 $0xFFFFFEF7, lr;
	s5 =	simm.s32 $0xFFFFFFFF;
	p2 =	slt.u32 s8, $0xFFFFF086  }
0x1c: {  	p1 =	slt.u32 s9, $0xF7A;
	s5 =	simm.s32 @!p2 $0x0  }
0x1d: {  	s5 =	simm.s32 @p1 $0x1;
	p0 =	seq.s32 s7, s2  }
0x1e: {  	s7 =	smul.u32 @!p0 $0xF7A, s2;
	p2 =	seq.s32 @!p0 s5, $0x0  }
0x1f: {  	s9 =	smul.u32 $0xF7A, s1;
	s8 =	simm.s32 @!p0 $0x1BF5;
	p2 =	por !p2, p0  }
0x20: {  	[sflag:s8] =	ssyncset.s32 @!p0 $0xFFFFF086;
	s6 =	sadd.s32 @!p0 s3, s7;
	s7 =	simm.s32 @!p0 $0x108  }
0x21: {  	s3 =	sadd.s32 s3, s9;
	s6 =	sadd.s32 @!p0 $0x88, s6;
	s7 =	simm.s32 @p2 $0x1082  }
0x22: {  	[simem:s7], [sflag:s8] =	dma.local @!p0 [hbm:s6], $0xF7A  }
0x23: {  	s9 =	sor.u32 $0xD0000000, s2;
	s6 =	simm.s32 $0x108;
	_ =	swait.ge @!p0 [sflag:s8], $0x0  }
0x24: {  	s3 =	sadd.s32 $0x88, s3;
	s6 =	simm.s32 @!p1 $0x1082;
	[sflag:s4] =	ssyncset.s32 $0xFFFFF086  }
0x25: {  	[simem:s6], [sflag:s4] =	dma.local [hbm:s3], $0xF7A  }
0x26: {  	[smem:$0x3F9B] =	sst s1;
	(tag) =	ssettag s2;
	_ =	strace s9  }
0x27: {  	s1 =	sld [smem:$0x3FAB]  }
0x28: {  	s2 =	sld [smem:$0x3FAC]  }
0x29: {  	s4 =	sld [smem:$0x3FAE]  }
0x2a: {  	p0 =	seq.s32 s5, $0x0;
	s5 =	sld [smem:$0x3FAF]  }
0x2b: {  	s6 =	sld [smem:$0x3FB0]  }
0x2c: {  	s7 =	sld [smem:$0x3FB1]  }
0x2d: {  	s3 =	simm.s32 $0x108;
	s8 =	sld [smem:$0x3FB2]  }
0x2e: {  	s3 =	simm.s32 @!p0 $0x1082;
	s9 =	sld [smem:$0x3FB3]  }
0x2f: {  	lr =	sadd.s32 s0, s3;
	s0 =	sld [smem:$0x3FAA]  }
0x30: {  	s3 =	sld [smem:$0x3FAD]  }
0x31: {  	[smem:$0x3FB6] =	sst s10  }
0x32: {  	s10 =	sld [smem:$0x3FB4];
	_ =	sdelay $0x3  }
0x33: {  	p0 =	seq.s32 s10, $0x1;
	s10 =	sld [smem:$0x3FB6];
	_ =	sdelay $0x3  }
0x34: {  	[smem:$0x3FB6] =	sst s10  }
0x35: {  	s10 =	sld [smem:$0x3FB5];
	_ =	sdelay $0x3  }
0x36: {  	p1 =	seq.s32 s10, $0x1;
	s10 =	sld [smem:$0x3FB6];
	_ =	sdelay $0x3  }
0x37: {  	[smem:$0x3FB6] =	sst s10  }
0x38: {  	s10 =	sld [smem:$0x3FB7]  }
0x39: {  	_ = 	snop;
	(pc) =	sbr.ind lr, $3  }
0x3a: {  	_ = 	snop  }
0x3b: {  	_ = 	snop  }
0x3c: {  	p2 =	seq.s32 s10, $0x1;
	s10 =	sld [smem:$0x3FB6]  }
0x3d: {  	_ =	shalt  }
0x3e: {  	_ =	shalt  }
0x3f: {  	_ =	shalt  }
0x40: {  	_ =	shalt  }
0x41: {  	_ =	shalt  }
0x42: {  	_ =	shalt  }
0x43: {  	_ =	shalt  }
0x44: {  	_ =	shalt  }
0x45: {  	_ =	shalt  }
0x46: {  	_ =	shalt  }
0x47: {  	_ =	shalt  }
0x48: {  	_ =	shalt  }
0x49: {  	_ =	shalt  }
0x4a: {  	_ =	shalt  }
0x4b: {  	_ =	shalt  }
0x4c: {  	_ =	shalt  }
0x4d: {  	_ =	shalt  }
0x4e: {  	_ =	shalt  }
0x4f: {  	_ =	shalt  }
0x50: {  	_ =	shalt  }
0x51: {  	_ =	shalt  }
0x52: {  	_ =	shalt  }
0x53: {  	_ =	shalt  }
0x54: {  	_ =	shalt  }
0x55: {  	_ =	shalt  }
0x56: {  	_ =	shalt  }
0x57: {  	_ =	shalt  }
0x58: {  	_ =	shalt  }
0x59: {  	_ =	shalt  }
0x5a: {  	_ =	shalt  }
0x5b: {  	_ =	shalt  }
0x5c: {  	_ =	shalt  }
0x5d: {  	_ =	shalt  }
0x5e: {  	_ =	shalt  }
0x5f: {  	_ =	shalt  }
0x60: {  	_ =	shalt  }
0x61: {  	_ =	shalt  }
0x62: {  	_ =	shalt  }
0x63: {  	_ =	shalt  }
0x64: {  	_ =	shalt  }
0x65: {  	_ =	shalt  }
0x66: {  	_ =	shalt  }
0x67: {  	_ =	shalt  }
0x68: {  	_ =	shalt  }
0x69: {  	_ =	shalt  }
0x6a: {  	_ =	shalt  }
0x6b: {  	_ =	shalt  }
0x6c: {  	_ =	shalt  }
0x6d: {  	_ =	shalt  }
0x6e: {  	_ =	shalt  }
0x6f: {  	_ =	shalt  }
0x70: {  	_ =	shalt  }
0x71: {  	_ =	shalt  }
0x72: {  	_ =	shalt  }
0x73: {  	_ =	shalt  }
0x74: {  	_ =	shalt  }
0x75: {  	_ =	shalt  }
0x76: {  	_ =	shalt  }
0x77: {  	_ =	shalt  }
0x78: {  	_ =	shalt  }
0x79: {  	_ =	shalt  }
0x7a: {  	_ =	shalt  }
0x7b: {  	_ =	shalt  }
0x7c: {  	_ =	shalt  }
0x7d: {  	_ =	shalt  }
0x7e: {  	_ =	shalt  }
0x7f: {  	_ =	shalt  }
0x80: {  	_ =	shalt  }
0x81: {  	_ =	shalt  }
0x82: {  	_ =	shalt  }
0x83: {  	_ =	shalt  }
0x84: {  	_ =	shalt  }
0x85: {  	_ =	shalt  }
0x86: {  	_ =	shalt  }
0x87: {  	_ =	shalt  }
.Lfunc_end0:
.L_simem_size_0:
called_computation_lowered:
.L_overlay_start_0:
0x88: {  	s2 =	sld [smem:$0x3FD9]  }
0x89: {  	s3 =	sld [smem:$0x3FFE];
	_ =	sdelay $0x1  }
0x8a: {  	s1 =	srdreg.scid  }
0x8b: {  	s0 =	sand.u32 $0x1, s1  }
0x8c: {  	s17 =	sshll.u32 s0, $0xA;
	s2 =	sadd.s32 s3, s2  }
0x8d: {  	s2 =	sadd.s32 s2, s17  }
0x8e: {  	[smem:$0x3FC2] =	sst s2  }
0x8f: {  	_ = 	snop  }
0x90: {  	s2 =	sld [smem:$0x3FD0];
	(tm) =	ssettm $0x1  }
0x91: {  	s18 =	sld [smem:$0x3FFB];
	_ =	sdelay $0x3  }
0x92: {  	_ =	strace s18  }
0x93: {  	s3 =	sld [smem:$0x3FFC];
	_ =	sdelay $0x3  }
0x94: {  	_ =	strace s3  }
0x95: {  	s3 =	sld [smem:$0x3FFD];
	_ =	sdelay $0x3  }
0x96: {  	_ =	strace s3  }
0x97: {  	_ =	strace $0x8FFFFFFF  }
0x98: {  	s19 =	sld [smem:$0x3FDB];
	_ =	sdelay $0x1  }
0x99: {  	s4 =	simm.s32 $_scs_section_size  }
0x9a: {  	s5 =	simm.s32 $_size__tile_overlayer_lowered;
	s6 =	simm.s32 $_tile_overlayer_lowered  }
0x9b: {  	s22 =	simm.s32 $0x1BFF;
	s21 =	sshll.u32 s6, $0x1;
	s3 =	sadd.s32 s4, s19  }
0x9c: {  	s7 =	simm.s32 $0x0;
	s20 =	sshll.u32 s5, $0x1;
	s5 =	sadd.s32 s21, s3  }
0x9d: {  	[timem:s7], [sflag:s22] =	dma.local [hbm:s5], s20  }
0x9e: {  	_ =	swait.ge [sflag:s22], s20  }
0x9f: {  	s4 =	ssub.s32 $0x0, s20;
	[sflag:s22] =	ssyncset.done $0x0  }
0xa0: {  	[sflag:s22] =	ssyncadd.s32 s4;
	_ =	sdelay $0x1  }
0xa1: {  	s23 =	simm.s32 $0x1B8B  }
0xa2: {  	_ =	swait.ge [sflag:s23], $0x1  }
0xa3: {  	[sflag:s23] =	ssyncset.done $0x0  }
0xa4: {  	s25 =	simm.s32 $0x1B8E;
	s24 =	sld [smem:$0x3FFE];
	[sflag:s23] =	ssyncadd.s32 $0xFFFFFFFF  }
0xa5: {  	s26 =	simm.s32 $execute0_lowered;
	[smem:$0x3FD2] =	sst s25  }
0xa6: {  	s5 =	sshll.u32 s26, $0x1;
	_ =	strace $0x80000046;
	[dreg:$0x1] =	wrdreg $0xFFFFFFFF  }
0xa7: {  	s28 =	simm.s32 $_size_execute0_lowered;
	s3 =	sadd.s32 s3, s5;
	[dreg:$0x0] =	wrdreg $0x0  }
0xa8: {  	s5 =	sshll.u32 s28, $0x1;
	[dreg:$0x2] =	wrdreg s3  }
0xa9: {  	[dreg:$0x3] =	wrdreg s5  }
0xaa: {  	[dreg:$0x4] =	wrdreg $0xC0  }
0xab: {  	_ =	task [dreg:s7], $0x5FFFF  }
0xac: {  	[dreg:$0x1] =	wrdreg $0xFFFFFFFF  }
0xad: {  	[dreg:$0x0] =	wrdreg $0x60  }
0xae: {  	[dreg:$0x2] =	wrdreg s2  }
0xaf: {  	[dreg:$0x3] =	wrdreg s24  }
0xb0: {  	[dreg:$0x4] =	wrdreg $0x3C000  }
0xb1: {  	[dreg:$0x5] =	wrdreg $0x9  }
0xb2: {  	_ =	task.clear_ibuf [dreg:s7], $0x6FFFF;
	_ =	strace $0x90000046  }
0xb3: {  	s29 =	simm.s32 $0x9;
	_ =	strace $0x80000048  }
0xb4: {  	_ =	swait.ge [sflag:s29], $0x1  }
0xb5: {  	[sflag:s29] =	ssyncadd.s32 $0xFFFFFFFF  }
0xb6: {  	_ =	strace $0x90000048  }
0xb7: {  	_ =	sfence  }
0xb8: {  	s30 =	sld [smem:$0x0];
	_ =	sdelay $0x2  }
0xb9: {  	s31 =	sshll.u32 s1, $0xD;
	s1 =	sshrl.u32 s1, $0x2  }
0xba: {  	s3 =	sand.u32 $0x4000, s31;
	s1 =	sadd.s32 s1, s30  }
0xbb: {  	s0 =	sor.u32 s3, s0;
	s1 =	sshll.u32 s1, $0x11  }
0xbc: {  	s0 =	sor.u32 s1, s0  }
0xbd: {  	s0 =	sadd.s32 $0x8F2B, s0  }
0xbe: {  	[sflag:s0] =	ssyncadd.remote.s32 $0x1  }
0xbf: {  	_ =	sfence.sel $0xFFFF  }
0xc0: {  	[dreg:$0x0] =	wrdreg $0xFFFFFFFF;
	(pc) =	sbr.abs _section_cstart, $3  }
0xc1: {  	[dreg:$0x1] =	wrdreg $0xFFFFFFFF  }
0xc2: {  	_ =	task.clear_ibuf [dreg:s7], $0x2FFFF;
	_ =	strace $0x9FFFFFFF  }
0xc3: {  	(tm) =	ssettm $0x7FFFFFFF  }
tec
execute0_lowered:
.L_overlay_start_1:
0x0: {  	(tag) =	ssettag $0x1  }
0x1: {  	s0 =	rddreg [dreg:$0x0]  }
0x2: {  	s1 =	rddreg [dreg:$0x1];
	s3 =	srdreg.scid  }
0x3: {  	s2 =	rddreg [dreg:$0x2];
	s11 =	stileid.u32  }
0x4: {  	s19 =	simm.s32 $0x2;
	s20 =	simm.s32 $0x3800;
	s21 =	simm.s32 $0x80  }
0x5: {  	s22 =	simm.s32 $0x3000;
	s28 =	simm.s32 $0x280;
	s9 =	smul.u32 $0x2800, s11  }
0x6: {  	s29 =	simm.s32 $0x300;
	s30 =	simm.s32 $0x380;
	s7 =	smul.u32 $0x60, s11  }
0x7: {  	s5 =	sand.u32 $0x1, s3;
	s3 =	simm.s32 $0x0;
	s24 =	smul.u32 $0xA000, s11  }
0x8: {  	s31 =	simm.s32 $0x1;
	s4 =	smul.u32 $0x28000, s5;
	[smem:$0x7FF] =	sst s3  }
0x9: {  	s8 =	ssub.s32 $0x2, s5;
	p0 =	seq.s32 s5, $0x0;
	_ =	strace $0x80000047  }
0xa: {  	s10 =	sshrl.u32 s8, $0x1;
	s25 =	sshrl.u32 s24, $0x2;
	s26 =	sadd.s32 s9, s2  }
0xb: {  	s24 =	simm.s32 $0x180;
	s4 =	sadd.s32 s9, s4;
	s10 =	ssub.s32 s8, s10  }
0xc: {  	s6 =	sshrl.u32 s4, $0x3;
	s4 =	sshll.u32 s11, $0x6;
	s9 =	smax.u32 s10, $0x1  }
0xd: {  	s5 =	sadd.s32 $0x600, s4;
	s1 =	sadd.s32 s6, s1;
	s6 =	simm.s32 $0x58  }
0xe: {  	s5 =	smov.u32 @p0 s7;
	s7 =	sadd.s32 s25, s2;
	s6 =	simm.s32 @!p0 $0x38  }
0xf: {  	s8 =	sadd.s32 $0xCA00, s1;
	s25 =	sshrl.u32 s26, $0x3;
	s26 =	simm.s32 $0x200  }
0x10: {  	s5 =	sshll.u32 s5, $0x4;
	s10 =	sadd.s32 $0x400, s7;
	s11 =	sadd.s32 $0x800, s7  }
0x11: {  	s12 =	sadd.s32 $0xC00, s7;
	s13 =	sadd.s32 $0x1000, s7;
	s14 =	sadd.s32 $0x1400, s7  }
0x12: {  	s15 =	sadd.s32 $0x1800, s7;
	s16 =	sadd.s32 $0x1C00, s7;
	s17 =	sadd.s32 $0x2000, s7  }
0x13: {  	v0 =	vimm.f32 $1.000000000e+00;
	v1 =	vimm.f32 $0.0e+00;
	s18 =	sadd.s32 $0x2400, s7;
	s5 =	sadd.s32 s0, s5;
	s0 =	simm.s32 $0x0  }
.LBB2_1:
0x14: {  	[tilespmem:s3], [sflag:$0x2] =	stream.linear.gather [hbm4b:s5+s3], $0x3000, $0x38;
	[tilespmem:$0x6400] =	vst v63  }
0x15: {  	_ =	swait.ge [sflag:s19], $0x3000  }
0x16: {  	[sflag:s19] =	ssyncset.done $0x0  }
0x17: {  	s1 =	simm.s32 $0x0;
	[sflag:s19] =	ssyncadd.s32 $0xFFFFD000  }
.LBB2_2:
0x18: {  	p0 =	sne.s32 s1, $0x1FC0  }
.Ltmp0:
0x19: {  	_ = 	snop;
	(pc) =	sbr.rel @p0 .LBB2_2-.Ltmp0, $3  }
0x1a: {  	_ =	sdelay $0x1  }
0x1b: {  	s23 =	sshra.s32 s1, $0x2  }
0x1c: {  	s1 =	sadd.s32 $0x40, s1;
	[tilespmem:s23+$0x3000] =	vst v0  }
0x1d: {  	s1 =	simm.s32 $0x40;
	s23 =	simm.s32 $0x0  }
.LBB2_4:
0x1e: {  	p0 =	sne.s32 s1, $0xFC0;
	[tilespmem:s23+$0x3800] =	vst v1;
	s23 =	smov.u32 s1;
	s1 =	sadd.s32 $0x40, s1  }
.Ltmp1:
0x1f: {  	(pc) =	sbr.rel @p0 .LBB2_4-.Ltmp1, $2  }
0x20: {  	_ =	sdelay $0x2  }
0x21: {  	s23 =	sshra.s32 s23, $0x2  }
0x22: {  	[tilespmem:s23+$0x3800] =	vst v1  }
0x23: {  	[spmem:s7] =	stream.linear.scatter [tilespmem:s20], [sflag:$0x2], $0x400, $0x38;
	[tilespmem:$0x6400] =	vst v63  }
0x24: {  	_ =	swait.ge [sflag:s19], $0x400  }
0x25: {  	[sflag:s19] =	ssyncset.done $0x0  }
0x26: {  	[sflag:s19] =	ssyncadd.s32 $0xFFFFFC00  }
0x27: {  	[spmem:s10] =	stream.linear.scatter [tilespmem:s20], [sflag:$0x2], $0x400, $0x38;
	[tilespmem:$0x6400] =	vst v63  }
0x28: {  	_ =	swait.ge [sflag:s19], $0x400  }
0x29: {  	[sflag:s19] =	ssyncset.done $0x0  }
0x2a: {  	[sflag:s19] =	ssyncadd.s32 $0xFFFFFC00  }
0x2b: {  	[spmem:s11] =	stream.linear.scatter [tilespmem:s20], [sflag:$0x2], $0x400, $0x38;
	[tilespmem:$0x6400] =	vst v63  }
0x2c: {  	_ =	swait.ge [sflag:s19], $0x400  }
0x2d: {  	[sflag:s19] =	ssyncset.done $0x0  }
0x2e: {  	[sflag:s19] =	ssyncadd.s32 $0xFFFFFC00  }
0x2f: {  	[spmem:s12] =	stream.linear.scatter [tilespmem:s20], [sflag:$0x2], $0x400, $0x38;
	[tilespmem:$0x6400] =	vst v63  }
0x30: {  	_ =	swait.ge [sflag:s19], $0x400  }
0x31: {  	[sflag:s19] =	ssyncset.done $0x0  }
0x32: {  	[sflag:s19] =	ssyncadd.s32 $0xFFFFFC00  }
0x33: {  	[spmem:s13] =	stream.linear.scatter [tilespmem:s20], [sflag:$0x2], $0x400, $0x38;
	[tilespmem:$0x6400] =	vst v63  }
0x34: {  	_ =	swait.ge [sflag:s19], $0x400  }
0x35: {  	[sflag:s19] =	ssyncset.done $0x0  }
0x36: {  	[sflag:s19] =	ssyncadd.s32 $0xFFFFFC00  }
0x37: {  	[spmem:s14] =	stream.linear.scatter [tilespmem:s20], [sflag:$0x2], $0x400, $0x38;
	[tilespmem:$0x6400] =	vst v63  }
0x38: {  	_ =	swait.ge [sflag:s19], $0x400  }
0x39: {  	[sflag:s19] =	ssyncset.done $0x0  }
0x3a: {  	[sflag:s19] =	ssyncadd.s32 $0xFFFFFC00  }
0x3b: {  	[spmem:s15] =	stream.linear.scatter [tilespmem:s20], [sflag:$0x2], $0x400, $0x38;
	[tilespmem:$0x6400] =	vst v63  }
0x3c: {  	_ =	swait.ge [sflag:s19], $0x400  }
0x3d: {  	[sflag:s19] =	ssyncset.done $0x0  }
0x3e: {  	[sflag:s19] =	ssyncadd.s32 $0xFFFFFC00  }
0x3f: {  	[spmem:s16] =	stream.linear.scatter [tilespmem:s20], [sflag:$0x2], $0x400, $0x38;
	[tilespmem:$0x6400] =	vst v63  }
0x40: {  	_ =	swait.ge [sflag:s19], $0x400  }
0x41: {  	[sflag:s19] =	ssyncset.done $0x0  }
0x42: {  	[sflag:s19] =	ssyncadd.s32 $0xFFFFFC00  }
0x43: {  	[spmem:s17] =	stream.linear.scatter [tilespmem:s20], [sflag:$0x2], $0x400, $0x38;
	[tilespmem:$0x6400] =	vst v63  }
0x44: {  	_ =	swait.ge [sflag:s19], $0x400  }
0x45: {  	[sflag:s19] =	ssyncset.done $0x0  }
0x46: {  	[sflag:s19] =	ssyncadd.s32 $0xFFFFFC00  }
0x47: {  	[spmem:s18] =	stream.linear.scatter [tilespmem:s20], [sflag:$0x2], $0x400, $0x38;
	[tilespmem:$0x6400] =	vst v63  }
0x48: {  	_ =	swait.ge [sflag:s19], $0x400  }
0x49: {  	[sflag:s19] =	ssyncset.done $0x0  }
0x4a: {  	[sflag:s19] =	ssyncadd.s32 $0xFFFFFC00  }
0x4b: {  	[bflag:$0x0] =	sbarrier.arrive $0xFFFF  }
0x4c: {  	[spmem:s2] =	stream.indirect.scatter.add.f32 [tilespmem:s22], [sflag:$0x1], $0x10, s3, s21, $0xb8;
	[tilespmem:$0x6400] =	vst v63  }
0x4d: {  	_ = 	snop  }
0x4e: {  	[spmem:s2] =	stream.indirect.scatter.add.f32 [tilespmem:s22], [sflag:$0x1], $0x10, s21, s21, $0xb8;
	[tilespmem:$0x6400] =	vst v63  }
0x4f: {  	s1 =	simm.s32 $0x100  }
0x50: {  	[spmem:s2] =	stream.indirect.scatter.add.f32 [tilespmem:s22], [sflag:$0x1], $0x10, s1, s21, $0xb8;
	[tilespmem:$0x6400] =	vst v63  }
0x51: {  	_ = 	snop  }
0x52: {  	[spmem:s2] =	stream.indirect.scatter.add.f32 [tilespmem:s22], [sflag:$0x1], $0x10, s24, s21, $0xb8;
	[tilespmem:$0x6400] =	vst v63  }
0x53: {  	_ = 	snop  }
0x54: {  	[spmem:s2] =	stream.indirect.scatter.add.f32 [tilespmem:s22], [sflag:$0x1], $0x10, s26, s21, $0xb8;
	[tilespmem:$0x6400] =	vst v63  }
0x55: {  	_ = 	snop  }
0x56: {  	[spmem:s2] =	stream.indirect.scatter.add.f32 [tilespmem:s22], [sflag:$0x1], $0x10, s28, s21, $0xb8;
	[tilespmem:$0x6400] =	vst v63  }
0x57: {  	_ = 	snop  }
0x58: {  	[spmem:s2] =	stream.indirect.scatter.add.f32 [tilespmem:s22], [sflag:$0x1], $0x10, s29, s21, $0xb8;
	[tilespmem:$0x6400] =	vst v63  }
0x59: {  	p0 =	sne.s32 s6, $0x1  }
0x5a: {  	[spmem:s2] =	stream.indirect.scatter.add.f32 [tilespmem:s22], [sflag:$0x1], $0x10, s30, s21, $0xb8;
	[tilespmem:$0x6400] =	vst v63  }
.Ltmp2:
0x5b: {  	_ = 	snop;
	(pc) =	sbr.rel @!p0 .LBB2_7-.Ltmp2, $4  }
0x5c: {  	_ =	swait.ge [sflag:s31], $0x800  }
0x5d: {  	[sflag:s31] =	ssyncset.done $0x0  }
0x5e: {  	s23 =	sadd.s32 $0xFFFFFFFF, s6;
	s1 =	simm.s32 $0x400;
	[sflag:s31] =	ssyncadd.s32 $0xFFFFF800  }
0x5f: {  	[spmem:s2] =	stream.indirect.scatter.add.f32 [tilespmem:s22], [sflag:$0x1], $0x10, s1, s21, $0xb8;
	[tilespmem:$0x6400] =	vst v63  }
.LBB2_6:
0x60: {  	_ =	swait.ge [sflag:s31], $0x800;
	p0 =	sne.s32 s23, $0x1  }
.Ltmp3:
0x61: {  	(pc) =	sbr.rel @p0 .LBB2_6-.Ltmp3, $4  }
0x62: {  	_ = 	snop  }
0x63: {  	s1 =	sadd.s32 $0x80, s1;
	[sflag:s31] =	ssyncset.done $0x0  }
0x64: {  	s23 =	sadd.s32 $0xFFFFFFFF, s23;
	[sflag:s31] =	ssyncadd.s32 $0xFFFFF800  }
0x65: {  	[spmem:s2] =	stream.indirect.scatter.add.f32 [tilespmem:s22], [sflag:$0x1], $0x10, s1, s21, $0xb8;
	[tilespmem:$0x6400] =	vst v63  }
.LBB2_7:
0x66: {  	_ =	swait.ge [sflag:s31], $0x800  }
0x67: {  	[sflag:s31] =	ssyncset.done $0x0  }
0x68: {  	[sflag:s31] =	ssyncadd.s32 $0xFFFFF800  }
0x69: {  	_ =	swait.ge [sflag:s31], $0x800  }
0x6a: {  	[sflag:s31] =	ssyncset.done $0x0  }
0x6b: {  	[sflag:s31] =	ssyncadd.s32 $0xFFFFF800  }
0x6c: {  	_ =	swait.ge [sflag:s31], $0x800  }
0x6d: {  	[sflag:s31] =	ssyncset.done $0x0  }
0x6e: {  	[sflag:s31] =	ssyncadd.s32 $0xFFFFF800  }
0x6f: {  	_ =	swait.ge [sflag:s31], $0x800  }
0x70: {  	[sflag:s31] =	ssyncset.done $0x0  }
0x71: {  	[sflag:s31] =	ssyncadd.s32 $0xFFFFF800  }
0x72: {  	_ =	swait.ge [sflag:s31], $0x800  }
0x73: {  	[sflag:s31] =	ssyncset.done $0x0  }
0x74: {  	[sflag:s31] =	ssyncadd.s32 $0xFFFFF800  }
0x75: {  	_ =	swait.ge [sflag:s31], $0x800  }
0x76: {  	[sflag:s31] =	ssyncset.done $0x0  }
0x77: {  	[sflag:s31] =	ssyncadd.s32 $0xFFFFF800  }
0x78: {  	_ =	swait.ge [sflag:s31], $0x800  }
0x79: {  	[sflag:s31] =	ssyncset.done $0x0  }
0x7a: {  	[sflag:s31] =	ssyncadd.s32 $0xFFFFF800  }
0x7b: {  	_ =	swait.ge [sflag:s31], $0x800  }
0x7c: {  	s0 =	sadd.s32 $0x1, s0;
	[sflag:s31] =	ssyncset.done $0x0  }
0x7d: {  	p0 =	sne.s32 s0, s9;
	[sflag:s31] =	ssyncadd.s32 $0xFFFFF800  }
.Ltmp4:
0x7e: {  	s1 =	sor.u32 $0x1C02, s4;
	[bflag:$0x0] =	sbarrier.arrive $0xFFFF;
	(pc) =	sbr.rel @p0 .LBB2_1-.Ltmp4, $4  }
0x7f: {  	[hbm:s8], [sflag:s1] =	dma.local [spmem:s25], $0x500  }
0x80: {  	_ =	swait.ge [sflag:s19], $0x500  }
0x81: {  	[sflag:s19] =	ssyncset.done $0x0  }
0x82: {  	[sflag:s19] =	ssyncadd.s32 $0xFFFFFB00  }
0x83: {  	_ =	sfence.sel $0x180000  }
0x84: {  	[bflag:$0x0] =	sbarrier.arrive $0xFFFF  }
0x85: {  	_ =	strace $0x90000047  }
0x86: {  	s0 =	stileid.u32;
	[bflag:$0x2] =	sbarrier.arrive $0xFFFF  }
0x87: {  	p0 =	sne.s32 s0, $0x0;
	s0 =	rddreg [dreg:$0x3]  }
0x88: {  	s0 =	sadd.s32 @!p0 $0x100000, s0  }
0x89: {  	[sflag:s0] =	ssyncadd.tile.s32 @!p0 $0x1;
	_ =	shalt  }
.Lfunc_end2:
_tile_overlayer_lowered:
.L_overlay_start_2:
0x8a: {  	(tag) =	ssettag $0x2  }
0x8b: {  	s0 =	rddreg [dreg:$0x0];
	s2 =	stileid.u32  }
0x8c: {  	s1 =	rddreg [dreg:$0x1];
	p0 =	sne.s32 s2, $0x0  }
0x8d: {  	s3 =	rddreg [dreg:$0x2];
	[bflag:$0x3] =	sbarrier.arrive $0xFFFF;
	s2 =	simm.s32 @!p0 $0x1C02  }
0x8e: {  	[timem:s3], [sflag:s2] =	dma.local @!p0 [hbm:s0], s1  }
0x8f: {  	s0 =	simm.s32 @!p0 $0x2  }
0x90: {  	_ =	swait.ge @!p0 [sflag:s0], s1  }
0x91: {  	s1 =	ssub.s32 @!p0 $0x0, s1;
	[sflag:s0] =	ssyncset.done @!p0 $0x0  }
0x92: {  	[sflag:s0] =	ssyncadd.s32 @!p0 s1  }
0x93: {  	[bflag:$0x3] =	sbarrier.arrive $0xFFFF  }
0x94: {  	_ =	shalt  }

</sc_bundles>
